<compile_context>
chip_gen: v7x
topology: tpu7x:2x2x1
jax: 0.10.2.dev20260603
libtpu: 0.0.44.dev20260713+nightly
codegen_flags: <defaults>
</compile_context>

<pallas_src>
import functools

import jax
import jax.numpy as jnp
from jax import lax
from jax.experimental import pallas as pl
from jax.experimental.pallas import tpu as pltpu
from jax.experimental.pallas import tpu_sc as plsc

_B = 4096
_S = 200
_D = 64
_NW = 32
_BB = _B // _NW
_DT = _D // 8
_EPS = 1e-08


def _dec_body(lens_ref, dec_ref):
    s = pl.program_id(0)
    m = jnp.where(lens_ref[...] > s, jnp.float32(1.0 + _EPS),
                  jnp.float32(_EPS))
    dec_ref[...] = jnp.broadcast_to(m[None, None, :, None, :],
                                    (1, _DT, _NW, 8, 128))


def _feeder_body(tokens_h, lens_h, emb_h, x_h, ts_h,
                 tk_v, len_v, lens_full_v, ts_v,
                 g0_v, g1_v, xt0_v, xt1_v,
                 col_v, dh_v, i1_v,
                 gsem, xsem):
    cid = lax.axis_index("c")
    sid = lax.axis_index("s")
    wid = cid * 16 + sid
    b0 = wid * _BB

    pltpu.sync_copy(tokens_h.at[:, pl.ds(b0, _BB)], tk_v)
    pltpu.sync_copy(lens_h.at[pl.ds(b0, _BB)], len_v)

    @pl.when(wid == 0)
    def _():
        pltpu.sync_copy(lens_h, lens_full_v.at[pl.ds(0, _B)])

        def mx(i, acc):
            return jnp.maximum(acc, lens_full_v[pl.ds(i * 16, 16)])

        m = lax.fori_loop(0, _B // 16, mx, jnp.zeros((16,), jnp.int32))
        m = jnp.minimum(m, _S)
        mm = m[0]
        for j in range(1, 16):
            mm = jnp.maximum(mm, m[j])
        ts_v[:] = jnp.full((16,), mm, jnp.int32)
        pltpu.sync_copy(ts_v, ts_h)

    iota = lax.iota(jnp.int32, 16)
    lens_k = [len_v[pl.ds(k * 16, 16)] for k in range(8)]

    def tbl_body(j, carry):
        a = jnp.bitwise_and(iota + j, 15)
        for kd in range(4):
            jk = j * 4 + kd
            d = a + kd * 16
            col_v[jk, pl.ds(0, 16)] = d
            dh_v[jk, pl.ds(0, 16)] = jnp.right_shift(d, 3)
            i1_v[jk, pl.ds(0, 16)] = (
                jnp.left_shift(jnp.bitwise_and(d, 7), 7) + iota)
        return carry

    lax.fori_loop(0, 16, tbl_body, 0)

    def issue_gather(s, g_v):
        pltpu.async_copy(emb_h.at[tk_v.at[s]], g_v, gsem)

    def wait_gather(s, g_v):
        pltpu.make_async_copy(emb_h.at[tk_v.at[s]], g_v, gsem).wait()

    def process(s, g_v, xt_v):
        ms = [jnp.where(lens_k[k] > s, jnp.float32(1.0), jnp.float32(0.0))
              for k in range(8)]

        @plsc.parallel_loop(0, 64, 1, unroll=2, carry=tuple(ms))
        def jk_body(jk, carry):
            col = col_v[jk, pl.ds(0, 16)]
            dh = dh_v[jk, pl.ds(0, 16)]
            i1 = i1_v[jk, pl.ds(0, 16)]
            for kb in range(8):
                row = iota + (kb * 16)
                v = plsc.load_gather(g_v, [row, col])
                inner = i1 + (kb * 16)
                plsc.store_scatter(xt_v, [dh, inner], v * carry[kb])
            return carry

        for dh in range(_DT):
            pltpu.async_copy(xt_v.at[dh], x_h.at[s, dh, wid], xsem)

    def drain_outputs(s):
        for dh in range(_DT):
            for _ in range(2):
                pltpu.make_async_copy(xt0_v.at[dh], x_h.at[s, dh, wid],
                                      xsem).wait()

    issue_gather(0, g0_v)

    def pair_body(j, carry):
        s0 = 2 * j
        s1 = s0 + 1
        issue_gather(s1, g1_v)

        @pl.when(j > 0)
        def _():
            drain_outputs(s0)

        wait_gather(s0, g0_v)
        process(s0, g0_v, xt0_v)

        @pl.when(j < _S // 2 - 1)
        def _():
            issue_gather(s0 + 2, g0_v)

        wait_gather(s1, g1_v)
        process(s1, g1_v, xt1_v)
        return carry

    lax.fori_loop(0, _S // 2, pair_body, 0)
    drain_outputs(0)


def kernel(tokens, row_lengths, max_sequence_length, embeddings):
    del max_sequence_length
    tk = tokens.T

    feeder = pl.kernel(
        _feeder_body,
        out_type=(
            jax.ShapeDtypeStruct((_S, _DT, _NW, 1024), jnp.float32),
            jax.ShapeDtypeStruct((16,), jnp.int32),
        ),
        mesh=plsc.VectorSubcoreMesh(core_axis_name="c", subcore_axis_name="s"),
        compiler_params=pltpu.CompilerParams(use_tc_tiling_on_sc=False,
                                             needs_layout_passes=False),
        scratch_types=[
            pltpu.VMEM((_S, _BB), jnp.int32),
            pltpu.VMEM((_BB,), jnp.int32),
            pltpu.VMEM((_B + 16,), jnp.int32),
            pltpu.VMEM((16,), jnp.int32),
            pltpu.VMEM((_BB, _D), jnp.float32),
            pltpu.VMEM((_BB, _D), jnp.float32),
            pltpu.VMEM((_DT, 1024), jnp.float32),
            pltpu.VMEM((_DT, 1024), jnp.float32),
            pltpu.VMEM((64, 16), jnp.int32),
            pltpu.VMEM((64, 16), jnp.int32),
            pltpu.VMEM((64, 16), jnp.int32),
            pltpu.SemaphoreType.DMA,
            pltpu.SemaphoreType.DMA,
        ],
    )
    xo, ts = feeder(tk, row_lengths, embeddings)

    dec5 = pl.pallas_call(
        _dec_body,
        grid=(_S,),
        in_specs=[pl.BlockSpec((_NW, 128), lambda s: (0, 0))],
        out_specs=pl.BlockSpec((1, _DT, _NW, 8, 128),
                               lambda s: (s, 0, 0, 0, 0)),
        out_shape=jax.ShapeDtypeStruct((_S, _DT, _NW, 8, 128), jnp.float32),
    )(row_lengths.reshape(_NW, 128))

    xo = xo.reshape(_S, _DT, _NW, 8, 128)
    x = xo.transpose(2, 4, 0, 1, 3).reshape(_B, _S, _D)
    dec = dec5.transpose(2, 4, 0, 1, 3).reshape(_B, _S, _D)
    return (x, dec, ts[0])

# --- scband reference (transcript-rebuilt; emitter-appended) ---
"""Pipeline reference for scband-input-feeder-62921270886593 (READ-ONLY COPY).

The authoritative reference and input builder live on the scoring server;
editing this copy changes nothing except your own understanding.
"""

import jax, jax.numpy as jnp
import numpy as np

VOCAB = 100000
NUM_LABELS = VOCAB + 1  # len(token_hash) + 1 (default/OOV bucket)
EMB_DIMS = 64
BATCH = 4096
MAX_SEQ = 200


def setup_inputs(seed: int = 0) -> dict:
    key = jax.random.key(seed)
    k1, k2, k3 = jax.random.split(key, 3)
    # Ragged token sequences modeled as a dense [B, MAX_SEQ] id tensor plus
    # per-row lengths. The StaticHashTable string->id lookup is modeled as
    # identity: tokens are already hashed to in-vocab integer ids.
    tokens = jax.random.randint(k1, (BATCH, MAX_SEQ), 0, VOCAB, dtype=jnp.int32)
    row_lengths = jax.random.randint(k2, (BATCH,), 1, MAX_SEQ + 1, dtype=jnp.int32)
    embeddings = jax.random.uniform(k3, (NUM_LABELS, EMB_DIMS), minval=-1.0, maxval=1.0, dtype=jnp.float32)
    return {
        "tokens": tokens,
        "row_lengths": row_lengths,
        "max_sequence_length": MAX_SEQ,
        "embeddings": embeddings,
    }


def reference(tokens, row_lengths, max_sequence_length, embeddings):
    epsilon = 1e-08
    emb_dims = embeddings.shape[-1]
    static_max_sequence_length = tokens.shape[1]
    # table.lookup on flat values -> identity (ids already in-vocab)
    hashed = tokens[:, :static_max_sequence_length]
    seq_lengths = jnp.minimum(row_lengths, max_sequence_length)
    time_steps = jnp.max(seq_lengths).astype(jnp.int32)
    # embedding lookup on ragged flat values == gather then mask invalid slots
    x = jnp.take(embeddings, hashed, axis=0)  # [B, S, D]
    pos = jnp.arange(static_max_sequence_length, dtype=jnp.int32)[None, :]
    seq_mask = (pos < seq_lengths[:, None]).astype(jnp.float32)  # [B, S]
    # RaggedTensor.to_tensor() zero-pads up to time_steps, then the explicit
    # zeros-concat pads up to max_sequence_length; combined == zero-mask.
    x = x * seq_mask[:, :, None]
    dec_mask = jnp.tile(seq_mask[:, :, None], (1, 1, emb_dims)) + epsilon
    return x, dec_mask, time_steps

if __name__ == "__main__":
    import jax
    _d = setup_inputs()
    print(jax.jit(kernel)(*tuple(_d.values())))

</pallas_src>

<mosaic_0001>
#map = affine_map<(d0, d1) -> (0, 0)>
#map1 = affine_map<(d0, d1) -> (0)>
#map2 = affine_map<(d0, d1) -> (0, 0, 0, 0)>
module attributes {stable_mosaic.version = 14 : i64} {
  func.func @_feeder_body(%arg0: i32, %arg1: i32, %arg2: memref<200x4096xi32, #tpu.memory_space<hbm>>, %arg3: memref<4096xi32, #tpu.memory_space<hbm>>, %arg4: memref<100001x64xf32, #tpu.memory_space<hbm>>, %arg5: memref<200x8x32x1024xf32, #tpu.memory_space<hbm>>, %arg6: memref<16xi32, #tpu.memory_space<hbm>>, %arg7: memref<200x128xi32, #tpu.memory_space<vmem>>, %arg8: memref<128xi32, #tpu.memory_space<vmem>>, %arg9: memref<4112xi32, #tpu.memory_space<vmem>>, %arg10: memref<16xi32, #tpu.memory_space<vmem>>, %arg11: memref<128x64xf32, #tpu.memory_space<vmem>>, %arg12: memref<128x64xf32, #tpu.memory_space<vmem>>, %arg13: memref<8x1024xf32, #tpu.memory_space<vmem>>, %arg14: memref<8x1024xf32, #tpu.memory_space<vmem>>, %arg15: memref<64x16xi32, #tpu.memory_space<vmem>>, %arg16: memref<64x16xi32, #tpu.memory_space<vmem>>, %arg17: memref<64x16xi32, #tpu.memory_space<vmem>>, %arg18: memref<!tpu.dma_semaphore, #tpu.memory_space<semaphore_mem>>, %arg19: memref<!tpu.dma_semaphore, #tpu.memory_space<semaphore_mem>>) attributes {dimension_semantics = [#tpu.dimension_semantics<core_parallel>, #tpu.dimension_semantics<subcore_parallel>], iteration_bounds = array<i64: 2, 16>, scalar_prefetch = 0 : i64, scratch_operands = 13 : i64, tpu.core_type = #tpu.core_type<sc_vector_subcore>, window_params = [{transform_indices = #map}, {transform_indices = #map1}, {transform_indices = #map}, {transform_indices = #map2}, {transform_indices = #map1}]} {
    %mul3A = arith.constant 16 : i32
    %mul3A_0 = arith.muli %arg0, %mul3A : i32
    %add3A = arith.addi %mul3A_0, %arg1 : i32
    %mul3A_1 = arith.constant 128 : i32
    %mul3A_2 = arith.muli %add3A, %mul3A_1 : i32
    "tpu.region"() ({
      %run_scoped3A = tpu.sem_alloc : memref<!tpu.dma_semaphore, #tpu.memory_space<semaphore_mem>>
      %dma_start3A_276 = arith.constant 0 : i32
      %dma_start3A_277 = tpu.memref_slice %arg2[%dma_start3A_276, %mul3A_2] : memref<200x4096xi32, #tpu.memory_space<hbm>> -> memref<200x128xi32, #tpu.memory_space<hbm>>
      %dma_start3A_278 = arith.constant 0 : i32
      %dma_start3A_279 = tpu.memref_slice %arg2[%dma_start3A_278, %mul3A_2] : memref<200x4096xi32, #tpu.memory_space<hbm>> -> memref<200x128xi32, #tpu.memory_space<hbm>>
      tpu.enqueue_dma source(%dma_start3A_279 : memref<200x128xi32, #tpu.memory_space<hbm>>) target(%arg7 : memref<200x128xi32, #tpu.memory_space<vmem>>) target_semaphore(%run_scoped3A : memref<!tpu.dma_semaphore, #tpu.memory_space<semaphore_mem>>)
      %dma_wait3A_280 = arith.constant 0 : i32
      %dma_wait3A_281 = tpu.memref_slice %arg2[%dma_wait3A_280, %mul3A_2] : memref<200x4096xi32, #tpu.memory_space<hbm>> -> memref<200x128xi32, #tpu.memory_space<hbm>>
      %dma_wait3A_282 = arith.constant 0 : i32
      %dma_wait3A_283 = tpu.memref_slice %arg2[%dma_wait3A_282, %mul3A_2] : memref<200x4096xi32, #tpu.memory_space<hbm>> -> memref<200x128xi32, #tpu.memory_space<hbm>>
      tpu.wait_dma2 semaphore(%run_scoped3A : memref<!tpu.dma_semaphore, #tpu.memory_space<semaphore_mem>>) src(%dma_wait3A_283 : memref<200x128xi32, #tpu.memory_space<hbm>>) dst(%arg7 : memref<200x128xi32, #tpu.memory_space<vmem>>)
      tpu.yield
    }) : () -> ()
    "tpu.region"() ({
      %run_scoped3A = tpu.sem_alloc : memref<!tpu.dma_semaphore, #tpu.memory_space<semaphore_mem>>
      %dma_start3A_276 = tpu.memref_slice %arg3[%mul3A_2] : memref<4096xi32, #tpu.memory_space<hbm>> -> memref<128xi32, #tpu.memory_space<hbm>>
      %dma_start3A_277 = tpu.memref_slice %arg3[%mul3A_2] : memref<4096xi32, #tpu.memory_space<hbm>> -> memref<128xi32, #tpu.memory_space<hbm>>
      tpu.enqueue_dma source(%dma_start3A_277 : memref<128xi32, #tpu.memory_space<hbm>>) target(%arg8 : memref<128xi32, #tpu.memory_space<vmem>>) target_semaphore(%run_scoped3A : memref<!tpu.dma_semaphore, #tpu.memory_space<semaphore_mem>>)
      %dma_wait3A_278 = tpu.memref_slice %arg3[%mul3A_2] : memref<4096xi32, #tpu.memory_space<hbm>> -> memref<128xi32, #tpu.memory_space<hbm>>
      %dma_wait3A_279 = tpu.memref_slice %arg3[%mul3A_2] : memref<4096xi32, #tpu.memory_space<hbm>> -> memref<128xi32, #tpu.memory_space<hbm>>
      tpu.wait_dma2 semaphore(%run_scoped3A : memref<!tpu.dma_semaphore, #tpu.memory_space<semaphore_mem>>) src(%dma_wait3A_279 : memref<128xi32, #tpu.memory_space<hbm>>) dst(%arg8 : memref<128xi32, #tpu.memory_space<vmem>>)
      tpu.yield
    }) : () -> ()
    %eq3A = arith.constant 0 : i32
    %eq3A_3 = arith.cmpi eq, %add3A, %eq3A : i32
    %convert_element_type3A = arith.extui %eq3A_3 : i1 to i32
    %cond3A = arith.constant 0 : i32
    %cond3A_4 = arith.cmpi ne, %convert_element_type3A, %cond3A : i32
    scf.if %cond3A_4 {
      "tpu.region"() ({
        %run_scoped3A = tpu.sem_alloc : memref<!tpu.dma_semaphore, #tpu.memory_space<semaphore_mem>>
        %dma_start3A_331 = arith.constant 0 : i32
        %dma_start3A_332 = tpu.memref_slice %arg9[%dma_start3A_331] : memref<4112xi32, #tpu.memory_space<vmem>> -> memref<4096xi32, #tpu.memory_space<vmem>>
        %dma_start3A_333 = arith.constant 0 : i32
        %dma_start3A_334 = tpu.memref_slice %arg9[%dma_start3A_333] : memref<4112xi32, #tpu.memory_space<vmem>> -> memref<4096xi32, #tpu.memory_space<vmem>>
        tpu.enqueue_dma source(%arg3 : memref<4096xi32, #tpu.memory_space<hbm>>) target(%dma_start3A_334 : memref<4096xi32, #tpu.memory_space<vmem>>) target_semaphore(%run_scoped3A : memref<!tpu.dma_semaphore, #tpu.memory_space<semaphore_mem>>)
        %dma_wait3A_335 = arith.constant 0 : i32
        %dma_wait3A_336 = tpu.memref_slice %arg9[%dma_wait3A_335] : memref<4112xi32, #tpu.memory_space<vmem>> -> memref<4096xi32, #tpu.memory_space<vmem>>
        %dma_wait3A_337 = arith.constant 0 : i32
        %dma_wait3A_338 = tpu.memref_slice %arg9[%dma_wait3A_337] : memref<4112xi32, #tpu.memory_space<vmem>> -> memref<4096xi32, #tpu.memory_space<vmem>>
        tpu.wait_dma2 semaphore(%run_scoped3A : memref<!tpu.dma_semaphore, #tpu.memory_space<semaphore_mem>>) src(%arg3 : memref<4096xi32, #tpu.memory_space<hbm>>) dst(%dma_wait3A_338 : memref<4096xi32, #tpu.memory_space<vmem>>)
        tpu.yield
      }) : () -> ()
      %broadcast_in_dim3A = arith.constant 0 : i32
      %broadcast_in_dim3A_276 = vector.broadcast %broadcast_in_dim3A : i32 to vector<16xi32>
      %scan3A_277 = arith.constant 0 : i32
      %scan3A_278 = arith.constant 256 : i32
      %scan3A_279 = arith.addi %scan3A_277, %scan3A_278 : i32
      %scan3A_280 = arith.constant 1 : i32
      %scan3A_281 = scf.for %scan3A_331 = %scan3A_277 to %scan3A_279 step %scan3A_280 iter_args(%scan3A_332 = %broadcast_in_dim3A_276) -> (vector<16xi32>)  : i32 {
        %mul3A_333 = arith.constant 16 : i32
        %mul3A_334 = arith.muli %scan3A_331, %mul3A_333 : i32
        %get3A_335 = arith.index_cast %mul3A_334 : i32 to index
        %get3A_336 = tpu.vector_load %arg9[%get3A_335] {strides = array<i32>} : memref<4112xi32, #tpu.memory_space<vmem>>, vector<16xi32>,
        %max3A_337 = arith.maxsi %scan3A_332, %get3A_336 : vector<16xi32>
        scf.yield %max3A_337 : vector<16xi32>
      }
      %scan3A_282 = arith.constant 256 : i32
      %min3A = arith.constant 200 : i32
      %min3A_283 = vector.broadcast %min3A : i32 to vector<16xi32>
      %min3A_284 = arith.minsi %scan3A_281, %min3A_283 : vector<16xi32>
      %slice3A = vector.extract_strided_slice %min3A_284 {offsets = [0], sizes = [1], strides = [1]} : vector<16xi32> to vector<1xi32>
      %squeeze3A = vector.extract %slice3A[0] : i32 from vector<1xi32>
      %slice3A_285 = vector.extract_strided_slice %min3A_284 {offsets = [1], sizes = [1], strides = [1]} : vector<16xi32> to vector<1xi32>
      %squeeze3A_286 = vector.extract %slice3A_285[0] : i32 from vector<1xi32>
      %max3A = arith.maxsi %squeeze3A, %squeeze3A_286 : i32
      %slice3A_287 = vector.extract_strided_slice %min3A_284 {offsets = [2], sizes = [1], strides = [1]} : vector<16xi32> to vector<1xi32>
      %squeeze3A_288 = vector.extract %slice3A_287[0] : i32 from vector<1xi32>
      %max3A_289 = arith.maxsi %max3A, %squeeze3A_288 : i32
      %slice3A_290 = vector.extract_strided_slice %min3A_284 {offsets = [3], sizes = [1], strides = [1]} : vector<16xi32> to vector<1xi32>
      %squeeze3A_291 = vector.extract %slice3A_290[0] : i32 from vector<1xi32>
      %max3A_292 = arith.maxsi %max3A_289, %squeeze3A_291 : i32
      %slice3A_293 = vector.extract_strided_slice %min3A_284 {offsets = [4], sizes = [1], strides = [1]} : vector<16xi32> to vector<1xi32>
      %squeeze3A_294 = vector.extract %slice3A_293[0] : i32 from vector<1xi32>
      %max3A_295 = arith.maxsi %max3A_292, %squeeze3A_294 : i32
      %slice3A_296 = vector.extract_strided_slice %min3A_284 {offsets = [5], sizes = [1], strides = [1]} : vector<16xi32> to vector<1xi32>
      %squeeze3A_297 = vector.extract %slice3A_296[0] : i32 from vector<1xi32>
      %max3A_298 = arith.maxsi %max3A_295, %squeeze3A_297 : i32
      %slice3A_299 = vector.extract_strided_slice %min3A_284 {offsets = [6], sizes = [1], strides = [1]} : vector<16xi32> to vector<1xi32>
      %squeeze3A_300 = vector.extract %slice3A_299[0] : i32 from vector<1xi32>
      %max3A_301 = arith.maxsi %max3A_298, %squeeze3A_300 : i32
      %slice3A_302 = vector.extract_strided_slice %min3A_284 {offsets = [7], sizes = [1], strides = [1]} : vector<16xi32> to vector<1xi32>
      %squeeze3A_303 = vector.extract %slice3A_302[0] : i32 from vector<1xi32>
      %max3A_304 = arith.maxsi %max3A_301, %squeeze3A_303 : i32
      %slice3A_305 = vector.extract_strided_slice %min3A_284 {offsets = [8], sizes = [1], strides = [1]} : vector<16xi32> to vector<1xi32>
      %squeeze3A_306 = vector.extract %slice3A_305[0] : i32 from vector<1xi32>
      %max3A_307 = arith.maxsi %max3A_304, %squeeze3A_306 : i32
      %slice3A_308 = vector.extract_strided_slice %min3A_284 {offsets = [9], sizes = [1], strides = [1]} : vector<16xi32> to vector<1xi32>
      %squeeze3A_309 = vector.extract %slice3A_308[0] : i32 from vector<1xi32>
      %max3A_310 = arith.maxsi %max3A_307, %squeeze3A_309 : i32
      %slice3A_311 = vector.extract_strided_slice %min3A_284 {offsets = [10], sizes = [1], strides = [1]} : vector<16xi32> to vector<1xi32>
      %squeeze3A_312 = vector.extract %slice3A_311[0] : i32 from vector<1xi32>
      %max3A_313 = arith.maxsi %max3A_310, %squeeze3A_312 : i32
      %slice3A_314 = vector.extract_strided_slice %min3A_284 {offsets = [11], sizes = [1], strides = [1]} : vector<16xi32> to vector<1xi32>
      %squeeze3A_315 = vector.extract %slice3A_314[0] : i32 from vector<1xi32>
      %max3A_316 = arith.maxsi %max3A_313, %squeeze3A_315 : i32
      %slice3A_317 = vector.extract_strided_slice %min3A_284 {offsets = [12], sizes = [1], strides = [1]} : vector<16xi32> to vector<1xi32>
      %squeeze3A_318 = vector.extract %slice3A_317[0] : i32 from vector<1xi32>
      %max3A_319 = arith.maxsi %max3A_316, %squeeze3A_318 : i32
      %slice3A_320 = vector.extract_strided_slice %min3A_284 {offsets = [13], sizes = [1], strides = [1]} : vector<16xi32> to vector<1xi32>
      %squeeze3A_321 = vector.extract %slice3A_320[0] : i32 from vector<1xi32>
      %max3A_322 = arith.maxsi %max3A_319, %squeeze3A_321 : i32
      %slice3A_323 = vector.extract_strided_slice %min3A_284 {offsets = [14], sizes = [1], strides = [1]} : vector<16xi32> to vector<1xi32>
      %squeeze3A_324 = vector.extract %slice3A_323[0] : i32 from vector<1xi32>
      %max3A_325 = arith.maxsi %max3A_322, %squeeze3A_324 : i32
      %slice3A_326 = vector.extract_strided_slice %min3A_284 {offsets = [15], sizes = [1], strides = [1]} : vector<16xi32> to vector<1xi32>
      %squeeze3A_327 = vector.extract %slice3A_326[0] : i32 from vector<1xi32>
      %max3A_328 = arith.maxsi %max3A_325, %squeeze3A_327 : i32
      %broadcast_in_dim3A_329 = vector.broadcast %max3A_328 : i32 to vector<16xi32>
      %swap3A = arith.constant 0 : index
      %swap3A_330 = tpu.vector_load %arg10[%swap3A] {strides = array<i32>} : memref<16xi32, #tpu.memory_space<vmem>>, vector<16xi32>,
      tpu.vector_store %arg10[%swap3A], %broadcast_in_dim3A_329 {strides = array<i32>} : memref<16xi32, #tpu.memory_space<vmem>>, vector<16xi32>,
      "tpu.region"() ({
        %run_scoped3A = tpu.sem_alloc : memref<!tpu.dma_semaphore, #tpu.memory_space<semaphore_mem>>
        tpu.enqueue_dma source(%arg10 : memref<16xi32, #tpu.memory_space<vmem>>) target(%arg6 : memref<16xi32, #tpu.memory_space<hbm>>) target_semaphore(%run_scoped3A : memref<!tpu.dma_semaphore, #tpu.memory_space<semaphore_mem>>)
        tpu.wait_dma2 semaphore(%run_scoped3A : memref<!tpu.dma_semaphore, #tpu.memory_space<semaphore_mem>>) src(%arg10 : memref<16xi32, #tpu.memory_space<vmem>>) dst(%arg6 : memref<16xi32, #tpu.memory_space<hbm>>)
        tpu.yield
      }) : () -> ()
    } else {
    }
    %iota3A = tpu.iota {dimensions = array<i32: 0>} : vector<16xi32>
    %get3A = arith.constant 0 : index
    %get3A_5 = tpu.vector_load %arg8[%get3A] {strides = array<i32>} : memref<128xi32, #tpu.memory_space<vmem>>, vector<16xi32>,
    %get3A_6 = arith.constant 16 : index
    %get3A_7 = tpu.vector_load %arg8[%get3A_6] {strides = array<i32>} : memref<128xi32, #tpu.memory_space<vmem>>, vector<16xi32>,
    %get3A_8 = arith.constant 32 : index
    %get3A_9 = tpu.vector_load %arg8[%get3A_8] {strides = array<i32>} : memref<128xi32, #tpu.memory_space<vmem>>, vector<16xi32>,
    %get3A_10 = arith.constant 48 : index
    %get3A_11 = tpu.vector_load %arg8[%get3A_10] {strides = array<i32>} : memref<128xi32, #tpu.memory_space<vmem>>, vector<16xi32>,
    %get3A_12 = arith.constant 64 : index
    %get3A_13 = tpu.vector_load %arg8[%get3A_12] {strides = array<i32>} : memref<128xi32, #tpu.memory_space<vmem>>, vector<16xi32>,
    %get3A_14 = arith.constant 80 : index
    %get3A_15 = tpu.vector_load %arg8[%get3A_14] {strides = array<i32>} : memref<128xi32, #tpu.memory_space<vmem>>, vector<16xi32>,
    %get3A_16 = arith.constant 96 : index
    %get3A_17 = tpu.vector_load %arg8[%get3A_16] {strides = array<i32>} : memref<128xi32, #tpu.memory_space<vmem>>, vector<16xi32>,
    %get3A_18 = arith.constant 112 : index
    %get3A_19 = tpu.vector_load %arg8[%get3A_18] {strides = array<i32>} : memref<128xi32, #tpu.memory_space<vmem>>, vector<16xi32>,
    %scan3A = arith.constant 0 : i32
    %scan3A_20 = arith.constant 0 : i32
    %scan3A_21 = arith.constant 16 : i32
    %scan3A_22 = arith.addi %scan3A_20, %scan3A_21 : i32
    %scan3A_23 = arith.constant 1 : i32
    scf.for %scan3A_276 = %scan3A_20 to %scan3A_22 step %scan3A_23  : i32 {
      %add3A_277 = vector.broadcast %scan3A_276 : i32 to vector<16xi32>
      %add3A_278 = arith.addi %iota3A, %add3A_277 : vector<16xi32>
      %and3A = arith.constant 15 : i32
      %and3A_279 = vector.broadcast %and3A : i32 to vector<16xi32>
      %and3A_280 = arith.andi %add3A_278, %and3A_279 : vector<16xi32>
      %mul3A_281 = arith.constant 4 : i32
      %mul3A_282 = arith.muli %scan3A_276, %mul3A_281 : i32
      %add3A_283 = arith.constant 0 : i32
      %add3A_284 = arith.addi %mul3A_282, %add3A_283 : i32
      %add3A_285 = arith.constant 0 : i32
      %add3A_286 = vector.broadcast %add3A_285 : i32 to vector<16xi32>
      %add3A_287 = arith.addi %and3A_280, %add3A_286 : vector<16xi32>
      %swap3A = arith.index_cast %add3A_284 : i32 to index
      %swap3A_288 = arith.constant 0 : index
      %swap3A_289 = tpu.vector_load %arg15[%swap3A, %swap3A_288] {strides = array<i32>} : memref<64x16xi32, #tpu.memory_space<vmem>>, vector<16xi32>,
      tpu.vector_store %arg15[%swap3A, %swap3A_288], %add3A_287 {strides = array<i32>} : memref<64x16xi32, #tpu.memory_space<vmem>>, vector<16xi32>,
      %shift_right_arithmetic3A = arith.constant 3 : i32
      %shift_right_arithmetic3A_290 = vector.broadcast %shift_right_arithmetic3A : i32 to vector<16xi32>
      %shift_right_arithmetic3A_291 = arith.shrsi %add3A_287, %shift_right_arithmetic3A_290 : vector<16xi32>
      %swap3A_292 = arith.index_cast %add3A_284 : i32 to index
      %swap3A_293 = arith.constant 0 : index
      %swap3A_294 = tpu.vector_load %arg16[%swap3A_292, %swap3A_293] {strides = array<i32>} : memref<64x16xi32, #tpu.memory_space<vmem>>, vector<16xi32>,
      tpu.vector_store %arg16[%swap3A_292, %swap3A_293], %shift_right_arithmetic3A_291 {strides = array<i32>} : memref<64x16xi32, #tpu.memory_space<vmem>>, vector<16xi32>,
      %and3A_295 = arith.constant 7 : i32
      %and3A_296 = vector.broadcast %and3A_295 : i32 to vector<16xi32>
      %and3A_297 = arith.andi %add3A_287, %and3A_296 : vector<16xi32>
      %shift_left3A = arith.constant 7 : i32
      %shift_left3A_298 = vector.broadcast %shift_left3A : i32 to vector<16xi32>
      %shift_left3A_299 = arith.shli %and3A_297, %shift_left3A_298 : vector<16xi32>
      %add3A_300 = arith.addi %shift_left3A_299, %iota3A : vector<16xi32>
      %swap3A_301 = arith.index_cast %add3A_284 : i32 to index
      %swap3A_302 = arith.constant 0 : index
      %swap3A_303 = tpu.vector_load %arg17[%swap3A_301, %swap3A_302] {strides = array<i32>} : memref<64x16xi32, #tpu.memory_space<vmem>>, vector<16xi32>,
      tpu.vector_store %arg17[%swap3A_301, %swap3A_302], %add3A_300 {strides = array<i32>} : memref<64x16xi32, #tpu.memory_space<vmem>>, vector<16xi32>,
      %mul3A_304 = arith.constant 4 : i32
      %mul3A_305 = arith.muli %scan3A_276, %mul3A_304 : i32
      %add3A_306 = arith.constant 1 : i32
      %add3A_307 = arith.addi %mul3A_305, %add3A_306 : i32
      %add3A_308 = arith.constant 16 : i32
      %add3A_309 = vector.broadcast %add3A_308 : i32 to vector<16xi32>
      %add3A_310 = arith.addi %and3A_280, %add3A_309 : vector<16xi32>
      %swap3A_311 = arith.index_cast %add3A_307 : i32 to index
      %swap3A_312 = arith.constant 0 : index
      %swap3A_313 = tpu.vector_load %arg15[%swap3A_311, %swap3A_312] {strides = array<i32>} : memref<64x16xi32, #tpu.memory_space<vmem>>, vector<16xi32>,
      tpu.vector_store %arg15[%swap3A_311, %swap3A_312], %add3A_310 {strides = array<i32>} : memref<64x16xi32, #tpu.memory_space<vmem>>, vector<16xi32>,
      %shift_right_arithmetic3A_314 = arith.constant 3 : i32
      %shift_right_arithmetic3A_315 = vector.broadcast %shift_right_arithmetic3A_314 : i32 to vector<16xi32>
      %shift_right_arithmetic3A_316 = arith.shrsi %add3A_310, %shift_right_arithmetic3A_315 : vector<16xi32>
      %swap3A_317 = arith.index_cast %add3A_307 : i32 to index
      %swap3A_318 = arith.constant 0 : index
      %swap3A_319 = tpu.vector_load %arg16[%swap3A_317, %swap3A_318] {strides = array<i32>} : memref<64x16xi32, #tpu.memory_space<vmem>>, vector<16xi32>,
      tpu.vector_store %arg16[%swap3A_317, %swap3A_318], %shift_right_arithmetic3A_316 {strides = array<i32>} : memref<64x16xi32, #tpu.memory_space<vmem>>, vector<16xi32>,
      %and3A_320 = arith.constant 7 : i32
      %and3A_321 = vector.broadcast %and3A_320 : i32 to vector<16xi32>
      %and3A_322 = arith.andi %add3A_310, %and3A_321 : vector<16xi32>
      %shift_left3A_323 = arith.constant 7 : i32
      %shift_left3A_324 = vector.broadcast %shift_left3A_323 : i32 to vector<16xi32>
      %shift_left3A_325 = arith.shli %and3A_322, %shift_left3A_324 : vector<16xi32>
      %add3A_326 = arith.addi %shift_left3A_325, %iota3A : vector<16xi32>
      %swap3A_327 = arith.index_cast %add3A_307 : i32 to index
      %swap3A_328 = arith.constant 0 : index
      %swap3A_329 = tpu.vector_load %arg17[%swap3A_327, %swap3A_328] {strides = array<i32>} : memref<64x16xi32, #tpu.memory_space<vmem>>, vector<16xi32>,
      tpu.vector_store %arg17[%swap3A_327, %swap3A_328], %add3A_326 {strides = array<i32>} : memref<64x16xi32, #tpu.memory_space<vmem>>, vector<16xi32>,
      %mul3A_330 = arith.constant 4 : i32
      %mul3A_331 = arith.muli %scan3A_276, %mul3A_330 : i32
      %add3A_332 = arith.constant 2 : i32
      %add3A_333 = arith.addi %mul3A_331, %add3A_332 : i32
      %add3A_334 = arith.constant 32 : i32
      %add3A_335 = vector.broadcast %add3A_334 : i32 to vector<16xi32>
      %add3A_336 = arith.addi %and3A_280, %add3A_335 : vector<16xi32>
      %swap3A_337 = arith.index_cast %add3A_333 : i32 to index
      %swap3A_338 = arith.constant 0 : index
      %swap3A_339 = tpu.vector_load %arg15[%swap3A_337, %swap3A_338] {strides = array<i32>} : memref<64x16xi32, #tpu.memory_space<vmem>>, vector<16xi32>,
      tpu.vector_store %arg15[%swap3A_337, %swap3A_338], %add3A_336 {strides = array<i32>} : memref<64x16xi32, #tpu.memory_space<vmem>>, vector<16xi32>,
      %shift_right_arithmetic3A_340 = arith.constant 3 : i32
      %shift_right_arithmetic3A_341 = vector.broadcast %shift_right_arithmetic3A_340 : i32 to vector<16xi32>
      %shift_right_arithmetic3A_342 = arith.shrsi %add3A_336, %shift_right_arithmetic3A_341 : vector<16xi32>
      %swap3A_343 = arith.index_cast %add3A_333 : i32 to index
      %swap3A_344 = arith.constant 0 : index
      %swap3A_345 = tpu.vector_load %arg16[%swap3A_343, %swap3A_344] {strides = array<i32>} : memref<64x16xi32, #tpu.memory_space<vmem>>, vector<16xi32>,
      tpu.vector_store %arg16[%swap3A_343, %swap3A_344], %shift_right_arithmetic3A_342 {strides = array<i32>} : memref<64x16xi32, #tpu.memory_space<vmem>>, vector<16xi32>,
      %and3A_346 = arith.constant 7 : i32
      %and3A_347 = vector.broadcast %and3A_346 : i32 to vector<16xi32>
      %and3A_348 = arith.andi %add3A_336, %and3A_347 : vector<16xi32>
      %shift_left3A_349 = arith.constant 7 : i32
      %shift_left3A_350 = vector.broadcast %shift_left3A_349 : i32 to vector<16xi32>
      %shift_left3A_351 = arith.shli %and3A_348, %shift_left3A_350 : vector<16xi32>
      %add3A_352 = arith.addi %shift_left3A_351, %iota3A : vector<16xi32>
      %swap3A_353 = arith.index_cast %add3A_333 : i32 to index
      %swap3A_354 = arith.constant 0 : index
      %swap3A_355 = tpu.vector_load %arg17[%swap3A_353, %swap3A_354] {strides = array<i32>} : memref<64x16xi32, #tpu.memory_space<vmem>>, vector<16xi32>,
      tpu.vector_store %arg17[%swap3A_353, %swap3A_354], %add3A_352 {strides = array<i32>} : memref<64x16xi32, #tpu.memory_space<vmem>>, vector<16xi32>,
      %mul3A_356 = arith.constant 4 : i32
      %mul3A_357 = arith.muli %scan3A_276, %mul3A_356 : i32
      %add3A_358 = arith.constant 3 : i32
      %add3A_359 = arith.addi %mul3A_357, %add3A_358 : i32
      %add3A_360 = arith.constant 48 : i32
      %add3A_361 = vector.broadcast %add3A_360 : i32 to vector<16xi32>
      %add3A_362 = arith.addi %and3A_280, %add3A_361 : vector<16xi32>
      %swap3A_363 = arith.index_cast %add3A_359 : i32 to index
      %swap3A_364 = arith.constant 0 : index
      %swap3A_365 = tpu.vector_load %arg15[%swap3A_363, %swap3A_364] {strides = array<i32>} : memref<64x16xi32, #tpu.memory_space<vmem>>, vector<16xi32>,
      tpu.vector_store %arg15[%swap3A_363, %swap3A_364], %add3A_362 {strides = array<i32>} : memref<64x16xi32, #tpu.memory_space<vmem>>, vector<16xi32>,
      %shift_right_arithmetic3A_366 = arith.constant 3 : i32
      %shift_right_arithmetic3A_367 = vector.broadcast %shift_right_arithmetic3A_366 : i32 to vector<16xi32>
      %shift_right_arithmetic3A_368 = arith.shrsi %add3A_362, %shift_right_arithmetic3A_367 : vector<16xi32>
      %swap3A_369 = arith.index_cast %add3A_359 : i32 to index
      %swap3A_370 = arith.constant 0 : index
      %swap3A_371 = tpu.vector_load %arg16[%swap3A_369, %swap3A_370] {strides = array<i32>} : memref<64x16xi32, #tpu.memory_space<vmem>>, vector<16xi32>,
      tpu.vector_store %arg16[%swap3A_369, %swap3A_370], %shift_right_arithmetic3A_368 {strides = array<i32>} : memref<64x16xi32, #tpu.memory_space<vmem>>, vector<16xi32>,
      %and3A_372 = arith.constant 7 : i32
      %and3A_373 = vector.broadcast %and3A_372 : i32 to vector<16xi32>
      %and3A_374 = arith.andi %add3A_362, %and3A_373 : vector<16xi32>
      %shift_left3A_375 = arith.constant 7 : i32
      %shift_left3A_376 = vector.broadcast %shift_left3A_375 : i32 to vector<16xi32>
      %shift_left3A_377 = arith.shli %and3A_374, %shift_left3A_376 : vector<16xi32>
      %add3A_378 = arith.addi %shift_left3A_377, %iota3A : vector<16xi32>
      %swap3A_379 = arith.index_cast %add3A_359 : i32 to index
      %swap3A_380 = arith.constant 0 : index
      %swap3A_381 = tpu.vector_load %arg17[%swap3A_379, %swap3A_380] {strides = array<i32>} : memref<64x16xi32, #tpu.memory_space<vmem>>, vector<16xi32>,
      tpu.vector_store %arg17[%swap3A_379, %swap3A_380], %add3A_378 {strides = array<i32>} : memref<64x16xi32, #tpu.memory_space<vmem>>, vector<16xi32>,
    }
    %scan3A_24 = arith.constant 16 : i32
    %dma_start3A = arith.constant 0 : i32
    %dma_start3A_25 = arith.constant 0 : i32
    %dma_start3A_26 = tpu.memref_slice %arg7[%dma_start3A, %dma_start3A_25] : memref<200x128xi32, #tpu.memory_space<vmem>> -> memref<1x128xi32, #tpu.memory_space<vmem>>
    %dma_start3A_27 = tpu.memref_squeeze %dma_start3A_26 : memref<1x128xi32, #tpu.memory_space<vmem>> -> memref<128xi32, #tpu.memory_space<vmem>>
    %dma_start3A_28 = arith.constant 0 : i32
    %dma_start3A_29 = arith.constant 0 : i32
    %dma_start3A_30 = tpu.memref_slice %arg4[%dma_start3A_28, %dma_start3A_29] : memref<100001x64xf32, #tpu.memory_space<hbm>> -> memref<100001x64xf32, #tpu.memory_space<hbm>>
    tpu.enqueue_indirect_dma source(%dma_start3A_30 : memref<100001x64xf32, #tpu.memory_space<hbm>>) target(%arg11 : memref<128x64xf32, #tpu.memory_space<vmem>>) offsets(%dma_start3A_27 : memref<128xi32, #tpu.memory_space<vmem>>) semaphore(%arg18 : memref<!tpu.dma_semaphore, #tpu.memory_space<semaphore_mem>>)
    %scan3A_31 = arith.constant 0 : i32
    %scan3A_32 = arith.constant 0 : i32
    %scan3A_33 = arith.constant 100 : i32
    %scan3A_34 = arith.addi %scan3A_32, %scan3A_33 : i32
    %scan3A_35 = arith.constant 1 : i32
    scf.for %scan3A_276 = %scan3A_32 to %scan3A_34 step %scan3A_35  : i32 {
      %mul3A_277 = arith.constant 2 : i32
      %mul3A_278 = arith.muli %mul3A_277, %scan3A_276 : i32
      %add3A_279 = arith.constant 1 : i32
      %add3A_280 = arith.addi %mul3A_278, %add3A_279 : i32
      %dma_start3A_281 = arith.constant 0 : i32
      %dma_start3A_282 = tpu.memref_slice %arg7[%add3A_280, %dma_start3A_281] : memref<200x128xi32, #tpu.memory_space<vmem>> -> memref<1x128xi32, #tpu.memory_space<vmem>>
      %dma_start3A_283 = tpu.memref_squeeze %dma_start3A_282 : memref<1x128xi32, #tpu.memory_space<vmem>> -> memref<128xi32, #tpu.memory_space<vmem>>
      %dma_start3A_284 = arith.constant 0 : i32
      %dma_start3A_285 = arith.constant 0 : i32
      %dma_start3A_286 = tpu.memref_slice %arg4[%dma_start3A_284, %dma_start3A_285] : memref<100001x64xf32, #tpu.memory_space<hbm>> -> memref<100001x64xf32, #tpu.memory_space<hbm>>
      tpu.enqueue_indirect_dma source(%dma_start3A_286 : memref<100001x64xf32, #tpu.memory_space<hbm>>) target(%arg12 : memref<128x64xf32, #tpu.memory_space<vmem>>) offsets(%dma_start3A_283 : memref<128xi32, #tpu.memory_space<vmem>>) semaphore(%arg18 : memref<!tpu.dma_semaphore, #tpu.memory_space<semaphore_mem>>)
      %gt3A = arith.constant 0 : i32
      %gt3A_287 = arith.cmpi sgt, %scan3A_276, %gt3A : i32
      %convert_element_type3A_288 = arith.extui %gt3A_287 : i1 to i32
      %cond3A_289 = arith.constant 0 : i32
      %cond3A_290 = arith.cmpi ne, %convert_element_type3A_288, %cond3A_289 : i32
      scf.if %cond3A_290 {
        %dma_wait3A_647 = arith.constant 0 : i32
        %dma_wait3A_648 = arith.constant 0 : i32
        %dma_wait3A_649 = arith.constant 0 : i32
        %dma_wait3A_650 = tpu.memref_slice %arg13[%dma_wait3A_647, %dma_wait3A_649] : memref<8x1024xf32, #tpu.memory_space<vmem>> -> memref<1x1024xf32, #tpu.memory_space<vmem>>
        %dma_wait3A_651 = tpu.memref_squeeze %dma_wait3A_650 : memref<1x1024xf32, #tpu.memory_space<vmem>> -> memref<1024xf32, #tpu.memory_space<vmem>>
        %dma_wait3A_652 = arith.constant 0 : i32
        %dma_wait3A_653 = tpu.memref_slice %arg5[%mul3A_278, %dma_wait3A_648, %add3A, %dma_wait3A_652] : memref<200x8x32x1024xf32, #tpu.memory_space<hbm>> -> memref<1x1x1x1024xf32, #tpu.memory_space<hbm>>
        %dma_wait3A_654 = tpu.memref_squeeze %dma_wait3A_653 : memref<1x1x1x1024xf32, #tpu.memory_space<hbm>> -> memref<1024xf32, #tpu.memory_space<hbm>>
        %dma_wait3A_655 = arith.constant 0 : i32
        %dma_wait3A_656 = tpu.memref_slice %arg5[%mul3A_278, %dma_wait3A_648, %add3A, %dma_wait3A_655] : memref<200x8x32x1024xf32, #tpu.memory_space<hbm>> -> memref<1x1x1x1024xf32, #tpu.memory_space<hbm>>
        %dma_wait3A_657 = tpu.memref_squeeze %dma_wait3A_656 : memref<1x1x1x1024xf32, #tpu.memory_space<hbm>> -> memref<1024xf32, #tpu.memory_space<hbm>>
        %dma_wait3A_658 = arith.constant 0 : i32
        %dma_wait3A_659 = tpu.memref_slice %arg13[%dma_wait3A_647, %dma_wait3A_658] : memref<8x1024xf32, #tpu.memory_space<vmem>> -> memref<1x1024xf32, #tpu.memory_space<vmem>>
        %dma_wait3A_660 = tpu.memref_squeeze %dma_wait3A_659 : memref<1x1024xf32, #tpu.memory_space<vmem>> -> memref<1024xf32, #tpu.memory_space<vmem>>
        tpu.wait_dma2 semaphore(%arg19 : memref<!tpu.dma_semaphore, #tpu.memory_space<semaphore_mem>>) src(%dma_wait3A_660 : memref<1024xf32, #tpu.memory_space<vmem>>) dst(%dma_wait3A_657 : memref<1024xf32, #tpu.memory_space<hbm>>)
        %dma_wait3A_661 = arith.constant 0 : i32
        %dma_wait3A_662 = arith.constant 0 : i32
        %dma_wait3A_663 = arith.constant 0 : i32
        %dma_wait3A_664 = tpu.memref_slice %arg13[%dma_wait3A_661, %dma_wait3A_663] : memref<8x1024xf32, #tpu.memory_space<vmem>> -> memref<1x1024xf32, #tpu.memory_space<vmem>>
        %dma_wait3A_665 = tpu.memref_squeeze %dma_wait3A_664 : memref<1x1024xf32, #tpu.memory_space<vmem>> -> memref<1024xf32, #tpu.memory_space<vmem>>
        %dma_wait3A_666 = arith.constant 0 : i32
        %dma_wait3A_667 = tpu.memref_slice %arg5[%mul3A_278, %dma_wait3A_662, %add3A, %dma_wait3A_666] : memref<200x8x32x1024xf32, #tpu.memory_space<hbm>> -> memref<1x1x1x1024xf32, #tpu.memory_space<hbm>>
        %dma_wait3A_668 = tpu.memref_squeeze %dma_wait3A_667 : memref<1x1x1x1024xf32, #tpu.memory_space<hbm>> -> memref<1024xf32, #tpu.memory_space<hbm>>
        %dma_wait3A_669 = arith.constant 0 : i32
        %dma_wait3A_670 = tpu.memref_slice %arg5[%mul3A_278, %dma_wait3A_662, %add3A, %dma_wait3A_669] : memref<200x8x32x1024xf32, #tpu.memory_space<hbm>> -> memref<1x1x1x1024xf32, #tpu.memory_space<hbm>>
        %dma_wait3A_671 = tpu.memref_squeeze %dma_wait3A_670 : memref<1x1x1x1024xf32, #tpu.memory_space<hbm>> -> memref<1024xf32, #tpu.memory_space<hbm>>
        %dma_wait3A_672 = arith.constant 0 : i32
        %dma_wait3A_673 = tpu.memref_slice %arg13[%dma_wait3A_661, %dma_wait3A_672] : memref<8x1024xf32, #tpu.memory_space<vmem>> -> memref<1x1024xf32, #tpu.memory_space<vmem>>
        %dma_wait3A_674 = tpu.memref_squeeze %dma_wait3A_673 : memref<1x1024xf32, #tpu.memory_space<vmem>> -> memref<1024xf32, #tpu.memory_space<vmem>>
        tpu.wait_dma2 semaphore(%arg19 : memref<!tpu.dma_semaphore, #tpu.memory_space<semaphore_mem>>) src(%dma_wait3A_674 : memref<1024xf32, #tpu.memory_space<vmem>>) dst(%dma_wait3A_671 : memref<1024xf32, #tpu.memory_space<hbm>>)
        %dma_wait3A_675 = arith.constant 1 : i32
        %dma_wait3A_676 = arith.constant 1 : i32
        %dma_wait3A_677 = arith.constant 0 : i32
        %dma_wait3A_678 = tpu.memref_slice %arg13[%dma_wait3A_675, %dma_wait3A_677] : memref<8x1024xf32, #tpu.memory_space<vmem>> -> memref<1x1024xf32, #tpu.memory_space<vmem>>
        %dma_wait3A_679 = tpu.memref_squeeze %dma_wait3A_678 : memref<1x1024xf32, #tpu.memory_space<vmem>> -> memref<1024xf32, #tpu.memory_space<vmem>>
        %dma_wait3A_680 = arith.constant 0 : i32
        %dma_wait3A_681 = tpu.memref_slice %arg5[%mul3A_278, %dma_wait3A_676, %add3A, %dma_wait3A_680] : memref<200x8x32x1024xf32, #tpu.memory_space<hbm>> -> memref<1x1x1x1024xf32, #tpu.memory_space<hbm>>
        %dma_wait3A_682 = tpu.memref_squeeze %dma_wait3A_681 : memref<1x1x1x1024xf32, #tpu.memory_space<hbm>> -> memref<1024xf32, #tpu.memory_space<hbm>>
        %dma_wait3A_683 = arith.constant 0 : i32
        %dma_wait3A_684 = tpu.memref_slice %arg5[%mul3A_278, %dma_wait3A_676, %add3A, %dma_wait3A_683] : memref<200x8x32x1024xf32, #tpu.memory_space<hbm>> -> memref<1x1x1x1024xf32, #tpu.memory_space<hbm>>
        %dma_wait3A_685 = tpu.memref_squeeze %dma_wait3A_684 : memref<1x1x1x1024xf32, #tpu.memory_space<hbm>> -> memref<1024xf32, #tpu.memory_space<hbm>>
        %dma_wait3A_686 = arith.constant 0 : i32
        %dma_wait3A_687 = tpu.memref_slice %arg13[%dma_wait3A_675, %dma_wait3A_686] : memref<8x1024xf32, #tpu.memory_space<vmem>> -> memref<1x1024xf32, #tpu.memory_space<vmem>>
        %dma_wait3A_688 = tpu.memref_squeeze %dma_wait3A_687 : memref<1x1024xf32, #tpu.memory_space<vmem>> -> memref<1024xf32, #tpu.memory_space<vmem>>
        tpu.wait_dma2 semaphore(%arg19 : memref<!tpu.dma_semaphore, #tpu.memory_space<semaphore_mem>>) src(%dma_wait3A_688 : memref<1024xf32, #tpu.memory_space<vmem>>) dst(%dma_wait3A_685 : memref<1024xf32, #tpu.memory_space<hbm>>)
        %dma_wait3A_689 = arith.constant 1 : i32
        %dma_wait3A_690 = arith.constant 1 : i32
        %dma_wait3A_691 = arith.constant 0 : i32
        %dma_wait3A_692 = tpu.memref_slice %arg13[%dma_wait3A_689, %dma_wait3A_691] : memref<8x1024xf32, #tpu.memory_space<vmem>> -> memref<1x1024xf32, #tpu.memory_space<vmem>>
        %dma_wait3A_693 = tpu.memref_squeeze %dma_wait3A_692 : memref<1x1024xf32, #tpu.memory_space<vmem>> -> memref<1024xf32, #tpu.memory_space<vmem>>
        %dma_wait3A_694 = arith.constant 0 : i32
        %dma_wait3A_695 = tpu.memref_slice %arg5[%mul3A_278, %dma_wait3A_690, %add3A, %dma_wait3A_694] : memref<200x8x32x1024xf32, #tpu.memory_space<hbm>> -> memref<1x1x1x1024xf32, #tpu.memory_space<hbm>>
        %dma_wait3A_696 = tpu.memref_squeeze %dma_wait3A_695 : memref<1x1x1x1024xf32, #tpu.memory_space<hbm>> -> memref<1024xf32, #tpu.memory_space<hbm>>
        %dma_wait3A_697 = arith.constant 0 : i32
        %dma_wait3A_698 = tpu.memref_slice %arg5[%mul3A_278, %dma_wait3A_690, %add3A, %dma_wait3A_697] : memref<200x8x32x1024xf32, #tpu.memory_space<hbm>> -> memref<1x1x1x1024xf32, #tpu.memory_space<hbm>>
        %dma_wait3A_699 = tpu.memref_squeeze %dma_wait3A_698 : memref<1x1x1x1024xf32, #tpu.memory_space<hbm>> -> memref<1024xf32, #tpu.memory_space<hbm>>
        %dma_wait3A_700 = arith.constant 0 : i32
        %dma_wait3A_701 = tpu.memref_slice %arg13[%dma_wait3A_689, %dma_wait3A_700] : memref<8x1024xf32, #tpu.memory_space<vmem>> -> memref<1x1024xf32, #tpu.memory_space<vmem>>
        %dma_wait3A_702 = tpu.memref_squeeze %dma_wait3A_701 : memref<1x1024xf32, #tpu.memory_space<vmem>> -> memref<1024xf32, #tpu.memory_space<vmem>>
        tpu.wait_dma2 semaphore(%arg19 : memref<!tpu.dma_semaphore, #tpu.memory_space<semaphore_mem>>) src(%dma_wait3A_702 : memref<1024xf32, #tpu.memory_space<vmem>>) dst(%dma_wait3A_699 : memref<1024xf32, #tpu.memory_space<hbm>>)
        %dma_wait3A_703 = arith.constant 2 : i32
        %dma_wait3A_704 = arith.constant 2 : i32
        %dma_wait3A_705 = arith.constant 0 : i32
        %dma_wait3A_706 = tpu.memref_slice %arg13[%dma_wait3A_703, %dma_wait3A_705] : memref<8x1024xf32, #tpu.memory_space<vmem>> -> memref<1x1024xf32, #tpu.memory_space<vmem>>
        %dma_wait3A_707 = tpu.memref_squeeze %dma_wait3A_706 : memref<1x1024xf32, #tpu.memory_space<vmem>> -> memref<1024xf32, #tpu.memory_space<vmem>>
        %dma_wait3A_708 = arith.constant 0 : i32
        %dma_wait3A_709 = tpu.memref_slice %arg5[%mul3A_278, %dma_wait3A_704, %add3A, %dma_wait3A_708] : memref<200x8x32x1024xf32, #tpu.memory_space<hbm>> -> memref<1x1x1x1024xf32, #tpu.memory_space<hbm>>
        %dma_wait3A_710 = tpu.memref_squeeze %dma_wait3A_709 : memref<1x1x1x1024xf32, #tpu.memory_space<hbm>> -> memref<1024xf32, #tpu.memory_space<hbm>>
        %dma_wait3A_711 = arith.constant 0 : i32
        %dma_wait3A_712 = tpu.memref_slice %arg5[%mul3A_278, %dma_wait3A_704, %add3A, %dma_wait3A_711] : memref<200x8x32x1024xf32, #tpu.memory_space<hbm>> -> memref<1x1x1x1024xf32, #tpu.memory_space<hbm>>
        %dma_wait3A_713 = tpu.memref_squeeze %dma_wait3A_712 : memref<1x1x1x1024xf32, #tpu.memory_space<hbm>> -> memref<1024xf32, #tpu.memory_space<hbm>>
        %dma_wait3A_714 = arith.constant 0 : i32
        %dma_wait3A_715 = tpu.memref_slice %arg13[%dma_wait3A_703, %dma_wait3A_714] : memref<8x1024xf32, #tpu.memory_space<vmem>> -> memref<1x1024xf32, #tpu.memory_space<vmem>>
        %dma_wait3A_716 = tpu.memref_squeeze %dma_wait3A_715 : memref<1x1024xf32, #tpu.memory_space<vmem>> -> memref<1024xf32, #tpu.memory_space<vmem>>
        tpu.wait_dma2 semaphore(%arg19 : memref<!tpu.dma_semaphore, #tpu.memory_space<semaphore_mem>>) src(%dma_wait3A_716 : memref<1024xf32, #tpu.memory_space<vmem>>) dst(%dma_wait3A_713 : memref<1024xf32, #tpu.memory_space<hbm>>)
        %dma_wait3A_717 = arith.constant 2 : i32
        %dma_wait3A_718 = arith.constant 2 : i32
        %dma_wait3A_719 = arith.constant 0 : i32
        %dma_wait3A_720 = tpu.memref_slice %arg13[%dma_wait3A_717, %dma_wait3A_719] : memref<8x1024xf32, #tpu.memory_space<vmem>> -> memref<1x1024xf32, #tpu.memory_space<vmem>>
        %dma_wait3A_721 = tpu.memref_squeeze %dma_wait3A_720 : memref<1x1024xf32, #tpu.memory_space<vmem>> -> memref<1024xf32, #tpu.memory_space<vmem>>
        %dma_wait3A_722 = arith.constant 0 : i32
        %dma_wait3A_723 = tpu.memref_slice %arg5[%mul3A_278, %dma_wait3A_718, %add3A, %dma_wait3A_722] : memref<200x8x32x1024xf32, #tpu.memory_space<hbm>> -> memref<1x1x1x1024xf32, #tpu.memory_space<hbm>>
        %dma_wait3A_724 = tpu.memref_squeeze %dma_wait3A_723 : memref<1x1x1x1024xf32, #tpu.memory_space<hbm>> -> memref<1024xf32, #tpu.memory_space<hbm>>
        %dma_wait3A_725 = arith.constant 0 : i32
        %dma_wait3A_726 = tpu.memref_slice %arg5[%mul3A_278, %dma_wait3A_718, %add3A, %dma_wait3A_725] : memref<200x8x32x1024xf32, #tpu.memory_space<hbm>> -> memref<1x1x1x1024xf32, #tpu.memory_space<hbm>>
        %dma_wait3A_727 = tpu.memref_squeeze %dma_wait3A_726 : memref<1x1x1x1024xf32, #tpu.memory_space<hbm>> -> memref<1024xf32, #tpu.memory_space<hbm>>
        %dma_wait3A_728 = arith.constant 0 : i32
        %dma_wait3A_729 = tpu.memref_slice %arg13[%dma_wait3A_717, %dma_wait3A_728] : memref<8x1024xf32, #tpu.memory_space<vmem>> -> memref<1x1024xf32, #tpu.memory_space<vmem>>
        %dma_wait3A_730 = tpu.memref_squeeze %dma_wait3A_729 : memref<1x1024xf32, #tpu.memory_space<vmem>> -> memref<1024xf32, #tpu.memory_space<vmem>>
        tpu.wait_dma2 semaphore(%arg19 : memref<!tpu.dma_semaphore, #tpu.memory_space<semaphore_mem>>) src(%dma_wait3A_730 : memref<1024xf32, #tpu.memory_space<vmem>>) dst(%dma_wait3A_727 : memref<1024xf32, #tpu.memory_space<hbm>>)
        %dma_wait3A_731 = arith.constant 3 : i32
        %dma_wait3A_732 = arith.constant 3 : i32
        %dma_wait3A_733 = arith.constant 0 : i32
        %dma_wait3A_734 = tpu.memref_slice %arg13[%dma_wait3A_731, %dma_wait3A_733] : memref<8x1024xf32, #tpu.memory_space<vmem>> -> memref<1x1024xf32, #tpu.memory_space<vmem>>
        %dma_wait3A_735 = tpu.memref_squeeze %dma_wait3A_734 : memref<1x1024xf32, #tpu.memory_space<vmem>> -> memref<1024xf32, #tpu.memory_space<vmem>>
        %dma_wait3A_736 = arith.constant 0 : i32
        %dma_wait3A_737 = tpu.memref_slice %arg5[%mul3A_278, %dma_wait3A_732, %add3A, %dma_wait3A_736] : memref<200x8x32x1024xf32, #tpu.memory_space<hbm>> -> memref<1x1x1x1024xf32, #tpu.memory_space<hbm>>
        %dma_wait3A_738 = tpu.memref_squeeze %dma_wait3A_737 : memref<1x1x1x1024xf32, #tpu.memory_space<hbm>> -> memref<1024xf32, #tpu.memory_space<hbm>>
        %dma_wait3A_739 = arith.constant 0 : i32
        %dma_wait3A_740 = tpu.memref_slice %arg5[%mul3A_278, %dma_wait3A_732, %add3A, %dma_wait3A_739] : memref<200x8x32x1024xf32, #tpu.memory_space<hbm>> -> memref<1x1x1x1024xf32, #tpu.memory_space<hbm>>
        %dma_wait3A_741 = tpu.memref_squeeze %dma_wait3A_740 : memref<1x1x1x1024xf32, #tpu.memory_space<hbm>> -> memref<1024xf32, #tpu.memory_space<hbm>>
        %dma_wait3A_742 = arith.constant 0 : i32
        %dma_wait3A_743 = tpu.memref_slice %arg13[%dma_wait3A_731, %dma_wait3A_742] : memref<8x1024xf32, #tpu.memory_space<vmem>> -> memref<1x1024xf32, #tpu.memory_space<vmem>>
        %dma_wait3A_744 = tpu.memref_squeeze %dma_wait3A_743 : memref<1x1024xf32, #tpu.memory_space<vmem>> -> memref<1024xf32, #tpu.memory_space<vmem>>
        tpu.wait_dma2 semaphore(%arg19 : memref<!tpu.dma_semaphore, #tpu.memory_space<semaphore_mem>>) src(%dma_wait3A_744 : memref<1024xf32, #tpu.memory_space<vmem>>) dst(%dma_wait3A_741 : memref<1024xf32, #tpu.memory_space<hbm>>)
        %dma_wait3A_745 = arith.constant 3 : i32
        %dma_wait3A_746 = arith.constant 3 : i32
        %dma_wait3A_747 = arith.constant 0 : i32
        %dma_wait3A_748 = tpu.memref_slice %arg13[%dma_wait3A_745, %dma_wait3A_747] : memref<8x1024xf32, #tpu.memory_space<vmem>> -> memref<1x1024xf32, #tpu.memory_space<vmem>>
        %dma_wait3A_749 = tpu.memref_squeeze %dma_wait3A_748 : memref<1x1024xf32, #tpu.memory_space<vmem>> -> memref<1024xf32, #tpu.memory_space<vmem>>
        %dma_wait3A_750 = arith.constant 0 : i32
        %dma_wait3A_751 = tpu.memref_slice %arg5[%mul3A_278, %dma_wait3A_746, %add3A, %dma_wait3A_750] : memref<200x8x32x1024xf32, #tpu.memory_space<hbm>> -> memref<1x1x1x1024xf32, #tpu.memory_space<hbm>>
        %dma_wait3A_752 = tpu.memref_squeeze %dma_wait3A_751 : memref<1x1x1x1024xf32, #tpu.memory_space<hbm>> -> memref<1024xf32, #tpu.memory_space<hbm>>
        %dma_wait3A_753 = arith.constant 0 : i32
        %dma_wait3A_754 = tpu.memref_slice %arg5[%mul3A_278, %dma_wait3A_746, %add3A, %dma_wait3A_753] : memref<200x8x32x1024xf32, #tpu.memory_space<hbm>> -> memref<1x1x1x1024xf32, #tpu.memory_space<hbm>>
        %dma_wait3A_755 = tpu.memref_squeeze %dma_wait3A_754 : memref<1x1x1x1024xf32, #tpu.memory_space<hbm>> -> memref<1024xf32, #tpu.memory_space<hbm>>
        %dma_wait3A_756 = arith.constant 0 : i32
        %dma_wait3A_757 = tpu.memref_slice %arg13[%dma_wait3A_745, %dma_wait3A_756] : memref<8x1024xf32, #tpu.memory_space<vmem>> -> memref<1x1024xf32, #tpu.memory_space<vmem>>
        %dma_wait3A_758 = tpu.memref_squeeze %dma_wait3A_757 : memref<1x1024xf32, #tpu.memory_space<vmem>> -> memref<1024xf32, #tpu.memory_space<vmem>>
        tpu.wait_dma2 semaphore(%arg19 : memref<!tpu.dma_semaphore, #tpu.memory_space<semaphore_mem>>) src(%dma_wait3A_758 : memref<1024xf32, #tpu.memory_space<vmem>>) dst(%dma_wait3A_755 : memref<1024xf32, #tpu.memory_space<hbm>>)
        %dma_wait3A_759 = arith.constant 4 : i32
        %dma_wait3A_760 = arith.constant 4 : i32
        %dma_wait3A_761 = arith.constant 0 : i32
        %dma_wait3A_762 = tpu.memref_slice %arg13[%dma_wait3A_759, %dma_wait3A_761] : memref<8x1024xf32, #tpu.memory_space<vmem>> -> memref<1x1024xf32, #tpu.memory_space<vmem>>
        %dma_wait3A_763 = tpu.memref_squeeze %dma_wait3A_762 : memref<1x1024xf32, #tpu.memory_space<vmem>> -> memref<1024xf32, #tpu.memory_space<vmem>>
        %dma_wait3A_764 = arith.constant 0 : i32
        %dma_wait3A_765 = tpu.memref_slice %arg5[%mul3A_278, %dma_wait3A_760, %add3A, %dma_wait3A_764] : memref<200x8x32x1024xf32, #tpu.memory_space<hbm>> -> memref<1x1x1x1024xf32, #tpu.memory_space<hbm>>
        %dma_wait3A_766 = tpu.memref_squeeze %dma_wait3A_765 : memref<1x1x1x1024xf32, #tpu.memory_space<hbm>> -> memref<1024xf32, #tpu.memory_space<hbm>>
        %dma_wait3A_767 = arith.constant 0 : i32
        %dma_wait3A_768 = tpu.memref_slice %arg5[%mul3A_278, %dma_wait3A_760, %add3A, %dma_wait3A_767] : memref<200x8x32x1024xf32, #tpu.memory_space<hbm>> -> memref<1x1x1x1024xf32, #tpu.memory_space<hbm>>
        %dma_wait3A_769 = tpu.memref_squeeze %dma_wait3A_768 : memref<1x1x1x1024xf32, #tpu.memory_space<hbm>> -> memref<1024xf32, #tpu.memory_space<hbm>>
        %dma_wait3A_770 = arith.constant 0 : i32
        %dma_wait3A_771 = tpu.memref_slice %arg13[%dma_wait3A_759, %dma_wait3A_770] : memref<8x1024xf32, #tpu.memory_space<vmem>> -> memref<1x1024xf32, #tpu.memory_space<vmem>>
        %dma_wait3A_772 = tpu.memref_squeeze %dma_wait3A_771 : memref<1x1024xf32, #tpu.memory_space<vmem>> -> memref<1024xf32, #tpu.memory_space<vmem>>
        tpu.wait_dma2 semaphore(%arg19 : memref<!tpu.dma_semaphore, #tpu.memory_space<semaphore_mem>>) src(%dma_wait3A_772 : memref<1024xf32, #tpu.memory_space<vmem>>) dst(%dma_wait3A_769 : memref<1024xf32, #tpu.memory_space<hbm>>)
        %dma_wait3A_773 = arith.constant 4 : i32
        %dma_wait3A_774 = arith.constant 4 : i32
        %dma_wait3A_775 = arith.constant 0 : i32
        %dma_wait3A_776 = tpu.memref_slice %arg13[%dma_wait3A_773, %dma_wait3A_775] : memref<8x1024xf32, #tpu.memory_space<vmem>> -> memref<1x1024xf32, #tpu.memory_space<vmem>>
        %dma_wait3A_777 = tpu.memref_squeeze %dma_wait3A_776 : memref<1x1024xf32, #tpu.memory_space<vmem>> -> memref<1024xf32, #tpu.memory_space<vmem>>
        %dma_wait3A_778 = arith.constant 0 : i32
        %dma_wait3A_779 = tpu.memref_slice %arg5[%mul3A_278, %dma_wait3A_774, %add3A, %dma_wait3A_778] : memref<200x8x32x1024xf32, #tpu.memory_space<hbm>> -> memref<1x1x1x1024xf32, #tpu.memory_space<hbm>>
        %dma_wait3A_780 = tpu.memref_squeeze %dma_wait3A_779 : memref<1x1x1x1024xf32, #tpu.memory_space<hbm>> -> memref<1024xf32, #tpu.memory_space<hbm>>
        %dma_wait3A_781 = arith.constant 0 : i32
        %dma_wait3A_782 = tpu.memref_slice %arg5[%mul3A_278, %dma_wait3A_774, %add3A, %dma_wait3A_781] : memref<200x8x32x1024xf32, #tpu.memory_space<hbm>> -> memref<1x1x1x1024xf32, #tpu.memory_space<hbm>>
        %dma_wait3A_783 = tpu.memref_squeeze %dma_wait3A_782 : memref<1x1x1x1024xf32, #tpu.memory_space<hbm>> -> memref<1024xf32, #tpu.memory_space<hbm>>
        %dma_wait3A_784 = arith.constant 0 : i32
        %dma_wait3A_785 = tpu.memref_slice %arg13[%dma_wait3A_773, %dma_wait3A_784] : memref<8x1024xf32, #tpu.memory_space<vmem>> -> memref<1x1024xf32, #tpu.memory_space<vmem>>
        %dma_wait3A_786 = tpu.memref_squeeze %dma_wait3A_785 : memref<1x1024xf32, #tpu.memory_space<vmem>> -> memref<1024xf32, #tpu.memory_space<vmem>>
        tpu.wait_dma2 semaphore(%arg19 : memref<!tpu.dma_semaphore, #tpu.memory_space<semaphore_mem>>) src(%dma_wait3A_786 : memref<1024xf32, #tpu.memory_space<vmem>>) dst(%dma_wait3A_783 : memref<1024xf32, #tpu.memory_space<hbm>>)
        %dma_wait3A_787 = arith.constant 5 : i32
        %dma_wait3A_788 = arith.constant 5 : i32
        %dma_wait3A_789 = arith.constant 0 : i32
        %dma_wait3A_790 = tpu.memref_slice %arg13[%dma_wait3A_787, %dma_wait3A_789] : memref<8x1024xf32, #tpu.memory_space<vmem>> -> memref<1x1024xf32, #tpu.memory_space<vmem>>
        %dma_wait3A_791 = tpu.memref_squeeze %dma_wait3A_790 : memref<1x1024xf32, #tpu.memory_space<vmem>> -> memref<1024xf32, #tpu.memory_space<vmem>>
        %dma_wait3A_792 = arith.constant 0 : i32
        %dma_wait3A_793 = tpu.memref_slice %arg5[%mul3A_278, %dma_wait3A_788, %add3A, %dma_wait3A_792] : memref<200x8x32x1024xf32, #tpu.memory_space<hbm>> -> memref<1x1x1x1024xf32, #tpu.memory_space<hbm>>
        %dma_wait3A_794 = tpu.memref_squeeze %dma_wait3A_793 : memref<1x1x1x1024xf32, #tpu.memory_space<hbm>> -> memref<1024xf32, #tpu.memory_space<hbm>>
        %dma_wait3A_795 = arith.constant 0 : i32
        %dma_wait3A_796 = tpu.memref_slice %arg5[%mul3A_278, %dma_wait3A_788, %add3A, %dma_wait3A_795] : memref<200x8x32x1024xf32, #tpu.memory_space<hbm>> -> memref<1x1x1x1024xf32, #tpu.memory_space<hbm>>
        %dma_wait3A_797 = tpu.memref_squeeze %dma_wait3A_796 : memref<1x1x1x1024xf32, #tpu.memory_space<hbm>> -> memref<1024xf32, #tpu.memory_space<hbm>>
        %dma_wait3A_798 = arith.constant 0 : i32
        %dma_wait3A_799 = tpu.memref_slice %arg13[%dma_wait3A_787, %dma_wait3A_798] : memref<8x1024xf32, #tpu.memory_space<vmem>> -> memref<1x1024xf32, #tpu.memory_space<vmem>>
        %dma_wait3A_800 = tpu.memref_squeeze %dma_wait3A_799 : memref<1x1024xf32, #tpu.memory_space<vmem>> -> memref<1024xf32, #tpu.memory_space<vmem>>
        tpu.wait_dma2 semaphore(%arg19 : memref<!tpu.dma_semaphore, #tpu.memory_space<semaphore_mem>>) src(%dma_wait3A_800 : memref<1024xf32, #tpu.memory_space<vmem>>) dst(%dma_wait3A_797 : memref<1024xf32, #tpu.memory_space<hbm>>)
        %dma_wait3A_801 = arith.constant 5 : i32
        %dma_wait3A_802 = arith.constant 5 : i32
        %dma_wait3A_803 = arith.constant 0 : i32
        %dma_wait3A_804 = tpu.memref_slice %arg13[%dma_wait3A_801, %dma_wait3A_803] : memref<8x1024xf32, #tpu.memory_space<vmem>> -> memref<1x1024xf32, #tpu.memory_space<vmem>>
        %dma_wait3A_805 = tpu.memref_squeeze %dma_wait3A_804 : memref<1x1024xf32, #tpu.memory_space<vmem>> -> memref<1024xf32, #tpu.memory_space<vmem>>
        %dma_wait3A_806 = arith.constant 0 : i32
        %dma_wait3A_807 = tpu.memref_slice %arg5[%mul3A_278, %dma_wait3A_802, %add3A, %dma_wait3A_806] : memref<200x8x32x1024xf32, #tpu.memory_space<hbm>> -> memref<1x1x1x1024xf32, #tpu.memory_space<hbm>>
        %dma_wait3A_808 = tpu.memref_squeeze %dma_wait3A_807 : memref<1x1x1x1024xf32, #tpu.memory_space<hbm>> -> memref<1024xf32, #tpu.memory_space<hbm>>
        %dma_wait3A_809 = arith.constant 0 : i32
        %dma_wait3A_810 = tpu.memref_slice %arg5[%mul3A_278, %dma_wait3A_802, %add3A, %dma_wait3A_809] : memref<200x8x32x1024xf32, #tpu.memory_space<hbm>> -> memref<1x1x1x1024xf32, #tpu.memory_space<hbm>>
        %dma_wait3A_811 = tpu.memref_squeeze %dma_wait3A_810 : memref<1x1x1x1024xf32, #tpu.memory_space<hbm>> -> memref<1024xf32, #tpu.memory_space<hbm>>
        %dma_wait3A_812 = arith.constant 0 : i32
        %dma_wait3A_813 = tpu.memref_slice %arg13[%dma_wait3A_801, %dma_wait3A_812] : memref<8x1024xf32, #tpu.memory_space<vmem>> -> memref<1x1024xf32, #tpu.memory_space<vmem>>
        %dma_wait3A_814 = tpu.memref_squeeze %dma_wait3A_813 : memref<1x1024xf32, #tpu.memory_space<vmem>> -> memref<1024xf32, #tpu.memory_space<vmem>>
        tpu.wait_dma2 semaphore(%arg19 : memref<!tpu.dma_semaphore, #tpu.memory_space<semaphore_mem>>) src(%dma_wait3A_814 : memref<1024xf32, #tpu.memory_space<vmem>>) dst(%dma_wait3A_811 : memref<1024xf32, #tpu.memory_space<hbm>>)
        %dma_wait3A_815 = arith.constant 6 : i32
        %dma_wait3A_816 = arith.constant 6 : i32
        %dma_wait3A_817 = arith.constant 0 : i32
        %dma_wait3A_818 = tpu.memref_slice %arg13[%dma_wait3A_815, %dma_wait3A_817] : memref<8x1024xf32, #tpu.memory_space<vmem>> -> memref<1x1024xf32, #tpu.memory_space<vmem>>
        %dma_wait3A_819 = tpu.memref_squeeze %dma_wait3A_818 : memref<1x1024xf32, #tpu.memory_space<vmem>> -> memref<1024xf32, #tpu.memory_space<vmem>>
        %dma_wait3A_820 = arith.constant 0 : i32
        %dma_wait3A_821 = tpu.memref_slice %arg5[%mul3A_278, %dma_wait3A_816, %add3A, %dma_wait3A_820] : memref<200x8x32x1024xf32, #tpu.memory_space<hbm>> -> memref<1x1x1x1024xf32, #tpu.memory_space<hbm>>
        %dma_wait3A_822 = tpu.memref_squeeze %dma_wait3A_821 : memref<1x1x1x1024xf32, #tpu.memory_space<hbm>> -> memref<1024xf32, #tpu.memory_space<hbm>>
        %dma_wait3A_823 = arith.constant 0 : i32
        %dma_wait3A_824 = tpu.memref_slice %arg5[%mul3A_278, %dma_wait3A_816, %add3A, %dma_wait3A_823] : memref<200x8x32x1024xf32, #tpu.memory_space<hbm>> -> memref<1x1x1x1024xf32, #tpu.memory_space<hbm>>
        %dma_wait3A_825 = tpu.memref_squeeze %dma_wait3A_824 : memref<1x1x1x1024xf32, #tpu.memory_space<hbm>> -> memref<1024xf32, #tpu.memory_space<hbm>>
        %dma_wait3A_826 = arith.constant 0 : i32
        %dma_wait3A_827 = tpu.memref_slice %arg13[%dma_wait3A_815, %dma_wait3A_826] : memref<8x1024xf32, #tpu.memory_space<vmem>> -> memref<1x1024xf32, #tpu.memory_space<vmem>>
        %dma_wait3A_828 = tpu.memref_squeeze %dma_wait3A_827 : memref<1x1024xf32, #tpu.memory_space<vmem>> -> memref<1024xf32, #tpu.memory_space<vmem>>
        tpu.wait_dma2 semaphore(%arg19 : memref<!tpu.dma_semaphore, #tpu.memory_space<semaphore_mem>>) src(%dma_wait3A_828 : memref<1024xf32, #tpu.memory_space<vmem>>) dst(%dma_wait3A_825 : memref<1024xf32, #tpu.memory_space<hbm>>)
        %dma_wait3A_829 = arith.constant 6 : i32
        %dma_wait3A_830 = arith.constant 6 : i32
        %dma_wait3A_831 = arith.constant 0 : i32
        %dma_wait3A_832 = tpu.memref_slice %arg13[%dma_wait3A_829, %dma_wait3A_831] : memref<8x1024xf32, #tpu.memory_space<vmem>> -> memref<1x1024xf32, #tpu.memory_space<vmem>>
        %dma_wait3A_833 = tpu.memref_squeeze %dma_wait3A_832 : memref<1x1024xf32, #tpu.memory_space<vmem>> -> memref<1024xf32, #tpu.memory_space<vmem>>
        %dma_wait3A_834 = arith.constant 0 : i32
        %dma_wait3A_835 = tpu.memref_slice %arg5[%mul3A_278, %dma_wait3A_830, %add3A, %dma_wait3A_834] : memref<200x8x32x1024xf32, #tpu.memory_space<hbm>> -> memref<1x1x1x1024xf32, #tpu.memory_space<hbm>>
        %dma_wait3A_836 = tpu.memref_squeeze %dma_wait3A_835 : memref<1x1x1x1024xf32, #tpu.memory_space<hbm>> -> memref<1024xf32, #tpu.memory_space<hbm>>
        %dma_wait3A_837 = arith.constant 0 : i32
        %dma_wait3A_838 = tpu.memref_slice %arg5[%mul3A_278, %dma_wait3A_830, %add3A, %dma_wait3A_837] : memref<200x8x32x1024xf32, #tpu.memory_space<hbm>> -> memref<1x1x1x1024xf32, #tpu.memory_space<hbm>>
        %dma_wait3A_839 = tpu.memref_squeeze %dma_wait3A_838 : memref<1x1x1x1024xf32, #tpu.memory_space<hbm>> -> memref<1024xf32, #tpu.memory_space<hbm>>
        %dma_wait3A_840 = arith.constant 0 : i32
        %dma_wait3A_841 = tpu.memref_slice %arg13[%dma_wait3A_829, %dma_wait3A_840] : memref<8x1024xf32, #tpu.memory_space<vmem>> -> memref<1x1024xf32, #tpu.memory_space<vmem>>
        %dma_wait3A_842 = tpu.memref_squeeze %dma_wait3A_841 : memref<1x1024xf32, #tpu.memory_space<vmem>> -> memref<1024xf32, #tpu.memory_space<vmem>>
        tpu.wait_dma2 semaphore(%arg19 : memref<!tpu.dma_semaphore, #tpu.memory_space<semaphore_mem>>) src(%dma_wait3A_842 : memref<1024xf32, #tpu.memory_space<vmem>>) dst(%dma_wait3A_839 : memref<1024xf32, #tpu.memory_space<hbm>>)
        %dma_wait3A_843 = arith.constant 7 : i32
        %dma_wait3A_844 = arith.constant 7 : i32
        %dma_wait3A_845 = arith.constant 0 : i32
        %dma_wait3A_846 = tpu.memref_slice %arg13[%dma_wait3A_843, %dma_wait3A_845] : memref<8x1024xf32, #tpu.memory_space<vmem>> -> memref<1x1024xf32, #tpu.memory_space<vmem>>
        %dma_wait3A_847 = tpu.memref_squeeze %dma_wait3A_846 : memref<1x1024xf32, #tpu.memory_space<vmem>> -> memref<1024xf32, #tpu.memory_space<vmem>>
        %dma_wait3A_848 = arith.constant 0 : i32
        %dma_wait3A_849 = tpu.memref_slice %arg5[%mul3A_278, %dma_wait3A_844, %add3A, %dma_wait3A_848] : memref<200x8x32x1024xf32, #tpu.memory_space<hbm>> -> memref<1x1x1x1024xf32, #tpu.memory_space<hbm>>
        %dma_wait3A_850 = tpu.memref_squeeze %dma_wait3A_849 : memref<1x1x1x1024xf32, #tpu.memory_space<hbm>> -> memref<1024xf32, #tpu.memory_space<hbm>>
        %dma_wait3A_851 = arith.constant 0 : i32
        %dma_wait3A_852 = tpu.memref_slice %arg5[%mul3A_278, %dma_wait3A_844, %add3A, %dma_wait3A_851] : memref<200x8x32x1024xf32, #tpu.memory_space<hbm>> -> memref<1x1x1x1024xf32, #tpu.memory_space<hbm>>
        %dma_wait3A_853 = tpu.memref_squeeze %dma_wait3A_852 : memref<1x1x1x1024xf32, #tpu.memory_space<hbm>> -> memref<1024xf32, #tpu.memory_space<hbm>>
        %dma_wait3A_854 = arith.constant 0 : i32
        %dma_wait3A_855 = tpu.memref_slice %arg13[%dma_wait3A_843, %dma_wait3A_854] : memref<8x1024xf32, #tpu.memory_space<vmem>> -> memref<1x1024xf32, #tpu.memory_space<vmem>>
        %dma_wait3A_856 = tpu.memref_squeeze %dma_wait3A_855 : memref<1x1024xf32, #tpu.memory_space<vmem>> -> memref<1024xf32, #tpu.memory_space<vmem>>
        tpu.wait_dma2 semaphore(%arg19 : memref<!tpu.dma_semaphore, #tpu.memory_space<semaphore_mem>>) src(%dma_wait3A_856 : memref<1024xf32, #tpu.memory_space<vmem>>) dst(%dma_wait3A_853 : memref<1024xf32, #tpu.memory_space<hbm>>)
        %dma_wait3A_857 = arith.constant 7 : i32
        %dma_wait3A_858 = arith.constant 7 : i32
        %dma_wait3A_859 = arith.constant 0 : i32
        %dma_wait3A_860 = tpu.memref_slice %arg13[%dma_wait3A_857, %dma_wait3A_859] : memref<8x1024xf32, #tpu.memory_space<vmem>> -> memref<1x1024xf32, #tpu.memory_space<vmem>>
        %dma_wait3A_861 = tpu.memref_squeeze %dma_wait3A_860 : memref<1x1024xf32, #tpu.memory_space<vmem>> -> memref<1024xf32, #tpu.memory_space<vmem>>
        %dma_wait3A_862 = arith.constant 0 : i32
        %dma_wait3A_863 = tpu.memref_slice %arg5[%mul3A_278, %dma_wait3A_858, %add3A, %dma_wait3A_862] : memref<200x8x32x1024xf32, #tpu.memory_space<hbm>> -> memref<1x1x1x1024xf32, #tpu.memory_space<hbm>>
        %dma_wait3A_864 = tpu.memref_squeeze %dma_wait3A_863 : memref<1x1x1x1024xf32, #tpu.memory_space<hbm>> -> memref<1024xf32, #tpu.memory_space<hbm>>
        %dma_wait3A_865 = arith.constant 0 : i32
        %dma_wait3A_866 = tpu.memref_slice %arg5[%mul3A_278, %dma_wait3A_858, %add3A, %dma_wait3A_865] : memref<200x8x32x1024xf32, #tpu.memory_space<hbm>> -> memref<1x1x1x1024xf32, #tpu.memory_space<hbm>>
        %dma_wait3A_867 = tpu.memref_squeeze %dma_wait3A_866 : memref<1x1x1x1024xf32, #tpu.memory_space<hbm>> -> memref<1024xf32, #tpu.memory_space<hbm>>
        %dma_wait3A_868 = arith.constant 0 : i32
        %dma_wait3A_869 = tpu.memref_slice %arg13[%dma_wait3A_857, %dma_wait3A_868] : memref<8x1024xf32, #tpu.memory_space<vmem>> -> memref<1x1024xf32, #tpu.memory_space<vmem>>
        %dma_wait3A_870 = tpu.memref_squeeze %dma_wait3A_869 : memref<1x1024xf32, #tpu.memory_space<vmem>> -> memref<1024xf32, #tpu.memory_space<vmem>>
        tpu.wait_dma2 semaphore(%arg19 : memref<!tpu.dma_semaphore, #tpu.memory_space<semaphore_mem>>) src(%dma_wait3A_870 : memref<1024xf32, #tpu.memory_space<vmem>>) dst(%dma_wait3A_867 : memref<1024xf32, #tpu.memory_space<hbm>>)
      } else {
      }
      %dma_wait3A_291 = arith.constant 0 : i32
      %dma_wait3A_292 = tpu.memref_slice %arg7[%mul3A_278, %dma_wait3A_291] : memref<200x128xi32, #tpu.memory_space<vmem>> -> memref<1x128xi32, #tpu.memory_space<vmem>>
      %dma_wait3A_293 = tpu.memref_squeeze %dma_wait3A_292 : memref<1x128xi32, #tpu.memory_space<vmem>> -> memref<128xi32, #tpu.memory_space<vmem>>
      %dma_wait3A_294 = arith.constant 0 : i32
      %dma_wait3A_295 = arith.constant 0 : i32
      %dma_wait3A_296 = tpu.memref_slice %arg4[%dma_wait3A_294, %dma_wait3A_295] : memref<100001x64xf32, #tpu.memory_space<hbm>> -> memref<100001x64xf32, #tpu.memory_space<hbm>>
      tpu.wait_indirect_dma semaphore(%arg18 : memref<!tpu.dma_semaphore, #tpu.memory_space<semaphore_mem>>) src(%dma_wait3A_296 : memref<100001x64xf32, #tpu.memory_space<hbm>>) dst(%arg11 : memref<128x64xf32, #tpu.memory_space<vmem>>)
      %gt3A_297 = vector.broadcast %mul3A_278 : i32 to vector<16xi32>
      %gt3A_298 = arith.cmpi sgt, %get3A_5, %gt3A_297 : vector<16xi32>
      %jit3A = arith.constant 1.000000e+00 : f32
      %jit3A_299 = arith.constant 0.000000e+00 : f32
      %broadcast_in_dim3A = vector.broadcast %jit3A : f32 to vector<16xf32>
      %broadcast_in_dim3A_300 = vector.broadcast %jit3A_299 : f32 to vector<16xf32>
      %select_n3A = arith.select %gt3A_298, %broadcast_in_dim3A, %broadcast_in_dim3A_300 : vector<16xi1>, vector<16xf32>
      %gt3A_301 = vector.broadcast %mul3A_278 : i32 to vector<16xi32>
      %gt3A_302 = arith.cmpi sgt, %get3A_7, %gt3A_301 : vector<16xi32>
      %jit3A_303 = arith.constant 1.000000e+00 : f32
      %jit3A_304 = arith.constant 0.000000e+00 : f32
      %broadcast_in_dim3A_305 = vector.broadcast %jit3A_303 : f32 to vector<16xf32>
      %broadcast_in_dim3A_306 = vector.broadcast %jit3A_304 : f32 to vector<16xf32>
      %select_n3A_307 = arith.select %gt3A_302, %broadcast_in_dim3A_305, %broadcast_in_dim3A_306 : vector<16xi1>, vector<16xf32>
      %gt3A_308 = vector.broadcast %mul3A_278 : i32 to vector<16xi32>
      %gt3A_309 = arith.cmpi sgt, %get3A_9, %gt3A_308 : vector<16xi32>
      %jit3A_310 = arith.constant 1.000000e+00 : f32
      %jit3A_311 = arith.constant 0.000000e+00 : f32
      %broadcast_in_dim3A_312 = vector.broadcast %jit3A_310 : f32 to vector<16xf32>
      %broadcast_in_dim3A_313 = vector.broadcast %jit3A_311 : f32 to vector<16xf32>
      %select_n3A_314 = arith.select %gt3A_309, %broadcast_in_dim3A_312, %broadcast_in_dim3A_313 : vector<16xi1>, vector<16xf32>
      %gt3A_315 = vector.broadcast %mul3A_278 : i32 to vector<16xi32>
      %gt3A_316 = arith.cmpi sgt, %get3A_11, %gt3A_315 : vector<16xi32>
      %jit3A_317 = arith.constant 1.000000e+00 : f32
      %jit3A_318 = arith.constant 0.000000e+00 : f32
      %broadcast_in_dim3A_319 = vector.broadcast %jit3A_317 : f32 to vector<16xf32>
      %broadcast_in_dim3A_320 = vector.broadcast %jit3A_318 : f32 to vector<16xf32>
      %select_n3A_321 = arith.select %gt3A_316, %broadcast_in_dim3A_319, %broadcast_in_dim3A_320 : vector<16xi1>, vector<16xf32>
      %gt3A_322 = vector.broadcast %mul3A_278 : i32 to vector<16xi32>
      %gt3A_323 = arith.cmpi sgt, %get3A_13, %gt3A_322 : vector<16xi32>
      %jit3A_324 = arith.constant 1.000000e+00 : f32
      %jit3A_325 = arith.constant 0.000000e+00 : f32
      %broadcast_in_dim3A_326 = vector.broadcast %jit3A_324 : f32 to vector<16xf32>
      %broadcast_in_dim3A_327 = vector.broadcast %jit3A_325 : f32 to vector<16xf32>
      %select_n3A_328 = arith.select %gt3A_323, %broadcast_in_dim3A_326, %broadcast_in_dim3A_327 : vector<16xi1>, vector<16xf32>
      %gt3A_329 = vector.broadcast %mul3A_278 : i32 to vector<16xi32>
      %gt3A_330 = arith.cmpi sgt, %get3A_15, %gt3A_329 : vector<16xi32>
      %jit3A_331 = arith.constant 1.000000e+00 : f32
      %jit3A_332 = arith.constant 0.000000e+00 : f32
      %broadcast_in_dim3A_333 = vector.broadcast %jit3A_331 : f32 to vector<16xf32>
      %broadcast_in_dim3A_334 = vector.broadcast %jit3A_332 : f32 to vector<16xf32>
      %select_n3A_335 = arith.select %gt3A_330, %broadcast_in_dim3A_333, %broadcast_in_dim3A_334 : vector<16xi1>, vector<16xf32>
      %gt3A_336 = vector.broadcast %mul3A_278 : i32 to vector<16xi32>
      %gt3A_337 = arith.cmpi sgt, %get3A_17, %gt3A_336 : vector<16xi32>
      %jit3A_338 = arith.constant 1.000000e+00 : f32
      %jit3A_339 = arith.constant 0.000000e+00 : f32
      %broadcast_in_dim3A_340 = vector.broadcast %jit3A_338 : f32 to vector<16xf32>
      %broadcast_in_dim3A_341 = vector.broadcast %jit3A_339 : f32 to vector<16xf32>
      %select_n3A_342 = arith.select %gt3A_337, %broadcast_in_dim3A_340, %broadcast_in_dim3A_341 : vector<16xi1>, vector<16xf32>
      %gt3A_343 = vector.broadcast %mul3A_278 : i32 to vector<16xi32>
      %gt3A_344 = arith.cmpi sgt, %get3A_19, %gt3A_343 : vector<16xi32>
      %jit3A_345 = arith.constant 1.000000e+00 : f32
      %jit3A_346 = arith.constant 0.000000e+00 : f32
      %broadcast_in_dim3A_347 = vector.broadcast %jit3A_345 : f32 to vector<16xf32>
      %broadcast_in_dim3A_348 = vector.broadcast %jit3A_346 : f32 to vector<16xf32>
      %select_n3A_349 = arith.select %gt3A_344, %broadcast_in_dim3A_347, %broadcast_in_dim3A_348 : vector<16xi1>, vector<16xf32>
      %parallel_loop3A = arith.constant 0 : i32
      %parallel_loop3A_350 = arith.constant 64 : i32
      %parallel_loop3A_351 = arith.constant 1 : i32
      %parallel_loop3A_352:8 = scf.for %parallel_loop3A_647 = %parallel_loop3A to %parallel_loop3A_350 step %parallel_loop3A_351 iter_args(%parallel_loop3A_648 = %select_n3A, %parallel_loop3A_649 = %select_n3A_307, %parallel_loop3A_650 = %select_n3A_314, %parallel_loop3A_651 = %select_n3A_321, %parallel_loop3A_652 = %select_n3A_328, %parallel_loop3A_653 = %select_n3A_335, %parallel_loop3A_654 = %select_n3A_342, %parallel_loop3A_655 = %select_n3A_349) -> (vector<16xf32>, vector<16xf32>, vector<16xf32>, vector<16xf32>, vector<16xf32>, vector<16xf32>, vector<16xf32>, vector<16xf32>)  : i32 {
        %parallel_loop3A_656 = arith.index_cast %parallel_loop3A_647 : i32 to index
        %parallel_loop3A_657 = arith.constant 0 : index
        %parallel_loop3A_658 = tpu.vector_load %arg15[%parallel_loop3A_656, %parallel_loop3A_657] {strides = array<i32>} : memref<64x16xi32, #tpu.memory_space<vmem>>, vector<16xi32>,
        %parallel_loop3A_659 = arith.index_cast %parallel_loop3A_647 : i32 to index
        %parallel_loop3A_660 = arith.constant 0 : index
        %parallel_loop3A_661 = tpu.vector_load %arg16[%parallel_loop3A_659, %parallel_loop3A_660] {strides = array<i32>} : memref<64x16xi32, #tpu.memory_space<vmem>>, vector<16xi32>,
        %parallel_loop3A_662 = arith.index_cast %parallel_loop3A_647 : i32 to index
        %parallel_loop3A_663 = arith.constant 0 : index
        %parallel_loop3A_664 = tpu.vector_load %arg17[%parallel_loop3A_662, %parallel_loop3A_663] {strides = array<i32>} : memref<64x16xi32, #tpu.memory_space<vmem>>, vector<16xi32>,
        %parallel_loop3A_665 = arith.constant 0 : i32
        %parallel_loop3A_666 = vector.broadcast %parallel_loop3A_665 : i32 to vector<16xi32>
        %parallel_loop3A_667 = arith.addi %iota3A, %parallel_loop3A_666 : vector<16xi32>
        %parallel_loop3A_668 = tpu.vector_load_idx %arg11[%parallel_loop3A_667, %parallel_loop3A_658] : memref<128x64xf32, #tpu.memory_space<vmem>>[vector<16xi32>, vector<16xi32>], vector<16xf32>,
        %parallel_loop3A_669 = arith.constant 0 : i32
        %parallel_loop3A_670 = vector.broadcast %parallel_loop3A_669 : i32 to vector<16xi32>
        %parallel_loop3A_671 = arith.addi %parallel_loop3A_664, %parallel_loop3A_670 : vector<16xi32>
        %parallel_loop3A_672 = arith.mulf %parallel_loop3A_668, %parallel_loop3A_648 : vector<16xf32>
        tpu.vector_store_idx %arg13[%parallel_loop3A_661, %parallel_loop3A_671], %parallel_loop3A_672 : memref<8x1024xf32, #tpu.memory_space<vmem>>[vector<16xi32>, vector<16xi32>], vector<16xf32>,
        %parallel_loop3A_673 = arith.constant 16 : i32
        %parallel_loop3A_674 = vector.broadcast %parallel_loop3A_673 : i32 to vector<16xi32>
        %parallel_loop3A_675 = arith.addi %iota3A, %parallel_loop3A_674 : vector<16xi32>
        %parallel_loop3A_676 = tpu.vector_load_idx %arg11[%parallel_loop3A_675, %parallel_loop3A_658] : memref<128x64xf32, #tpu.memory_space<vmem>>[vector<16xi32>, vector<16xi32>], vector<16xf32>,
        %parallel_loop3A_677 = arith.constant 16 : i32
        %parallel_loop3A_678 = vector.broadcast %parallel_loop3A_677 : i32 to vector<16xi32>
        %parallel_loop3A_679 = arith.addi %parallel_loop3A_664, %parallel_loop3A_678 : vector<16xi32>
        %parallel_loop3A_680 = arith.mulf %parallel_loop3A_676, %parallel_loop3A_649 : vector<16xf32>
        tpu.vector_store_idx %arg13[%parallel_loop3A_661, %parallel_loop3A_679], %parallel_loop3A_680 : memref<8x1024xf32, #tpu.memory_space<vmem>>[vector<16xi32>, vector<16xi32>], vector<16xf32>,
        %parallel_loop3A_681 = arith.constant 32 : i32
        %parallel_loop3A_682 = vector.broadcast %parallel_loop3A_681 : i32 to vector<16xi32>
        %parallel_loop3A_683 = arith.addi %iota3A, %parallel_loop3A_682 : vector<16xi32>
        %parallel_loop3A_684 = tpu.vector_load_idx %arg11[%parallel_loop3A_683, %parallel_loop3A_658] : memref<128x64xf32, #tpu.memory_space<vmem>>[vector<16xi32>, vector<16xi32>], vector<16xf32>,
        %parallel_loop3A_685 = arith.constant 32 : i32
        %parallel_loop3A_686 = vector.broadcast %parallel_loop3A_685 : i32 to vector<16xi32>
        %parallel_loop3A_687 = arith.addi %parallel_loop3A_664, %parallel_loop3A_686 : vector<16xi32>
        %parallel_loop3A_688 = arith.mulf %parallel_loop3A_684, %parallel_loop3A_650 : vector<16xf32>
        tpu.vector_store_idx %arg13[%parallel_loop3A_661, %parallel_loop3A_687], %parallel_loop3A_688 : memref<8x1024xf32, #tpu.memory_space<vmem>>[vector<16xi32>, vector<16xi32>], vector<16xf32>,
        %parallel_loop3A_689 = arith.constant 48 : i32
        %parallel_loop3A_690 = vector.broadcast %parallel_loop3A_689 : i32 to vector<16xi32>
        %parallel_loop3A_691 = arith.addi %iota3A, %parallel_loop3A_690 : vector<16xi32>
        %parallel_loop3A_692 = tpu.vector_load_idx %arg11[%parallel_loop3A_691, %parallel_loop3A_658] : memref<128x64xf32, #tpu.memory_space<vmem>>[vector<16xi32>, vector<16xi32>], vector<16xf32>,
        %parallel_loop3A_693 = arith.constant 48 : i32
        %parallel_loop3A_694 = vector.broadcast %parallel_loop3A_693 : i32 to vector<16xi32>
        %parallel_loop3A_695 = arith.addi %parallel_loop3A_664, %parallel_loop3A_694 : vector<16xi32>
        %parallel_loop3A_696 = arith.mulf %parallel_loop3A_692, %parallel_loop3A_651 : vector<16xf32>
        tpu.vector_store_idx %arg13[%parallel_loop3A_661, %parallel_loop3A_695], %parallel_loop3A_696 : memref<8x1024xf32, #tpu.memory_space<vmem>>[vector<16xi32>, vector<16xi32>], vector<16xf32>,
        %parallel_loop3A_697 = arith.constant 64 : i32
        %parallel_loop3A_698 = vector.broadcast %parallel_loop3A_697 : i32 to vector<16xi32>
        %parallel_loop3A_699 = arith.addi %iota3A, %parallel_loop3A_698 : vector<16xi32>
        %parallel_loop3A_700 = tpu.vector_load_idx %arg11[%parallel_loop3A_699, %parallel_loop3A_658] : memref<128x64xf32, #tpu.memory_space<vmem>>[vector<16xi32>, vector<16xi32>], vector<16xf32>,
        %parallel_loop3A_701 = arith.constant 64 : i32
        %parallel_loop3A_702 = vector.broadcast %parallel_loop3A_701 : i32 to vector<16xi32>
        %parallel_loop3A_703 = arith.addi %parallel_loop3A_664, %parallel_loop3A_702 : vector<16xi32>
        %parallel_loop3A_704 = arith.mulf %parallel_loop3A_700, %parallel_loop3A_652 : vector<16xf32>
        tpu.vector_store_idx %arg13[%parallel_loop3A_661, %parallel_loop3A_703], %parallel_loop3A_704 : memref<8x1024xf32, #tpu.memory_space<vmem>>[vector<16xi32>, vector<16xi32>], vector<16xf32>,
        %parallel_loop3A_705 = arith.constant 80 : i32
        %parallel_loop3A_706 = vector.broadcast %parallel_loop3A_705 : i32 to vector<16xi32>
        %parallel_loop3A_707 = arith.addi %iota3A, %parallel_loop3A_706 : vector<16xi32>
        %parallel_loop3A_708 = tpu.vector_load_idx %arg11[%parallel_loop3A_707, %parallel_loop3A_658] : memref<128x64xf32, #tpu.memory_space<vmem>>[vector<16xi32>, vector<16xi32>], vector<16xf32>,
        %parallel_loop3A_709 = arith.constant 80 : i32
        %parallel_loop3A_710 = vector.broadcast %parallel_loop3A_709 : i32 to vector<16xi32>
        %parallel_loop3A_711 = arith.addi %parallel_loop3A_664, %parallel_loop3A_710 : vector<16xi32>
        %parallel_loop3A_712 = arith.mulf %parallel_loop3A_708, %parallel_loop3A_653 : vector<16xf32>
        tpu.vector_store_idx %arg13[%parallel_loop3A_661, %parallel_loop3A_711], %parallel_loop3A_712 : memref<8x1024xf32, #tpu.memory_space<vmem>>[vector<16xi32>, vector<16xi32>], vector<16xf32>,
        %parallel_loop3A_713 = arith.constant 96 : i32
        %parallel_loop3A_714 = vector.broadcast %parallel_loop3A_713 : i32 to vector<16xi32>
        %parallel_loop3A_715 = arith.addi %iota3A, %parallel_loop3A_714 : vector<16xi32>
        %parallel_loop3A_716 = tpu.vector_load_idx %arg11[%parallel_loop3A_715, %parallel_loop3A_658] : memref<128x64xf32, #tpu.memory_space<vmem>>[vector<16xi32>, vector<16xi32>], vector<16xf32>,
        %parallel_loop3A_717 = arith.constant 96 : i32
        %parallel_loop3A_718 = vector.broadcast %parallel_loop3A_717 : i32 to vector<16xi32>
        %parallel_loop3A_719 = arith.addi %parallel_loop3A_664, %parallel_loop3A_718 : vector<16xi32>
        %parallel_loop3A_720 = arith.mulf %parallel_loop3A_716, %parallel_loop3A_654 : vector<16xf32>
        tpu.vector_store_idx %arg13[%parallel_loop3A_661, %parallel_loop3A_719], %parallel_loop3A_720 : memref<8x1024xf32, #tpu.memory_space<vmem>>[vector<16xi32>, vector<16xi32>], vector<16xf32>,
        %parallel_loop3A_721 = arith.constant 112 : i32
        %parallel_loop3A_722 = vector.broadcast %parallel_loop3A_721 : i32 to vector<16xi32>
        %parallel_loop3A_723 = arith.addi %iota3A, %parallel_loop3A_722 : vector<16xi32>
        %parallel_loop3A_724 = tpu.vector_load_idx %arg11[%parallel_loop3A_723, %parallel_loop3A_658] : memref<128x64xf32, #tpu.memory_space<vmem>>[vector<16xi32>, vector<16xi32>], vector<16xf32>,
        %parallel_loop3A_725 = arith.constant 112 : i32
        %parallel_loop3A_726 = vector.broadcast %parallel_loop3A_725 : i32 to vector<16xi32>
        %parallel_loop3A_727 = arith.addi %parallel_loop3A_664, %parallel_loop3A_726 : vector<16xi32>
        %parallel_loop3A_728 = arith.mulf %parallel_loop3A_724, %parallel_loop3A_655 : vector<16xf32>
        tpu.vector_store_idx %arg13[%parallel_loop3A_661, %parallel_loop3A_727], %parallel_loop3A_728 : memref<8x1024xf32, #tpu.memory_space<vmem>>[vector<16xi32>, vector<16xi32>], vector<16xf32>,
        scf.yield %parallel_loop3A_648, %parallel_loop3A_649, %parallel_loop3A_650, %parallel_loop3A_651, %parallel_loop3A_652, %parallel_loop3A_653, %parallel_loop3A_654, %parallel_loop3A_655 : vector<16xf32>, vector<16xf32>, vector<16xf32>, vector<16xf32>, vector<16xf32>, vector<16xf32>, vector<16xf32>, vector<16xf32>
      } {sc.loop_unroll_factor = 2 : i64, sc.parallel_access}
      %dma_start3A_353 = arith.constant 0 : i32
      %dma_start3A_354 = arith.constant 0 : i32
      %dma_start3A_355 = arith.constant 0 : i32
      %dma_start3A_356 = tpu.memref_slice %arg13[%dma_start3A_353, %dma_start3A_355] : memref<8x1024xf32, #tpu.memory_space<vmem>> -> memref<1x1024xf32, #tpu.memory_space<vmem>>
      %dma_start3A_357 = tpu.memref_squeeze %dma_start3A_356 : memref<1x1024xf32, #tpu.memory_space<vmem>> -> memref<1024xf32, #tpu.memory_space<vmem>>
      %dma_start3A_358 = arith.constant 0 : i32
      %dma_start3A_359 = tpu.memref_slice %arg5[%mul3A_278, %dma_start3A_354, %add3A, %dma_start3A_358] : memref<200x8x32x1024xf32, #tpu.memory_space<hbm>> -> memref<1x1x1x1024xf32, #tpu.memory_space<hbm>>
      %dma_start3A_360 = tpu.memref_squeeze %dma_start3A_359 : memref<1x1x1x1024xf32, #tpu.memory_space<hbm>> -> memref<1024xf32, #tpu.memory_space<hbm>>
      %dma_start3A_361 = arith.constant 0 : i32
      %dma_start3A_362 = tpu.memref_slice %arg5[%mul3A_278, %dma_start3A_354, %add3A, %dma_start3A_361] : memref<200x8x32x1024xf32, #tpu.memory_space<hbm>> -> memref<1x1x1x1024xf32, #tpu.memory_space<hbm>>
      %dma_start3A_363 = tpu.memref_squeeze %dma_start3A_362 : memref<1x1x1x1024xf32, #tpu.memory_space<hbm>> -> memref<1024xf32, #tpu.memory_space<hbm>>
      %dma_start3A_364 = arith.constant 0 : i32
      %dma_start3A_365 = tpu.memref_slice %arg13[%dma_start3A_353, %dma_start3A_364] : memref<8x1024xf32, #tpu.memory_space<vmem>> -> memref<1x1024xf32, #tpu.memory_space<vmem>>
      %dma_start3A_366 = tpu.memref_squeeze %dma_start3A_365 : memref<1x1024xf32, #tpu.memory_space<vmem>> -> memref<1024xf32, #tpu.memory_space<vmem>>
      tpu.enqueue_dma source(%dma_start3A_366 : memref<1024xf32, #tpu.memory_space<vmem>>) target(%dma_start3A_363 : memref<1024xf32, #tpu.memory_space<hbm>>) target_semaphore(%arg19 : memref<!tpu.dma_semaphore, #tpu.memory_space<semaphore_mem>>)
      %dma_start3A_367 = arith.constant 1 : i32
      %dma_start3A_368 = arith.constant 1 : i32
      %dma_start3A_369 = arith.constant 0 : i32
      %dma_start3A_370 = tpu.memref_slice %arg13[%dma_start3A_367, %dma_start3A_369] : memref<8x1024xf32, #tpu.memory_space<vmem>> -> memref<1x1024xf32, #tpu.memory_space<vmem>>
      %dma_start3A_371 = tpu.memref_squeeze %dma_start3A_370 : memref<1x1024xf32, #tpu.memory_space<vmem>> -> memref<1024xf32, #tpu.memory_space<vmem>>
      %dma_start3A_372 = arith.constant 0 : i32
      %dma_start3A_373 = tpu.memref_slice %arg5[%mul3A_278, %dma_start3A_368, %add3A, %dma_start3A_372] : memref<200x8x32x1024xf32, #tpu.memory_space<hbm>> -> memref<1x1x1x1024xf32, #tpu.memory_space<hbm>>
      %dma_start3A_374 = tpu.memref_squeeze %dma_start3A_373 : memref<1x1x1x1024xf32, #tpu.memory_space<hbm>> -> memref<1024xf32, #tpu.memory_space<hbm>>
      %dma_start3A_375 = arith.constant 0 : i32
      %dma_start3A_376 = tpu.memref_slice %arg5[%mul3A_278, %dma_start3A_368, %add3A, %dma_start3A_375] : memref<200x8x32x1024xf32, #tpu.memory_space<hbm>> -> memref<1x1x1x1024xf32, #tpu.memory_space<hbm>>
      %dma_start3A_377 = tpu.memref_squeeze %dma_start3A_376 : memref<1x1x1x1024xf32, #tpu.memory_space<hbm>> -> memref<1024xf32, #tpu.memory_space<hbm>>
      %dma_start3A_378 = arith.constant 0 : i32
      %dma_start3A_379 = tpu.memref_slice %arg13[%dma_start3A_367, %dma_start3A_378] : memref<8x1024xf32, #tpu.memory_space<vmem>> -> memref<1x1024xf32, #tpu.memory_space<vmem>>
      %dma_start3A_380 = tpu.memref_squeeze %dma_start3A_379 : memref<1x1024xf32, #tpu.memory_space<vmem>> -> memref<1024xf32, #tpu.memory_space<vmem>>
      tpu.enqueue_dma source(%dma_start3A_380 : memref<1024xf32, #tpu.memory_space<vmem>>) target(%dma_start3A_377 : memref<1024xf32, #tpu.memory_space<hbm>>) target_semaphore(%arg19 : memref<!tpu.dma_semaphore, #tpu.memory_space<semaphore_mem>>)
      %dma_start3A_381 = arith.constant 2 : i32
      %dma_start3A_382 = arith.constant 2 : i32
      %dma_start3A_383 = arith.constant 0 : i32
      %dma_start3A_384 = tpu.memref_slice %arg13[%dma_start3A_381, %dma_start3A_383] : memref<8x1024xf32, #tpu.memory_space<vmem>> -> memref<1x1024xf32, #tpu.memory_space<vmem>>
      %dma_start3A_385 = tpu.memref_squeeze %dma_start3A_384 : memref<1x1024xf32, #tpu.memory_space<vmem>> -> memref<1024xf32, #tpu.memory_space<vmem>>
      %dma_start3A_386 = arith.constant 0 : i32
      %dma_start3A_387 = tpu.memref_slice %arg5[%mul3A_278, %dma_start3A_382, %add3A, %dma_start3A_386] : memref<200x8x32x1024xf32, #tpu.memory_space<hbm>> -> memref<1x1x1x1024xf32, #tpu.memory_space<hbm>>
      %dma_start3A_388 = tpu.memref_squeeze %dma_start3A_387 : memref<1x1x1x1024xf32, #tpu.memory_space<hbm>> -> memref<1024xf32, #tpu.memory_space<hbm>>
      %dma_start3A_389 = arith.constant 0 : i32
      %dma_start3A_390 = tpu.memref_slice %arg5[%mul3A_278, %dma_start3A_382, %add3A, %dma_start3A_389] : memref<200x8x32x1024xf32, #tpu.memory_space<hbm>> -> memref<1x1x1x1024xf32, #tpu.memory_space<hbm>>
      %dma_start3A_391 = tpu.memref_squeeze %dma_start3A_390 : memref<1x1x1x1024xf32, #tpu.memory_space<hbm>> -> memref<1024xf32, #tpu.memory_space<hbm>>
      %dma_start3A_392 = arith.constant 0 : i32
      %dma_start3A_393 = tpu.memref_slice %arg13[%dma_start3A_381, %dma_start3A_392] : memref<8x1024xf32, #tpu.memory_space<vmem>> -> memref<1x1024xf32, #tpu.memory_space<vmem>>
      %dma_start3A_394 = tpu.memref_squeeze %dma_start3A_393 : memref<1x1024xf32, #tpu.memory_space<vmem>> -> memref<1024xf32, #tpu.memory_space<vmem>>
      tpu.enqueue_dma source(%dma_start3A_394 : memref<1024xf32, #tpu.memory_space<vmem>>) target(%dma_start3A_391 : memref<1024xf32, #tpu.memory_space<hbm>>) target_semaphore(%arg19 : memref<!tpu.dma_semaphore, #tpu.memory_space<semaphore_mem>>)
      %dma_start3A_395 = arith.constant 3 : i32
      %dma_start3A_396 = arith.constant 3 : i32
      %dma_start3A_397 = arith.constant 0 : i32
      %dma_start3A_398 = tpu.memref_slice %arg13[%dma_start3A_395, %dma_start3A_397] : memref<8x1024xf32, #tpu.memory_space<vmem>> -> memref<1x1024xf32, #tpu.memory_space<vmem>>
      %dma_start3A_399 = tpu.memref_squeeze %dma_start3A_398 : memref<1x1024xf32, #tpu.memory_space<vmem>> -> memref<1024xf32, #tpu.memory_space<vmem>>
      %dma_start3A_400 = arith.constant 0 : i32
      %dma_start3A_401 = tpu.memref_slice %arg5[%mul3A_278, %dma_start3A_396, %add3A, %dma_start3A_400] : memref<200x8x32x1024xf32, #tpu.memory_space<hbm>> -> memref<1x1x1x1024xf32, #tpu.memory_space<hbm>>
      %dma_start3A_402 = tpu.memref_squeeze %dma_start3A_401 : memref<1x1x1x1024xf32, #tpu.memory_space<hbm>> -> memref<1024xf32, #tpu.memory_space<hbm>>
      %dma_start3A_403 = arith.constant 0 : i32
      %dma_start3A_404 = tpu.memref_slice %arg5[%mul3A_278, %dma_start3A_396, %add3A, %dma_start3A_403] : memref<200x8x32x1024xf32, #tpu.memory_space<hbm>> -> memref<1x1x1x1024xf32, #tpu.memory_space<hbm>>
      %dma_start3A_405 = tpu.memref_squeeze %dma_start3A_404 : memref<1x1x1x1024xf32, #tpu.memory_space<hbm>> -> memref<1024xf32, #tpu.memory_space<hbm>>
      %dma_start3A_406 = arith.constant 0 : i32
      %dma_start3A_407 = tpu.memref_slice %arg13[%dma_start3A_395, %dma_start3A_406] : memref<8x1024xf32, #tpu.memory_space<vmem>> -> memref<1x1024xf32, #tpu.memory_space<vmem>>
      %dma_start3A_408 = tpu.memref_squeeze %dma_start3A_407 : memref<1x1024xf32, #tpu.memory_space<vmem>> -> memref<1024xf32, #tpu.memory_space<vmem>>
      tpu.enqueue_dma source(%dma_start3A_408 : memref<1024xf32, #tpu.memory_space<vmem>>) target(%dma_start3A_405 : memref<1024xf32, #tpu.memory_space<hbm>>) target_semaphore(%arg19 : memref<!tpu.dma_semaphore, #tpu.memory_space<semaphore_mem>>)
      %dma_start3A_409 = arith.constant 4 : i32
      %dma_start3A_410 = arith.constant 4 : i32
      %dma_start3A_411 = arith.constant 0 : i32
      %dma_start3A_412 = tpu.memref_slice %arg13[%dma_start3A_409, %dma_start3A_411] : memref<8x1024xf32, #tpu.memory_space<vmem>> -> memref<1x1024xf32, #tpu.memory_space<vmem>>
      %dma_start3A_413 = tpu.memref_squeeze %dma_start3A_412 : memref<1x1024xf32, #tpu.memory_space<vmem>> -> memref<1024xf32, #tpu.memory_space<vmem>>
      %dma_start3A_414 = arith.constant 0 : i32
      %dma_start3A_415 = tpu.memref_slice %arg5[%mul3A_278, %dma_start3A_410, %add3A, %dma_start3A_414] : memref<200x8x32x1024xf32, #tpu.memory_space<hbm>> -> memref<1x1x1x1024xf32, #tpu.memory_space<hbm>>
      %dma_start3A_416 = tpu.memref_squeeze %dma_start3A_415 : memref<1x1x1x1024xf32, #tpu.memory_space<hbm>> -> memref<1024xf32, #tpu.memory_space<hbm>>
      %dma_start3A_417 = arith.constant 0 : i32
      %dma_start3A_418 = tpu.memref_slice %arg5[%mul3A_278, %dma_start3A_410, %add3A, %dma_start3A_417] : memref<200x8x32x1024xf32, #tpu.memory_space<hbm>> -> memref<1x1x1x1024xf32, #tpu.memory_space<hbm>>
      %dma_start3A_419 = tpu.memref_squeeze %dma_start3A_418 : memref<1x1x1x1024xf32, #tpu.memory_space<hbm>> -> memref<1024xf32, #tpu.memory_space<hbm>>
      %dma_start3A_420 = arith.constant 0 : i32
      %dma_start3A_421 = tpu.memref_slice %arg13[%dma_start3A_409, %dma_start3A_420] : memref<8x1024xf32, #tpu.memory_space<vmem>> -> memref<1x1024xf32, #tpu.memory_space<vmem>>
      %dma_start3A_422 = tpu.memref_squeeze %dma_start3A_421 : memref<1x1024xf32, #tpu.memory_space<vmem>> -> memref<1024xf32, #tpu.memory_space<vmem>>
      tpu.enqueue_dma source(%dma_start3A_422 : memref<1024xf32, #tpu.memory_space<vmem>>) target(%dma_start3A_419 : memref<1024xf32, #tpu.memory_space<hbm>>) target_semaphore(%arg19 : memref<!tpu.dma_semaphore, #tpu.memory_space<semaphore_mem>>)
      %dma_start3A_423 = arith.constant 5 : i32
      %dma_start3A_424 = arith.constant 5 : i32
      %dma_start3A_425 = arith.constant 0 : i32
      %dma_start3A_426 = tpu.memref_slice %arg13[%dma_start3A_423, %dma_start3A_425] : memref<8x1024xf32, #tpu.memory_space<vmem>> -> memref<1x1024xf32, #tpu.memory_space<vmem>>
      %dma_start3A_427 = tpu.memref_squeeze %dma_start3A_426 : memref<1x1024xf32, #tpu.memory_space<vmem>> -> memref<1024xf32, #tpu.memory_space<vmem>>
      %dma_start3A_428 = arith.constant 0 : i32
      %dma_start3A_429 = tpu.memref_slice %arg5[%mul3A_278, %dma_start3A_424, %add3A, %dma_start3A_428] : memref<200x8x32x1024xf32, #tpu.memory_space<hbm>> -> memref<1x1x1x1024xf32, #tpu.memory_space<hbm>>
      %dma_start3A_430 = tpu.memref_squeeze %dma_start3A_429 : memref<1x1x1x1024xf32, #tpu.memory_space<hbm>> -> memref<1024xf32, #tpu.memory_space<hbm>>
      %dma_start3A_431 = arith.constant 0 : i32
      %dma_start3A_432 = tpu.memref_slice %arg5[%mul3A_278, %dma_start3A_424, %add3A, %dma_start3A_431] : memref<200x8x32x1024xf32, #tpu.memory_space<hbm>> -> memref<1x1x1x1024xf32, #tpu.memory_space<hbm>>
      %dma_start3A_433 = tpu.memref_squeeze %dma_start3A_432 : memref<1x1x1x1024xf32, #tpu.memory_space<hbm>> -> memref<1024xf32, #tpu.memory_space<hbm>>
      %dma_start3A_434 = arith.constant 0 : i32
      %dma_start3A_435 = tpu.memref_slice %arg13[%dma_start3A_423, %dma_start3A_434] : memref<8x1024xf32, #tpu.memory_space<vmem>> -> memref<1x1024xf32, #tpu.memory_space<vmem>>
      %dma_start3A_436 = tpu.memref_squeeze %dma_start3A_435 : memref<1x1024xf32, #tpu.memory_space<vmem>> -> memref<1024xf32, #tpu.memory_space<vmem>>
      tpu.enqueue_dma source(%dma_start3A_436 : memref<1024xf32, #tpu.memory_space<vmem>>) target(%dma_start3A_433 : memref<1024xf32, #tpu.memory_space<hbm>>) target_semaphore(%arg19 : memref<!tpu.dma_semaphore, #tpu.memory_space<semaphore_mem>>)
      %dma_start3A_437 = arith.constant 6 : i32
      %dma_start3A_438 = arith.constant 6 : i32
      %dma_start3A_439 = arith.constant 0 : i32
      %dma_start3A_440 = tpu.memref_slice %arg13[%dma_start3A_437, %dma_start3A_439] : memref<8x1024xf32, #tpu.memory_space<vmem>> -> memref<1x1024xf32, #tpu.memory_space<vmem>>
      %dma_start3A_441 = tpu.memref_squeeze %dma_start3A_440 : memref<1x1024xf32, #tpu.memory_space<vmem>> -> memref<1024xf32, #tpu.memory_space<vmem>>
      %dma_start3A_442 = arith.constant 0 : i32
      %dma_start3A_443 = tpu.memref_slice %arg5[%mul3A_278, %dma_start3A_438, %add3A, %dma_start3A_442] : memref<200x8x32x1024xf32, #tpu.memory_space<hbm>> -> memref<1x1x1x1024xf32, #tpu.memory_space<hbm>>
      %dma_start3A_444 = tpu.memref_squeeze %dma_start3A_443 : memref<1x1x1x1024xf32, #tpu.memory_space<hbm>> -> memref<1024xf32, #tpu.memory_space<hbm>>
      %dma_start3A_445 = arith.constant 0 : i32
      %dma_start3A_446 = tpu.memref_slice %arg5[%mul3A_278, %dma_start3A_438, %add3A, %dma_start3A_445] : memref<200x8x32x1024xf32, #tpu.memory_space<hbm>> -> memref<1x1x1x1024xf32, #tpu.memory_space<hbm>>
      %dma_start3A_447 = tpu.memref_squeeze %dma_start3A_446 : memref<1x1x1x1024xf32, #tpu.memory_space<hbm>> -> memref<1024xf32, #tpu.memory_space<hbm>>
      %dma_start3A_448 = arith.constant 0 : i32
      %dma_start3A_449 = tpu.memref_slice %arg13[%dma_start3A_437, %dma_start3A_448] : memref<8x1024xf32, #tpu.memory_space<vmem>> -> memref<1x1024xf32, #tpu.memory_space<vmem>>
      %dma_start3A_450 = tpu.memref_squeeze %dma_start3A_449 : memref<1x1024xf32, #tpu.memory_space<vmem>> -> memref<1024xf32, #tpu.memory_space<vmem>>
      tpu.enqueue_dma source(%dma_start3A_450 : memref<1024xf32, #tpu.memory_space<vmem>>) target(%dma_start3A_447 : memref<1024xf32, #tpu.memory_space<hbm>>) target_semaphore(%arg19 : memref<!tpu.dma_semaphore, #tpu.memory_space<semaphore_mem>>)
      %dma_start3A_451 = arith.constant 7 : i32
      %dma_start3A_452 = arith.constant 7 : i32
      %dma_start3A_453 = arith.constant 0 : i32
      %dma_start3A_454 = tpu.memref_slice %arg13[%dma_start3A_451, %dma_start3A_453] : memref<8x1024xf32, #tpu.memory_space<vmem>> -> memref<1x1024xf32, #tpu.memory_space<vmem>>
      %dma_start3A_455 = tpu.memref_squeeze %dma_start3A_454 : memref<1x1024xf32, #tpu.memory_space<vmem>> -> memref<1024xf32, #tpu.memory_space<vmem>>
      %dma_start3A_456 = arith.constant 0 : i32
      %dma_start3A_457 = tpu.memref_slice %arg5[%mul3A_278, %dma_start3A_452, %add3A, %dma_start3A_456] : memref<200x8x32x1024xf32, #tpu.memory_space<hbm>> -> memref<1x1x1x1024xf32, #tpu.memory_space<hbm>>
      %dma_start3A_458 = tpu.memref_squeeze %dma_start3A_457 : memref<1x1x1x1024xf32, #tpu.memory_space<hbm>> -> memref<1024xf32, #tpu.memory_space<hbm>>
      %dma_start3A_459 = arith.constant 0 : i32
      %dma_start3A_460 = tpu.memref_slice %arg5[%mul3A_278, %dma_start3A_452, %add3A, %dma_start3A_459] : memref<200x8x32x1024xf32, #tpu.memory_space<hbm>> -> memref<1x1x1x1024xf32, #tpu.memory_space<hbm>>
      %dma_start3A_461 = tpu.memref_squeeze %dma_start3A_460 : memref<1x1x1x1024xf32, #tpu.memory_space<hbm>> -> memref<1024xf32, #tpu.memory_space<hbm>>
      %dma_start3A_462 = arith.constant 0 : i32
      %dma_start3A_463 = tpu.memref_slice %arg13[%dma_start3A_451, %dma_start3A_462] : memref<8x1024xf32, #tpu.memory_space<vmem>> -> memref<1x1024xf32, #tpu.memory_space<vmem>>
      %dma_start3A_464 = tpu.memref_squeeze %dma_start3A_463 : memref<1x1024xf32, #tpu.memory_space<vmem>> -> memref<1024xf32, #tpu.memory_space<vmem>>
      tpu.enqueue_dma source(%dma_start3A_464 : memref<1024xf32, #tpu.memory_space<vmem>>) target(%dma_start3A_461 : memref<1024xf32, #tpu.memory_space<hbm>>) target_semaphore(%arg19 : memref<!tpu.dma_semaphore, #tpu.memory_space<semaphore_mem>>)
      %lt3A = arith.constant 99 : i32
      %lt3A_465 = arith.cmpi slt, %scan3A_276, %lt3A : i32
      %convert_element_type3A_466 = arith.extui %lt3A_465 : i1 to i32
      %cond3A_467 = arith.constant 0 : i32
      %cond3A_468 = arith.cmpi ne, %convert_element_type3A_466, %cond3A_467 : i32
      scf.if %cond3A_468 {
        %add3A_647 = arith.constant 2 : i32
        %add3A_648 = arith.addi %mul3A_278, %add3A_647 : i32
        %dma_start3A_649 = arith.constant 0 : i32
        %dma_start3A_650 = tpu.memref_slice %arg7[%add3A_648, %dma_start3A_649] : memref<200x128xi32, #tpu.memory_space<vmem>> -> memref<1x128xi32, #tpu.memory_space<vmem>>
        %dma_start3A_651 = tpu.memref_squeeze %dma_start3A_650 : memref<1x128xi32, #tpu.memory_space<vmem>> -> memref<128xi32, #tpu.memory_space<vmem>>
        %dma_start3A_652 = arith.constant 0 : i32
        %dma_start3A_653 = arith.constant 0 : i32
        %dma_start3A_654 = tpu.memref_slice %arg4[%dma_start3A_652, %dma_start3A_653] : memref<100001x64xf32, #tpu.memory_space<hbm>> -> memref<100001x64xf32, #tpu.memory_space<hbm>>
        tpu.enqueue_indirect_dma source(%dma_start3A_654 : memref<100001x64xf32, #tpu.memory_space<hbm>>) target(%arg11 : memref<128x64xf32, #tpu.memory_space<vmem>>) offsets(%dma_start3A_651 : memref<128xi32, #tpu.memory_space<vmem>>) semaphore(%arg18 : memref<!tpu.dma_semaphore, #tpu.memory_space<semaphore_mem>>)
      } else {
      }
      %dma_wait3A_469 = arith.constant 0 : i32
      %dma_wait3A_470 = tpu.memref_slice %arg7[%add3A_280, %dma_wait3A_469] : memref<200x128xi32, #tpu.memory_space<vmem>> -> memref<1x128xi32, #tpu.memory_space<vmem>>
      %dma_wait3A_471 = tpu.memref_squeeze %dma_wait3A_470 : memref<1x128xi32, #tpu.memory_space<vmem>> -> memref<128xi32, #tpu.memory_space<vmem>>
      %dma_wait3A_472 = arith.constant 0 : i32
      %dma_wait3A_473 = arith.constant 0 : i32
      %dma_wait3A_474 = tpu.memref_slice %arg4[%dma_wait3A_472, %dma_wait3A_473] : memref<100001x64xf32, #tpu.memory_space<hbm>> -> memref<100001x64xf32, #tpu.memory_space<hbm>>
      tpu.wait_indirect_dma semaphore(%arg18 : memref<!tpu.dma_semaphore, #tpu.memory_space<semaphore_mem>>) src(%dma_wait3A_474 : memref<100001x64xf32, #tpu.memory_space<hbm>>) dst(%arg12 : memref<128x64xf32, #tpu.memory_space<vmem>>)
      %gt3A_475 = vector.broadcast %add3A_280 : i32 to vector<16xi32>
      %gt3A_476 = arith.cmpi sgt, %get3A_5, %gt3A_475 : vector<16xi32>
      %jit3A_477 = arith.constant 1.000000e+00 : f32
      %jit3A_478 = arith.constant 0.000000e+00 : f32
      %broadcast_in_dim3A_479 = vector.broadcast %jit3A_477 : f32 to vector<16xf32>
      %broadcast_in_dim3A_480 = vector.broadcast %jit3A_478 : f32 to vector<16xf32>
      %select_n3A_481 = arith.select %gt3A_476, %broadcast_in_dim3A_479, %broadcast_in_dim3A_480 : vector<16xi1>, vector<16xf32>
      %gt3A_482 = vector.broadcast %add3A_280 : i32 to vector<16xi32>
      %gt3A_483 = arith.cmpi sgt, %get3A_7, %gt3A_482 : vector<16xi32>
      %jit3A_484 = arith.constant 1.000000e+00 : f32
      %jit3A_485 = arith.constant 0.000000e+00 : f32
      %broadcast_in_dim3A_486 = vector.broadcast %jit3A_484 : f32 to vector<16xf32>
      %broadcast_in_dim3A_487 = vector.broadcast %jit3A_485 : f32 to vector<16xf32>
      %select_n3A_488 = arith.select %gt3A_483, %broadcast_in_dim3A_486, %broadcast_in_dim3A_487 : vector<16xi1>, vector<16xf32>
      %gt3A_489 = vector.broadcast %add3A_280 : i32 to vector<16xi32>
      %gt3A_490 = arith.cmpi sgt, %get3A_9, %gt3A_489 : vector<16xi32>
      %jit3A_491 = arith.constant 1.000000e+00 : f32
      %jit3A_492 = arith.constant 0.000000e+00 : f32
      %broadcast_in_dim3A_493 = vector.broadcast %jit3A_491 : f32 to vector<16xf32>
      %broadcast_in_dim3A_494 = vector.broadcast %jit3A_492 : f32 to vector<16xf32>
      %select_n3A_495 = arith.select %gt3A_490, %broadcast_in_dim3A_493, %broadcast_in_dim3A_494 : vector<16xi1>, vector<16xf32>
      %gt3A_496 = vector.broadcast %add3A_280 : i32 to vector<16xi32>
      %gt3A_497 = arith.cmpi sgt, %get3A_11, %gt3A_496 : vector<16xi32>
      %jit3A_498 = arith.constant 1.000000e+00 : f32
      %jit3A_499 = arith.constant 0.000000e+00 : f32
      %broadcast_in_dim3A_500 = vector.broadcast %jit3A_498 : f32 to vector<16xf32>
      %broadcast_in_dim3A_501 = vector.broadcast %jit3A_499 : f32 to vector<16xf32>
      %select_n3A_502 = arith.select %gt3A_497, %broadcast_in_dim3A_500, %broadcast_in_dim3A_501 : vector<16xi1>, vector<16xf32>
      %gt3A_503 = vector.broadcast %add3A_280 : i32 to vector<16xi32>
      %gt3A_504 = arith.cmpi sgt, %get3A_13, %gt3A_503 : vector<16xi32>
      %jit3A_505 = arith.constant 1.000000e+00 : f32
      %jit3A_506 = arith.constant 0.000000e+00 : f32
      %broadcast_in_dim3A_507 = vector.broadcast %jit3A_505 : f32 to vector<16xf32>
      %broadcast_in_dim3A_508 = vector.broadcast %jit3A_506 : f32 to vector<16xf32>
      %select_n3A_509 = arith.select %gt3A_504, %broadcast_in_dim3A_507, %broadcast_in_dim3A_508 : vector<16xi1>, vector<16xf32>
      %gt3A_510 = vector.broadcast %add3A_280 : i32 to vector<16xi32>
      %gt3A_511 = arith.cmpi sgt, %get3A_15, %gt3A_510 : vector<16xi32>
      %jit3A_512 = arith.constant 1.000000e+00 : f32
      %jit3A_513 = arith.constant 0.000000e+00 : f32
      %broadcast_in_dim3A_514 = vector.broadcast %jit3A_512 : f32 to vector<16xf32>
      %broadcast_in_dim3A_515 = vector.broadcast %jit3A_513 : f32 to vector<16xf32>
      %select_n3A_516 = arith.select %gt3A_511, %broadcast_in_dim3A_514, %broadcast_in_dim3A_515 : vector<16xi1>, vector<16xf32>
      %gt3A_517 = vector.broadcast %add3A_280 : i32 to vector<16xi32>
      %gt3A_518 = arith.cmpi sgt, %get3A_17, %gt3A_517 : vector<16xi32>
      %jit3A_519 = arith.constant 1.000000e+00 : f32
      %jit3A_520 = arith.constant 0.000000e+00 : f32
      %broadcast_in_dim3A_521 = vector.broadcast %jit3A_519 : f32 to vector<16xf32>
      %broadcast_in_dim3A_522 = vector.broadcast %jit3A_520 : f32 to vector<16xf32>
      %select_n3A_523 = arith.select %gt3A_518, %broadcast_in_dim3A_521, %broadcast_in_dim3A_522 : vector<16xi1>, vector<16xf32>
      %gt3A_524 = vector.broadcast %add3A_280 : i32 to vector<16xi32>
      %gt3A_525 = arith.cmpi sgt, %get3A_19, %gt3A_524 : vector<16xi32>
      %jit3A_526 = arith.constant 1.000000e+00 : f32
      %jit3A_527 = arith.constant 0.000000e+00 : f32
      %broadcast_in_dim3A_528 = vector.broadcast %jit3A_526 : f32 to vector<16xf32>
      %broadcast_in_dim3A_529 = vector.broadcast %jit3A_527 : f32 to vector<16xf32>
      %select_n3A_530 = arith.select %gt3A_525, %broadcast_in_dim3A_528, %broadcast_in_dim3A_529 : vector<16xi1>, vector<16xf32>
      %parallel_loop3A_531 = arith.constant 0 : i32
      %parallel_loop3A_532 = arith.constant 64 : i32
      %parallel_loop3A_533 = arith.constant 1 : i32
      %parallel_loop3A_534:8 = scf.for %parallel_loop3A_647 = %parallel_loop3A_531 to %parallel_loop3A_532 step %parallel_loop3A_533 iter_args(%parallel_loop3A_648 = %select_n3A_481, %parallel_loop3A_649 = %select_n3A_488, %parallel_loop3A_650 = %select_n3A_495, %parallel_loop3A_651 = %select_n3A_502, %parallel_loop3A_652 = %select_n3A_509, %parallel_loop3A_653 = %select_n3A_516, %parallel_loop3A_654 = %select_n3A_523, %parallel_loop3A_655 = %select_n3A_530) -> (vector<16xf32>, vector<16xf32>, vector<16xf32>, vector<16xf32>, vector<16xf32>, vector<16xf32>, vector<16xf32>, vector<16xf32>)  : i32 {
        %parallel_loop3A_656 = arith.index_cast %parallel_loop3A_647 : i32 to index
        %parallel_loop3A_657 = arith.constant 0 : index
        %parallel_loop3A_658 = tpu.vector_load %arg15[%parallel_loop3A_656, %parallel_loop3A_657] {strides = array<i32>} : memref<64x16xi32, #tpu.memory_space<vmem>>, vector<16xi32>,
        %parallel_loop3A_659 = arith.index_cast %parallel_loop3A_647 : i32 to index
        %parallel_loop3A_660 = arith.constant 0 : index
        %parallel_loop3A_661 = tpu.vector_load %arg16[%parallel_loop3A_659, %parallel_loop3A_660] {strides = array<i32>} : memref<64x16xi32, #tpu.memory_space<vmem>>, vector<16xi32>,
        %parallel_loop3A_662 = arith.index_cast %parallel_loop3A_647 : i32 to index
        %parallel_loop3A_663 = arith.constant 0 : index
        %parallel_loop3A_664 = tpu.vector_load %arg17[%parallel_loop3A_662, %parallel_loop3A_663] {strides = array<i32>} : memref<64x16xi32, #tpu.memory_space<vmem>>, vector<16xi32>,
        %parallel_loop3A_665 = arith.constant 0 : i32
        %parallel_loop3A_666 = vector.broadcast %parallel_loop3A_665 : i32 to vector<16xi32>
        %parallel_loop3A_667 = arith.addi %iota3A, %parallel_loop3A_666 : vector<16xi32>
        %parallel_loop3A_668 = tpu.vector_load_idx %arg12[%parallel_loop3A_667, %parallel_loop3A_658] : memref<128x64xf32, #tpu.memory_space<vmem>>[vector<16xi32>, vector<16xi32>], vector<16xf32>,
        %parallel_loop3A_669 = arith.constant 0 : i32
        %parallel_loop3A_670 = vector.broadcast %parallel_loop3A_669 : i32 to vector<16xi32>
        %parallel_loop3A_671 = arith.addi %parallel_loop3A_664, %parallel_loop3A_670 : vector<16xi32>
        %parallel_loop3A_672 = arith.mulf %parallel_loop3A_668, %parallel_loop3A_648 : vector<16xf32>
        tpu.vector_store_idx %arg14[%parallel_loop3A_661, %parallel_loop3A_671], %parallel_loop3A_672 : memref<8x1024xf32, #tpu.memory_space<vmem>>[vector<16xi32>, vector<16xi32>], vector<16xf32>,
        %parallel_loop3A_673 = arith.constant 16 : i32
        %parallel_loop3A_674 = vector.broadcast %parallel_loop3A_673 : i32 to vector<16xi32>
        %parallel_loop3A_675 = arith.addi %iota3A, %parallel_loop3A_674 : vector<16xi32>
        %parallel_loop3A_676 = tpu.vector_load_idx %arg12[%parallel_loop3A_675, %parallel_loop3A_658] : memref<128x64xf32, #tpu.memory_space<vmem>>[vector<16xi32>, vector<16xi32>], vector<16xf32>,
        %parallel_loop3A_677 = arith.constant 16 : i32
        %parallel_loop3A_678 = vector.broadcast %parallel_loop3A_677 : i32 to vector<16xi32>
        %parallel_loop3A_679 = arith.addi %parallel_loop3A_664, %parallel_loop3A_678 : vector<16xi32>
        %parallel_loop3A_680 = arith.mulf %parallel_loop3A_676, %parallel_loop3A_649 : vector<16xf32>
        tpu.vector_store_idx %arg14[%parallel_loop3A_661, %parallel_loop3A_679], %parallel_loop3A_680 : memref<8x1024xf32, #tpu.memory_space<vmem>>[vector<16xi32>, vector<16xi32>], vector<16xf32>,
        %parallel_loop3A_681 = arith.constant 32 : i32
        %parallel_loop3A_682 = vector.broadcast %parallel_loop3A_681 : i32 to vector<16xi32>
        %parallel_loop3A_683 = arith.addi %iota3A, %parallel_loop3A_682 : vector<16xi32>
        %parallel_loop3A_684 = tpu.vector_load_idx %arg12[%parallel_loop3A_683, %parallel_loop3A_658] : memref<128x64xf32, #tpu.memory_space<vmem>>[vector<16xi32>, vector<16xi32>], vector<16xf32>,
        %parallel_loop3A_685 = arith.constant 32 : i32
        %parallel_loop3A_686 = vector.broadcast %parallel_loop3A_685 : i32 to vector<16xi32>
        %parallel_loop3A_687 = arith.addi %parallel_loop3A_664, %parallel_loop3A_686 : vector<16xi32>
        %parallel_loop3A_688 = arith.mulf %parallel_loop3A_684, %parallel_loop3A_650 : vector<16xf32>
        tpu.vector_store_idx %arg14[%parallel_loop3A_661, %parallel_loop3A_687], %parallel_loop3A_688 : memref<8x1024xf32, #tpu.memory_space<vmem>>[vector<16xi32>, vector<16xi32>], vector<16xf32>,
        %parallel_loop3A_689 = arith.constant 48 : i32
        %parallel_loop3A_690 = vector.broadcast %parallel_loop3A_689 : i32 to vector<16xi32>
        %parallel_loop3A_691 = arith.addi %iota3A, %parallel_loop3A_690 : vector<16xi32>
        %parallel_loop3A_692 = tpu.vector_load_idx %arg12[%parallel_loop3A_691, %parallel_loop3A_658] : memref<128x64xf32, #tpu.memory_space<vmem>>[vector<16xi32>, vector<16xi32>], vector<16xf32>,
        %parallel_loop3A_693 = arith.constant 48 : i32
        %parallel_loop3A_694 = vector.broadcast %parallel_loop3A_693 : i32 to vector<16xi32>
        %parallel_loop3A_695 = arith.addi %parallel_loop3A_664, %parallel_loop3A_694 : vector<16xi32>
        %parallel_loop3A_696 = arith.mulf %parallel_loop3A_692, %parallel_loop3A_651 : vector<16xf32>
        tpu.vector_store_idx %arg14[%parallel_loop3A_661, %parallel_loop3A_695], %parallel_loop3A_696 : memref<8x1024xf32, #tpu.memory_space<vmem>>[vector<16xi32>, vector<16xi32>], vector<16xf32>,
        %parallel_loop3A_697 = arith.constant 64 : i32
        %parallel_loop3A_698 = vector.broadcast %parallel_loop3A_697 : i32 to vector<16xi32>
        %parallel_loop3A_699 = arith.addi %iota3A, %parallel_loop3A_698 : vector<16xi32>
        %parallel_loop3A_700 = tpu.vector_load_idx %arg12[%parallel_loop3A_699, %parallel_loop3A_658] : memref<128x64xf32, #tpu.memory_space<vmem>>[vector<16xi32>, vector<16xi32>], vector<16xf32>,
        %parallel_loop3A_701 = arith.constant 64 : i32
        %parallel_loop3A_702 = vector.broadcast %parallel_loop3A_701 : i32 to vector<16xi32>
        %parallel_loop3A_703 = arith.addi %parallel_loop3A_664, %parallel_loop3A_702 : vector<16xi32>
        %parallel_loop3A_704 = arith.mulf %parallel_loop3A_700, %parallel_loop3A_652 : vector<16xf32>
        tpu.vector_store_idx %arg14[%parallel_loop3A_661, %parallel_loop3A_703], %parallel_loop3A_704 : memref<8x1024xf32, #tpu.memory_space<vmem>>[vector<16xi32>, vector<16xi32>], vector<16xf32>,
        %parallel_loop3A_705 = arith.constant 80 : i32
        %parallel_loop3A_706 = vector.broadcast %parallel_loop3A_705 : i32 to vector<16xi32>
        %parallel_loop3A_707 = arith.addi %iota3A, %parallel_loop3A_706 : vector<16xi32>
        %parallel_loop3A_708 = tpu.vector_load_idx %arg12[%parallel_loop3A_707, %parallel_loop3A_658] : memref<128x64xf32, #tpu.memory_space<vmem>>[vector<16xi32>, vector<16xi32>], vector<16xf32>,
        %parallel_loop3A_709 = arith.constant 80 : i32
        %parallel_loop3A_710 = vector.broadcast %parallel_loop3A_709 : i32 to vector<16xi32>
        %parallel_loop3A_711 = arith.addi %parallel_loop3A_664, %parallel_loop3A_710 : vector<16xi32>
        %parallel_loop3A_712 = arith.mulf %parallel_loop3A_708, %parallel_loop3A_653 : vector<16xf32>
        tpu.vector_store_idx %arg14[%parallel_loop3A_661, %parallel_loop3A_711], %parallel_loop3A_712 : memref<8x1024xf32, #tpu.memory_space<vmem>>[vector<16xi32>, vector<16xi32>], vector<16xf32>,
        %parallel_loop3A_713 = arith.constant 96 : i32
        %parallel_loop3A_714 = vector.broadcast %parallel_loop3A_713 : i32 to vector<16xi32>
        %parallel_loop3A_715 = arith.addi %iota3A, %parallel_loop3A_714 : vector<16xi32>
        %parallel_loop3A_716 = tpu.vector_load_idx %arg12[%parallel_loop3A_715, %parallel_loop3A_658] : memref<128x64xf32, #tpu.memory_space<vmem>>[vector<16xi32>, vector<16xi32>], vector<16xf32>,
        %parallel_loop3A_717 = arith.constant 96 : i32
        %parallel_loop3A_718 = vector.broadcast %parallel_loop3A_717 : i32 to vector<16xi32>
        %parallel_loop3A_719 = arith.addi %parallel_loop3A_664, %parallel_loop3A_718 : vector<16xi32>
        %parallel_loop3A_720 = arith.mulf %parallel_loop3A_716, %parallel_loop3A_654 : vector<16xf32>
        tpu.vector_store_idx %arg14[%parallel_loop3A_661, %parallel_loop3A_719], %parallel_loop3A_720 : memref<8x1024xf32, #tpu.memory_space<vmem>>[vector<16xi32>, vector<16xi32>], vector<16xf32>,
        %parallel_loop3A_721 = arith.constant 112 : i32
        %parallel_loop3A_722 = vector.broadcast %parallel_loop3A_721 : i32 to vector<16xi32>
        %parallel_loop3A_723 = arith.addi %iota3A, %parallel_loop3A_722 : vector<16xi32>
        %parallel_loop3A_724 = tpu.vector_load_idx %arg12[%parallel_loop3A_723, %parallel_loop3A_658] : memref<128x64xf32, #tpu.memory_space<vmem>>[vector<16xi32>, vector<16xi32>], vector<16xf32>,
        %parallel_loop3A_725 = arith.constant 112 : i32
        %parallel_loop3A_726 = vector.broadcast %parallel_loop3A_725 : i32 to vector<16xi32>
        %parallel_loop3A_727 = arith.addi %parallel_loop3A_664, %parallel_loop3A_726 : vector<16xi32>
        %parallel_loop3A_728 = arith.mulf %parallel_loop3A_724, %parallel_loop3A_655 : vector<16xf32>
        tpu.vector_store_idx %arg14[%parallel_loop3A_661, %parallel_loop3A_727], %parallel_loop3A_728 : memref<8x1024xf32, #tpu.memory_space<vmem>>[vector<16xi32>, vector<16xi32>], vector<16xf32>,
        scf.yield %parallel_loop3A_648, %parallel_loop3A_649, %parallel_loop3A_650, %parallel_loop3A_651, %parallel_loop3A_652, %parallel_loop3A_653, %parallel_loop3A_654, %parallel_loop3A_655 : vector<16xf32>, vector<16xf32>, vector<16xf32>, vector<16xf32>, vector<16xf32>, vector<16xf32>, vector<16xf32>, vector<16xf32>
      } {sc.loop_unroll_factor = 2 : i64, sc.parallel_access}
      %dma_start3A_535 = arith.constant 0 : i32
      %dma_start3A_536 = arith.constant 0 : i32
      %dma_start3A_537 = arith.constant 0 : i32
      %dma_start3A_538 = tpu.memref_slice %arg14[%dma_start3A_535, %dma_start3A_537] : memref<8x1024xf32, #tpu.memory_space<vmem>> -> memref<1x1024xf32, #tpu.memory_space<vmem>>
      %dma_start3A_539 = tpu.memref_squeeze %dma_start3A_538 : memref<1x1024xf32, #tpu.memory_space<vmem>> -> memref<1024xf32, #tpu.memory_space<vmem>>
      %dma_start3A_540 = arith.constant 0 : i32
      %dma_start3A_541 = tpu.memref_slice %arg5[%add3A_280, %dma_start3A_536, %add3A, %dma_start3A_540] : memref<200x8x32x1024xf32, #tpu.memory_space<hbm>> -> memref<1x1x1x1024xf32, #tpu.memory_space<hbm>>
      %dma_start3A_542 = tpu.memref_squeeze %dma_start3A_541 : memref<1x1x1x1024xf32, #tpu.memory_space<hbm>> -> memref<1024xf32, #tpu.memory_space<hbm>>
      %dma_start3A_543 = arith.constant 0 : i32
      %dma_start3A_544 = tpu.memref_slice %arg5[%add3A_280, %dma_start3A_536, %add3A, %dma_start3A_543] : memref<200x8x32x1024xf32, #tpu.memory_space<hbm>> -> memref<1x1x1x1024xf32, #tpu.memory_space<hbm>>
      %dma_start3A_545 = tpu.memref_squeeze %dma_start3A_544 : memref<1x1x1x1024xf32, #tpu.memory_space<hbm>> -> memref<1024xf32, #tpu.memory_space<hbm>>
      %dma_start3A_546 = arith.constant 0 : i32
      %dma_start3A_547 = tpu.memref_slice %arg14[%dma_start3A_535, %dma_start3A_546] : memref<8x1024xf32, #tpu.memory_space<vmem>> -> memref<1x1024xf32, #tpu.memory_space<vmem>>
      %dma_start3A_548 = tpu.memref_squeeze %dma_start3A_547 : memref<1x1024xf32, #tpu.memory_space<vmem>> -> memref<1024xf32, #tpu.memory_space<vmem>>
      tpu.enqueue_dma source(%dma_start3A_548 : memref<1024xf32, #tpu.memory_space<vmem>>) target(%dma_start3A_545 : memref<1024xf32, #tpu.memory_space<hbm>>) target_semaphore(%arg19 : memref<!tpu.dma_semaphore, #tpu.memory_space<semaphore_mem>>)
      %dma_start3A_549 = arith.constant 1 : i32
      %dma_start3A_550 = arith.constant 1 : i32
      %dma_start3A_551 = arith.constant 0 : i32
      %dma_start3A_552 = tpu.memref_slice %arg14[%dma_start3A_549, %dma_start3A_551] : memref<8x1024xf32, #tpu.memory_space<vmem>> -> memref<1x1024xf32, #tpu.memory_space<vmem>>
      %dma_start3A_553 = tpu.memref_squeeze %dma_start3A_552 : memref<1x1024xf32, #tpu.memory_space<vmem>> -> memref<1024xf32, #tpu.memory_space<vmem>>
      %dma_start3A_554 = arith.constant 0 : i32
      %dma_start3A_555 = tpu.memref_slice %arg5[%add3A_280, %dma_start3A_550, %add3A, %dma_start3A_554] : memref<200x8x32x1024xf32, #tpu.memory_space<hbm>> -> memref<1x1x1x1024xf32, #tpu.memory_space<hbm>>
      %dma_start3A_556 = tpu.memref_squeeze %dma_start3A_555 : memref<1x1x1x1024xf32, #tpu.memory_space<hbm>> -> memref<1024xf32, #tpu.memory_space<hbm>>
      %dma_start3A_557 = arith.constant 0 : i32
      %dma_start3A_558 = tpu.memref_slice %arg5[%add3A_280, %dma_start3A_550, %add3A, %dma_start3A_557] : memref<200x8x32x1024xf32, #tpu.memory_space<hbm>> -> memref<1x1x1x1024xf32, #tpu.memory_space<hbm>>
      %dma_start3A_559 = tpu.memref_squeeze %dma_start3A_558 : memref<1x1x1x1024xf32, #tpu.memory_space<hbm>> -> memref<1024xf32, #tpu.memory_space<hbm>>
      %dma_start3A_560 = arith.constant 0 : i32
      %dma_start3A_561 = tpu.memref_slice %arg14[%dma_start3A_549, %dma_start3A_560] : memref<8x1024xf32, #tpu.memory_space<vmem>> -> memref<1x1024xf32, #tpu.memory_space<vmem>>
      %dma_start3A_562 = tpu.memref_squeeze %dma_start3A_561 : memref<1x1024xf32, #tpu.memory_space<vmem>> -> memref<1024xf32, #tpu.memory_space<vmem>>
      tpu.enqueue_dma source(%dma_start3A_562 : memref<1024xf32, #tpu.memory_space<vmem>>) target(%dma_start3A_559 : memref<1024xf32, #tpu.memory_space<hbm>>) target_semaphore(%arg19 : memref<!tpu.dma_semaphore, #tpu.memory_space<semaphore_mem>>)
      %dma_start3A_563 = arith.constant 2 : i32
      %dma_start3A_564 = arith.constant 2 : i32
      %dma_start3A_565 = arith.constant 0 : i32
      %dma_start3A_566 = tpu.memref_slice %arg14[%dma_start3A_563, %dma_start3A_565] : memref<8x1024xf32, #tpu.memory_space<vmem>> -> memref<1x1024xf32, #tpu.memory_space<vmem>>
      %dma_start3A_567 = tpu.memref_squeeze %dma_start3A_566 : memref<1x1024xf32, #tpu.memory_space<vmem>> -> memref<1024xf32, #tpu.memory_space<vmem>>
      %dma_start3A_568 = arith.constant 0 : i32
      %dma_start3A_569 = tpu.memref_slice %arg5[%add3A_280, %dma_start3A_564, %add3A, %dma_start3A_568] : memref<200x8x32x1024xf32, #tpu.memory_space<hbm>> -> memref<1x1x1x1024xf32, #tpu.memory_space<hbm>>
      %dma_start3A_570 = tpu.memref_squeeze %dma_start3A_569 : memref<1x1x1x1024xf32, #tpu.memory_space<hbm>> -> memref<1024xf32, #tpu.memory_space<hbm>>
      %dma_start3A_571 = arith.constant 0 : i32
      %dma_start3A_572 = tpu.memref_slice %arg5[%add3A_280, %dma_start3A_564, %add3A, %dma_start3A_571] : memref<200x8x32x1024xf32, #tpu.memory_space<hbm>> -> memref<1x1x1x1024xf32, #tpu.memory_space<hbm>>
      %dma_start3A_573 = tpu.memref_squeeze %dma_start3A_572 : memref<1x1x1x1024xf32, #tpu.memory_space<hbm>> -> memref<1024xf32, #tpu.memory_space<hbm>>
      %dma_start3A_574 = arith.constant 0 : i32
      %dma_start3A_575 = tpu.memref_slice %arg14[%dma_start3A_563, %dma_start3A_574] : memref<8x1024xf32, #tpu.memory_space<vmem>> -> memref<1x1024xf32, #tpu.memory_space<vmem>>
      %dma_start3A_576 = tpu.memref_squeeze %dma_start3A_575 : memref<1x1024xf32, #tpu.memory_space<vmem>> -> memref<1024xf32, #tpu.memory_space<vmem>>
      tpu.enqueue_dma source(%dma_start3A_576 : memref<1024xf32, #tpu.memory_space<vmem>>) target(%dma_start3A_573 : memref<1024xf32, #tpu.memory_space<hbm>>) target_semaphore(%arg19 : memref<!tpu.dma_semaphore, #tpu.memory_space<semaphore_mem>>)
      %dma_start3A_577 = arith.constant 3 : i32
      %dma_start3A_578 = arith.constant 3 : i32
      %dma_start3A_579 = arith.constant 0 : i32
      %dma_start3A_580 = tpu.memref_slice %arg14[%dma_start3A_577, %dma_start3A_579] : memref<8x1024xf32, #tpu.memory_space<vmem>> -> memref<1x1024xf32, #tpu.memory_space<vmem>>
      %dma_start3A_581 = tpu.memref_squeeze %dma_start3A_580 : memref<1x1024xf32, #tpu.memory_space<vmem>> -> memref<1024xf32, #tpu.memory_space<vmem>>
      %dma_start3A_582 = arith.constant 0 : i32
      %dma_start3A_583 = tpu.memref_slice %arg5[%add3A_280, %dma_start3A_578, %add3A, %dma_start3A_582] : memref<200x8x32x1024xf32, #tpu.memory_space<hbm>> -> memref<1x1x1x1024xf32, #tpu.memory_space<hbm>>
      %dma_start3A_584 = tpu.memref_squeeze %dma_start3A_583 : memref<1x1x1x1024xf32, #tpu.memory_space<hbm>> -> memref<1024xf32, #tpu.memory_space<hbm>>
      %dma_start3A_585 = arith.constant 0 : i32
      %dma_start3A_586 = tpu.memref_slice %arg5[%add3A_280, %dma_start3A_578, %add3A, %dma_start3A_585] : memref<200x8x32x1024xf32, #tpu.memory_space<hbm>> -> memref<1x1x1x1024xf32, #tpu.memory_space<hbm>>
      %dma_start3A_587 = tpu.memref_squeeze %dma_start3A_586 : memref<1x1x1x1024xf32, #tpu.memory_space<hbm>> -> memref<1024xf32, #tpu.memory_space<hbm>>
      %dma_start3A_588 = arith.constant 0 : i32
      %dma_start3A_589 = tpu.memref_slice %arg14[%dma_start3A_577, %dma_start3A_588] : memref<8x1024xf32, #tpu.memory_space<vmem>> -> memref<1x1024xf32, #tpu.memory_space<vmem>>
      %dma_start3A_590 = tpu.memref_squeeze %dma_start3A_589 : memref<1x1024xf32, #tpu.memory_space<vmem>> -> memref<1024xf32, #tpu.memory_space<vmem>>
      tpu.enqueue_dma source(%dma_start3A_590 : memref<1024xf32, #tpu.memory_space<vmem>>) target(%dma_start3A_587 : memref<1024xf32, #tpu.memory_space<hbm>>) target_semaphore(%arg19 : memref<!tpu.dma_semaphore, #tpu.memory_space<semaphore_mem>>)
      %dma_start3A_591 = arith.constant 4 : i32
      %dma_start3A_592 = arith.constant 4 : i32
      %dma_start3A_593 = arith.constant 0 : i32
      %dma_start3A_594 = tpu.memref_slice %arg14[%dma_start3A_591, %dma_start3A_593] : memref<8x1024xf32, #tpu.memory_space<vmem>> -> memref<1x1024xf32, #tpu.memory_space<vmem>>
      %dma_start3A_595 = tpu.memref_squeeze %dma_start3A_594 : memref<1x1024xf32, #tpu.memory_space<vmem>> -> memref<1024xf32, #tpu.memory_space<vmem>>
      %dma_start3A_596 = arith.constant 0 : i32
      %dma_start3A_597 = tpu.memref_slice %arg5[%add3A_280, %dma_start3A_592, %add3A, %dma_start3A_596] : memref<200x8x32x1024xf32, #tpu.memory_space<hbm>> -> memref<1x1x1x1024xf32, #tpu.memory_space<hbm>>
      %dma_start3A_598 = tpu.memref_squeeze %dma_start3A_597 : memref<1x1x1x1024xf32, #tpu.memory_space<hbm>> -> memref<1024xf32, #tpu.memory_space<hbm>>
      %dma_start3A_599 = arith.constant 0 : i32
      %dma_start3A_600 = tpu.memref_slice %arg5[%add3A_280, %dma_start3A_592, %add3A, %dma_start3A_599] : memref<200x8x32x1024xf32, #tpu.memory_space<hbm>> -> memref<1x1x1x1024xf32, #tpu.memory_space<hbm>>
      %dma_start3A_601 = tpu.memref_squeeze %dma_start3A_600 : memref<1x1x1x1024xf32, #tpu.memory_space<hbm>> -> memref<1024xf32, #tpu.memory_space<hbm>>
      %dma_start3A_602 = arith.constant 0 : i32
      %dma_start3A_603 = tpu.memref_slice %arg14[%dma_start3A_591, %dma_start3A_602] : memref<8x1024xf32, #tpu.memory_space<vmem>> -> memref<1x1024xf32, #tpu.memory_space<vmem>>
      %dma_start3A_604 = tpu.memref_squeeze %dma_start3A_603 : memref<1x1024xf32, #tpu.memory_space<vmem>> -> memref<1024xf32, #tpu.memory_space<vmem>>
      tpu.enqueue_dma source(%dma_start3A_604 : memref<1024xf32, #tpu.memory_space<vmem>>) target(%dma_start3A_601 : memref<1024xf32, #tpu.memory_space<hbm>>) target_semaphore(%arg19 : memref<!tpu.dma_semaphore, #tpu.memory_space<semaphore_mem>>)
      %dma_start3A_605 = arith.constant 5 : i32
      %dma_start3A_606 = arith.constant 5 : i32
      %dma_start3A_607 = arith.constant 0 : i32
      %dma_start3A_608 = tpu.memref_slice %arg14[%dma_start3A_605, %dma_start3A_607] : memref<8x1024xf32, #tpu.memory_space<vmem>> -> memref<1x1024xf32, #tpu.memory_space<vmem>>
      %dma_start3A_609 = tpu.memref_squeeze %dma_start3A_608 : memref<1x1024xf32, #tpu.memory_space<vmem>> -> memref<1024xf32, #tpu.memory_space<vmem>>
      %dma_start3A_610 = arith.constant 0 : i32
      %dma_start3A_611 = tpu.memref_slice %arg5[%add3A_280, %dma_start3A_606, %add3A, %dma_start3A_610] : memref<200x8x32x1024xf32, #tpu.memory_space<hbm>> -> memref<1x1x1x1024xf32, #tpu.memory_space<hbm>>
      %dma_start3A_612 = tpu.memref_squeeze %dma_start3A_611 : memref<1x1x1x1024xf32, #tpu.memory_space<hbm>> -> memref<1024xf32, #tpu.memory_space<hbm>>
      %dma_start3A_613 = arith.constant 0 : i32
      %dma_start3A_614 = tpu.memref_slice %arg5[%add3A_280, %dma_start3A_606, %add3A, %dma_start3A_613] : memref<200x8x32x1024xf32, #tpu.memory_space<hbm>> -> memref<1x1x1x1024xf32, #tpu.memory_space<hbm>>
      %dma_start3A_615 = tpu.memref_squeeze %dma_start3A_614 : memref<1x1x1x1024xf32, #tpu.memory_space<hbm>> -> memref<1024xf32, #tpu.memory_space<hbm>>
      %dma_start3A_616 = arith.constant 0 : i32
      %dma_start3A_617 = tpu.memref_slice %arg14[%dma_start3A_605, %dma_start3A_616] : memref<8x1024xf32, #tpu.memory_space<vmem>> -> memref<1x1024xf32, #tpu.memory_space<vmem>>
      %dma_start3A_618 = tpu.memref_squeeze %dma_start3A_617 : memref<1x1024xf32, #tpu.memory_space<vmem>> -> memref<1024xf32, #tpu.memory_space<vmem>>
      tpu.enqueue_dma source(%dma_start3A_618 : memref<1024xf32, #tpu.memory_space<vmem>>) target(%dma_start3A_615 : memref<1024xf32, #tpu.memory_space<hbm>>) target_semaphore(%arg19 : memref<!tpu.dma_semaphore, #tpu.memory_space<semaphore_mem>>)
      %dma_start3A_619 = arith.constant 6 : i32
      %dma_start3A_620 = arith.constant 6 : i32
      %dma_start3A_621 = arith.constant 0 : i32
      %dma_start3A_622 = tpu.memref_slice %arg14[%dma_start3A_619, %dma_start3A_621] : memref<8x1024xf32, #tpu.memory_space<vmem>> -> memref<1x1024xf32, #tpu.memory_space<vmem>>
      %dma_start3A_623 = tpu.memref_squeeze %dma_start3A_622 : memref<1x1024xf32, #tpu.memory_space<vmem>> -> memref<1024xf32, #tpu.memory_space<vmem>>
      %dma_start3A_624 = arith.constant 0 : i32
      %dma_start3A_625 = tpu.memref_slice %arg5[%add3A_280, %dma_start3A_620, %add3A, %dma_start3A_624] : memref<200x8x32x1024xf32, #tpu.memory_space<hbm>> -> memref<1x1x1x1024xf32, #tpu.memory_space<hbm>>
      %dma_start3A_626 = tpu.memref_squeeze %dma_start3A_625 : memref<1x1x1x1024xf32, #tpu.memory_space<hbm>> -> memref<1024xf32, #tpu.memory_space<hbm>>
      %dma_start3A_627 = arith.constant 0 : i32
      %dma_start3A_628 = tpu.memref_slice %arg5[%add3A_280, %dma_start3A_620, %add3A, %dma_start3A_627] : memref<200x8x32x1024xf32, #tpu.memory_space<hbm>> -> memref<1x1x1x1024xf32, #tpu.memory_space<hbm>>
      %dma_start3A_629 = tpu.memref_squeeze %dma_start3A_628 : memref<1x1x1x1024xf32, #tpu.memory_space<hbm>> -> memref<1024xf32, #tpu.memory_space<hbm>>
      %dma_start3A_630 = arith.constant 0 : i32
      %dma_start3A_631 = tpu.memref_slice %arg14[%dma_start3A_619, %dma_start3A_630] : memref<8x1024xf32, #tpu.memory_space<vmem>> -> memref<1x1024xf32, #tpu.memory_space<vmem>>
      %dma_start3A_632 = tpu.memref_squeeze %dma_start3A_631 : memref<1x1024xf32, #tpu.memory_space<vmem>> -> memref<1024xf32, #tpu.memory_space<vmem>>
      tpu.enqueue_dma source(%dma_start3A_632 : memref<1024xf32, #tpu.memory_space<vmem>>) target(%dma_start3A_629 : memref<1024xf32, #tpu.memory_space<hbm>>) target_semaphore(%arg19 : memref<!tpu.dma_semaphore, #tpu.memory_space<semaphore_mem>>)
      %dma_start3A_633 = arith.constant 7 : i32
      %dma_start3A_634 = arith.constant 7 : i32
      %dma_start3A_635 = arith.constant 0 : i32
      %dma_start3A_636 = tpu.memref_slice %arg14[%dma_start3A_633, %dma_start3A_635] : memref<8x1024xf32, #tpu.memory_space<vmem>> -> memref<1x1024xf32, #tpu.memory_space<vmem>>
      %dma_start3A_637 = tpu.memref_squeeze %dma_start3A_636 : memref<1x1024xf32, #tpu.memory_space<vmem>> -> memref<1024xf32, #tpu.memory_space<vmem>>
      %dma_start3A_638 = arith.constant 0 : i32
      %dma_start3A_639 = tpu.memref_slice %arg5[%add3A_280, %dma_start3A_634, %add3A, %dma_start3A_638] : memref<200x8x32x1024xf32, #tpu.memory_space<hbm>> -> memref<1x1x1x1024xf32, #tpu.memory_space<hbm>>
      %dma_start3A_640 = tpu.memref_squeeze %dma_start3A_639 : memref<1x1x1x1024xf32, #tpu.memory_space<hbm>> -> memref<1024xf32, #tpu.memory_space<hbm>>
      %dma_start3A_641 = arith.constant 0 : i32
      %dma_start3A_642 = tpu.memref_slice %arg5[%add3A_280, %dma_start3A_634, %add3A, %dma_start3A_641] : memref<200x8x32x1024xf32, #tpu.memory_space<hbm>> -> memref<1x1x1x1024xf32, #tpu.memory_space<hbm>>
      %dma_start3A_643 = tpu.memref_squeeze %dma_start3A_642 : memref<1x1x1x1024xf32, #tpu.memory_space<hbm>> -> memref<1024xf32, #tpu.memory_space<hbm>>
      %dma_start3A_644 = arith.constant 0 : i32
      %dma_start3A_645 = tpu.memref_slice %arg14[%dma_start3A_633, %dma_start3A_644] : memref<8x1024xf32, #tpu.memory_space<vmem>> -> memref<1x1024xf32, #tpu.memory_space<vmem>>
      %dma_start3A_646 = tpu.memref_squeeze %dma_start3A_645 : memref<1x1024xf32, #tpu.memory_space<vmem>> -> memref<1024xf32, #tpu.memory_space<vmem>>
      tpu.enqueue_dma source(%dma_start3A_646 : memref<1024xf32, #tpu.memory_space<vmem>>) target(%dma_start3A_643 : memref<1024xf32, #tpu.memory_space<hbm>>) target_semaphore(%arg19 : memref<!tpu.dma_semaphore, #tpu.memory_space<semaphore_mem>>)
    }
    %scan3A_36 = arith.constant 100 : i32
    %dma_wait3A = arith.constant 0 : i32
    %dma_wait3A_37 = arith.constant 0 : i32
    %dma_wait3A_38 = arith.constant 0 : i32
    %dma_wait3A_39 = arith.constant 0 : i32
    %dma_wait3A_40 = tpu.memref_slice %arg13[%dma_wait3A, %dma_wait3A_39] : memref<8x1024xf32, #tpu.memory_space<vmem>> -> memref<1x1024xf32, #tpu.memory_space<vmem>>
    %dma_wait3A_41 = tpu.memref_squeeze %dma_wait3A_40 : memref<1x1024xf32, #tpu.memory_space<vmem>> -> memref<1024xf32, #tpu.memory_space<vmem>>
    %dma_wait3A_42 = arith.constant 0 : i32
    %dma_wait3A_43 = tpu.memref_slice %arg5[%dma_wait3A_37, %dma_wait3A_38, %add3A, %dma_wait3A_42] : memref<200x8x32x1024xf32, #tpu.memory_space<hbm>> -> memref<1x1x1x1024xf32, #tpu.memory_space<hbm>>
    %dma_wait3A_44 = tpu.memref_squeeze %dma_wait3A_43 : memref<1x1x1x1024xf32, #tpu.memory_space<hbm>> -> memref<1024xf32, #tpu.memory_space<hbm>>
    %dma_wait3A_45 = arith.constant 0 : i32
    %dma_wait3A_46 = tpu.memref_slice %arg5[%dma_wait3A_37, %dma_wait3A_38, %add3A, %dma_wait3A_45] : memref<200x8x32x1024xf32, #tpu.memory_space<hbm>> -> memref<1x1x1x1024xf32, #tpu.memory_space<hbm>>
    %dma_wait3A_47 = tpu.memref_squeeze %dma_wait3A_46 : memref<1x1x1x1024xf32, #tpu.memory_space<hbm>> -> memref<1024xf32, #tpu.memory_space<hbm>>
    %dma_wait3A_48 = arith.constant 0 : i32
    %dma_wait3A_49 = tpu.memref_slice %arg13[%dma_wait3A, %dma_wait3A_48] : memref<8x1024xf32, #tpu.memory_space<vmem>> -> memref<1x1024xf32, #tpu.memory_space<vmem>>
    %dma_wait3A_50 = tpu.memref_squeeze %dma_wait3A_49 : memref<1x1024xf32, #tpu.memory_space<vmem>> -> memref<1024xf32, #tpu.memory_space<vmem>>
    tpu.wait_dma2 semaphore(%arg19 : memref<!tpu.dma_semaphore, #tpu.memory_space<semaphore_mem>>) src(%dma_wait3A_50 : memref<1024xf32, #tpu.memory_space<vmem>>) dst(%dma_wait3A_47 : memref<1024xf32, #tpu.memory_space<hbm>>)
    %dma_wait3A_51 = arith.constant 0 : i32
    %dma_wait3A_52 = arith.constant 0 : i32
    %dma_wait3A_53 = arith.constant 0 : i32
    %dma_wait3A_54 = arith.constant 0 : i32
    %dma_wait3A_55 = tpu.memref_slice %arg13[%dma_wait3A_51, %dma_wait3A_54] : memref<8x1024xf32, #tpu.memory_space<vmem>> -> memref<1x1024xf32, #tpu.memory_space<vmem>>
    %dma_wait3A_56 = tpu.memref_squeeze %dma_wait3A_55 : memref<1x1024xf32, #tpu.memory_space<vmem>> -> memref<1024xf32, #tpu.memory_space<vmem>>
    %dma_wait3A_57 = arith.constant 0 : i32
    %dma_wait3A_58 = tpu.memref_slice %arg5[%dma_wait3A_52, %dma_wait3A_53, %add3A, %dma_wait3A_57] : memref<200x8x32x1024xf32, #tpu.memory_space<hbm>> -> memref<1x1x1x1024xf32, #tpu.memory_space<hbm>>
    %dma_wait3A_59 = tpu.memref_squeeze %dma_wait3A_58 : memref<1x1x1x1024xf32, #tpu.memory_space<hbm>> -> memref<1024xf32, #tpu.memory_space<hbm>>
    %dma_wait3A_60 = arith.constant 0 : i32
    %dma_wait3A_61 = tpu.memref_slice %arg5[%dma_wait3A_52, %dma_wait3A_53, %add3A, %dma_wait3A_60] : memref<200x8x32x1024xf32, #tpu.memory_space<hbm>> -> memref<1x1x1x1024xf32, #tpu.memory_space<hbm>>
    %dma_wait3A_62 = tpu.memref_squeeze %dma_wait3A_61 : memref<1x1x1x1024xf32, #tpu.memory_space<hbm>> -> memref<1024xf32, #tpu.memory_space<hbm>>
    %dma_wait3A_63 = arith.constant 0 : i32
    %dma_wait3A_64 = tpu.memref_slice %arg13[%dma_wait3A_51, %dma_wait3A_63] : memref<8x1024xf32, #tpu.memory_space<vmem>> -> memref<1x1024xf32, #tpu.memory_space<vmem>>
    %dma_wait3A_65 = tpu.memref_squeeze %dma_wait3A_64 : memref<1x1024xf32, #tpu.memory_space<vmem>> -> memref<1024xf32, #tpu.memory_space<vmem>>
    tpu.wait_dma2 semaphore(%arg19 : memref<!tpu.dma_semaphore, #tpu.memory_space<semaphore_mem>>) src(%dma_wait3A_65 : memref<1024xf32, #tpu.memory_space<vmem>>) dst(%dma_wait3A_62 : memref<1024xf32, #tpu.memory_space<hbm>>)
    %dma_wait3A_66 = arith.constant 1 : i32
    %dma_wait3A_67 = arith.constant 0 : i32
    %dma_wait3A_68 = arith.constant 1 : i32
    %dma_wait3A_69 = arith.constant 0 : i32
    %dma_wait3A_70 = tpu.memref_slice %arg13[%dma_wait3A_66, %dma_wait3A_69] : memref<8x1024xf32, #tpu.memory_space<vmem>> -> memref<1x1024xf32, #tpu.memory_space<vmem>>
    %dma_wait3A_71 = tpu.memref_squeeze %dma_wait3A_70 : memref<1x1024xf32, #tpu.memory_space<vmem>> -> memref<1024xf32, #tpu.memory_space<vmem>>
    %dma_wait3A_72 = arith.constant 0 : i32
    %dma_wait3A_73 = tpu.memref_slice %arg5[%dma_wait3A_67, %dma_wait3A_68, %add3A, %dma_wait3A_72] : memref<200x8x32x1024xf32, #tpu.memory_space<hbm>> -> memref<1x1x1x1024xf32, #tpu.memory_space<hbm>>
    %dma_wait3A_74 = tpu.memref_squeeze %dma_wait3A_73 : memref<1x1x1x1024xf32, #tpu.memory_space<hbm>> -> memref<1024xf32, #tpu.memory_space<hbm>>
    %dma_wait3A_75 = arith.constant 0 : i32
    %dma_wait3A_76 = tpu.memref_slice %arg5[%dma_wait3A_67, %dma_wait3A_68, %add3A, %dma_wait3A_75] : memref<200x8x32x1024xf32, #tpu.memory_space<hbm>> -> memref<1x1x1x1024xf32, #tpu.memory_space<hbm>>
    %dma_wait3A_77 = tpu.memref_squeeze %dma_wait3A_76 : memref<1x1x1x1024xf32, #tpu.memory_space<hbm>> -> memref<1024xf32, #tpu.memory_space<hbm>>
    %dma_wait3A_78 = arith.constant 0 : i32
    %dma_wait3A_79 = tpu.memref_slice %arg13[%dma_wait3A_66, %dma_wait3A_78] : memref<8x1024xf32, #tpu.memory_space<vmem>> -> memref<1x1024xf32, #tpu.memory_space<vmem>>
    %dma_wait3A_80 = tpu.memref_squeeze %dma_wait3A_79 : memref<1x1024xf32, #tpu.memory_space<vmem>> -> memref<1024xf32, #tpu.memory_space<vmem>>
    tpu.wait_dma2 semaphore(%arg19 : memref<!tpu.dma_semaphore, #tpu.memory_space<semaphore_mem>>) src(%dma_wait3A_80 : memref<1024xf32, #tpu.memory_space<vmem>>) dst(%dma_wait3A_77 : memref<1024xf32, #tpu.memory_space<hbm>>)
    %dma_wait3A_81 = arith.constant 1 : i32
    %dma_wait3A_82 = arith.constant 0 : i32
    %dma_wait3A_83 = arith.constant 1 : i32
    %dma_wait3A_84 = arith.constant 0 : i32
    %dma_wait3A_85 = tpu.memref_slice %arg13[%dma_wait3A_81, %dma_wait3A_84] : memref<8x1024xf32, #tpu.memory_space<vmem>> -> memref<1x1024xf32, #tpu.memory_space<vmem>>
    %dma_wait3A_86 = tpu.memref_squeeze %dma_wait3A_85 : memref<1x1024xf32, #tpu.memory_space<vmem>> -> memref<1024xf32, #tpu.memory_space<vmem>>
    %dma_wait3A_87 = arith.constant 0 : i32
    %dma_wait3A_88 = tpu.memref_slice %arg5[%dma_wait3A_82, %dma_wait3A_83, %add3A, %dma_wait3A_87] : memref<200x8x32x1024xf32, #tpu.memory_space<hbm>> -> memref<1x1x1x1024xf32, #tpu.memory_space<hbm>>
    %dma_wait3A_89 = tpu.memref_squeeze %dma_wait3A_88 : memref<1x1x1x1024xf32, #tpu.memory_space<hbm>> -> memref<1024xf32, #tpu.memory_space<hbm>>
    %dma_wait3A_90 = arith.constant 0 : i32
    %dma_wait3A_91 = tpu.memref_slice %arg5[%dma_wait3A_82, %dma_wait3A_83, %add3A, %dma_wait3A_90] : memref<200x8x32x1024xf32, #tpu.memory_space<hbm>> -> memref<1x1x1x1024xf32, #tpu.memory_space<hbm>>
    %dma_wait3A_92 = tpu.memref_squeeze %dma_wait3A_91 : memref<1x1x1x1024xf32, #tpu.memory_space<hbm>> -> memref<1024xf32, #tpu.memory_space<hbm>>
    %dma_wait3A_93 = arith.constant 0 : i32
    %dma_wait3A_94 = tpu.memref_slice %arg13[%dma_wait3A_81, %dma_wait3A_93] : memref<8x1024xf32, #tpu.memory_space<vmem>> -> memref<1x1024xf32, #tpu.memory_space<vmem>>
    %dma_wait3A_95 = tpu.memref_squeeze %dma_wait3A_94 : memref<1x1024xf32, #tpu.memory_space<vmem>> -> memref<1024xf32, #tpu.memory_space<vmem>>
    tpu.wait_dma2 semaphore(%arg19 : memref<!tpu.dma_semaphore, #tpu.memory_space<semaphore_mem>>) src(%dma_wait3A_95 : memref<1024xf32, #tpu.memory_space<vmem>>) dst(%dma_wait3A_92 : memref<1024xf32, #tpu.memory_space<hbm>>)
    %dma_wait3A_96 = arith.constant 2 : i32
    %dma_wait3A_97 = arith.constant 0 : i32
    %dma_wait3A_98 = arith.constant 2 : i32
    %dma_wait3A_99 = arith.constant 0 : i32
    %dma_wait3A_100 = tpu.memref_slice %arg13[%dma_wait3A_96, %dma_wait3A_99] : memref<8x1024xf32, #tpu.memory_space<vmem>> -> memref<1x1024xf32, #tpu.memory_space<vmem>>
    %dma_wait3A_101 = tpu.memref_squeeze %dma_wait3A_100 : memref<1x1024xf32, #tpu.memory_space<vmem>> -> memref<1024xf32, #tpu.memory_space<vmem>>
    %dma_wait3A_102 = arith.constant 0 : i32
    %dma_wait3A_103 = tpu.memref_slice %arg5[%dma_wait3A_97, %dma_wait3A_98, %add3A, %dma_wait3A_102] : memref<200x8x32x1024xf32, #tpu.memory_space<hbm>> -> memref<1x1x1x1024xf32, #tpu.memory_space<hbm>>
    %dma_wait3A_104 = tpu.memref_squeeze %dma_wait3A_103 : memref<1x1x1x1024xf32, #tpu.memory_space<hbm>> -> memref<1024xf32, #tpu.memory_space<hbm>>
    %dma_wait3A_105 = arith.constant 0 : i32
    %dma_wait3A_106 = tpu.memref_slice %arg5[%dma_wait3A_97, %dma_wait3A_98, %add3A, %dma_wait3A_105] : memref<200x8x32x1024xf32, #tpu.memory_space<hbm>> -> memref<1x1x1x1024xf32, #tpu.memory_space<hbm>>
    %dma_wait3A_107 = tpu.memref_squeeze %dma_wait3A_106 : memref<1x1x1x1024xf32, #tpu.memory_space<hbm>> -> memref<1024xf32, #tpu.memory_space<hbm>>
    %dma_wait3A_108 = arith.constant 0 : i32
    %dma_wait3A_109 = tpu.memref_slice %arg13[%dma_wait3A_96, %dma_wait3A_108] : memref<8x1024xf32, #tpu.memory_space<vmem>> -> memref<1x1024xf32, #tpu.memory_space<vmem>>
    %dma_wait3A_110 = tpu.memref_squeeze %dma_wait3A_109 : memref<1x1024xf32, #tpu.memory_space<vmem>> -> memref<1024xf32, #tpu.memory_space<vmem>>
    tpu.wait_dma2 semaphore(%arg19 : memref<!tpu.dma_semaphore, #tpu.memory_space<semaphore_mem>>) src(%dma_wait3A_110 : memref<1024xf32, #tpu.memory_space<vmem>>) dst(%dma_wait3A_107 : memref<1024xf32, #tpu.memory_space<hbm>>)
    %dma_wait3A_111 = arith.constant 2 : i32
    %dma_wait3A_112 = arith.constant 0 : i32
    %dma_wait3A_113 = arith.constant 2 : i32
    %dma_wait3A_114 = arith.constant 0 : i32
    %dma_wait3A_115 = tpu.memref_slice %arg13[%dma_wait3A_111, %dma_wait3A_114] : memref<8x1024xf32, #tpu.memory_space<vmem>> -> memref<1x1024xf32, #tpu.memory_space<vmem>>
    %dma_wait3A_116 = tpu.memref_squeeze %dma_wait3A_115 : memref<1x1024xf32, #tpu.memory_space<vmem>> -> memref<1024xf32, #tpu.memory_space<vmem>>
    %dma_wait3A_117 = arith.constant 0 : i32
    %dma_wait3A_118 = tpu.memref_slice %arg5[%dma_wait3A_112, %dma_wait3A_113, %add3A, %dma_wait3A_117] : memref<200x8x32x1024xf32, #tpu.memory_space<hbm>> -> memref<1x1x1x1024xf32, #tpu.memory_space<hbm>>
    %dma_wait3A_119 = tpu.memref_squeeze %dma_wait3A_118 : memref<1x1x1x1024xf32, #tpu.memory_space<hbm>> -> memref<1024xf32, #tpu.memory_space<hbm>>
    %dma_wait3A_120 = arith.constant 0 : i32
    %dma_wait3A_121 = tpu.memref_slice %arg5[%dma_wait3A_112, %dma_wait3A_113, %add3A, %dma_wait3A_120] : memref<200x8x32x1024xf32, #tpu.memory_space<hbm>> -> memref<1x1x1x1024xf32, #tpu.memory_space<hbm>>
    %dma_wait3A_122 = tpu.memref_squeeze %dma_wait3A_121 : memref<1x1x1x1024xf32, #tpu.memory_space<hbm>> -> memref<1024xf32, #tpu.memory_space<hbm>>
    %dma_wait3A_123 = arith.constant 0 : i32
    %dma_wait3A_124 = tpu.memref_slice %arg13[%dma_wait3A_111, %dma_wait3A_123] : memref<8x1024xf32, #tpu.memory_space<vmem>> -> memref<1x1024xf32, #tpu.memory_space<vmem>>
    %dma_wait3A_125 = tpu.memref_squeeze %dma_wait3A_124 : memref<1x1024xf32, #tpu.memory_space<vmem>> -> memref<1024xf32, #tpu.memory_space<vmem>>
    tpu.wait_dma2 semaphore(%arg19 : memref<!tpu.dma_semaphore, #tpu.memory_space<semaphore_mem>>) src(%dma_wait3A_125 : memref<1024xf32, #tpu.memory_space<vmem>>) dst(%dma_wait3A_122 : memref<1024xf32, #tpu.memory_space<hbm>>)
    %dma_wait3A_126 = arith.constant 3 : i32
    %dma_wait3A_127 = arith.constant 0 : i32
    %dma_wait3A_128 = arith.constant 3 : i32
    %dma_wait3A_129 = arith.constant 0 : i32
    %dma_wait3A_130 = tpu.memref_slice %arg13[%dma_wait3A_126, %dma_wait3A_129] : memref<8x1024xf32, #tpu.memory_space<vmem>> -> memref<1x1024xf32, #tpu.memory_space<vmem>>
    %dma_wait3A_131 = tpu.memref_squeeze %dma_wait3A_130 : memref<1x1024xf32, #tpu.memory_space<vmem>> -> memref<1024xf32, #tpu.memory_space<vmem>>
    %dma_wait3A_132 = arith.constant 0 : i32
    %dma_wait3A_133 = tpu.memref_slice %arg5[%dma_wait3A_127, %dma_wait3A_128, %add3A, %dma_wait3A_132] : memref<200x8x32x1024xf32, #tpu.memory_space<hbm>> -> memref<1x1x1x1024xf32, #tpu.memory_space<hbm>>
    %dma_wait3A_134 = tpu.memref_squeeze %dma_wait3A_133 : memref<1x1x1x1024xf32, #tpu.memory_space<hbm>> -> memref<1024xf32, #tpu.memory_space<hbm>>
    %dma_wait3A_135 = arith.constant 0 : i32
    %dma_wait3A_136 = tpu.memref_slice %arg5[%dma_wait3A_127, %dma_wait3A_128, %add3A, %dma_wait3A_135] : memref<200x8x32x1024xf32, #tpu.memory_space<hbm>> -> memref<1x1x1x1024xf32, #tpu.memory_space<hbm>>
    %dma_wait3A_137 = tpu.memref_squeeze %dma_wait3A_136 : memref<1x1x1x1024xf32, #tpu.memory_space<hbm>> -> memref<1024xf32, #tpu.memory_space<hbm>>
    %dma_wait3A_138 = arith.constant 0 : i32
    %dma_wait3A_139 = tpu.memref_slice %arg13[%dma_wait3A_126, %dma_wait3A_138] : memref<8x1024xf32, #tpu.memory_space<vmem>> -> memref<1x1024xf32, #tpu.memory_space<vmem>>
    %dma_wait3A_140 = tpu.memref_squeeze %dma_wait3A_139 : memref<1x1024xf32, #tpu.memory_space<vmem>> -> memref<1024xf32, #tpu.memory_space<vmem>>
    tpu.wait_dma2 semaphore(%arg19 : memref<!tpu.dma_semaphore, #tpu.memory_space<semaphore_mem>>) src(%dma_wait3A_140 : memref<1024xf32, #tpu.memory_space<vmem>>) dst(%dma_wait3A_137 : memref<1024xf32, #tpu.memory_space<hbm>>)
    %dma_wait3A_141 = arith.constant 3 : i32
    %dma_wait3A_142 = arith.constant 0 : i32
    %dma_wait3A_143 = arith.constant 3 : i32
    %dma_wait3A_144 = arith.constant 0 : i32
    %dma_wait3A_145 = tpu.memref_slice %arg13[%dma_wait3A_141, %dma_wait3A_144] : memref<8x1024xf32, #tpu.memory_space<vmem>> -> memref<1x1024xf32, #tpu.memory_space<vmem>>
    %dma_wait3A_146 = tpu.memref_squeeze %dma_wait3A_145 : memref<1x1024xf32, #tpu.memory_space<vmem>> -> memref<1024xf32, #tpu.memory_space<vmem>>
    %dma_wait3A_147 = arith.constant 0 : i32
    %dma_wait3A_148 = tpu.memref_slice %arg5[%dma_wait3A_142, %dma_wait3A_143, %add3A, %dma_wait3A_147] : memref<200x8x32x1024xf32, #tpu.memory_space<hbm>> -> memref<1x1x1x1024xf32, #tpu.memory_space<hbm>>
    %dma_wait3A_149 = tpu.memref_squeeze %dma_wait3A_148 : memref<1x1x1x1024xf32, #tpu.memory_space<hbm>> -> memref<1024xf32, #tpu.memory_space<hbm>>
    %dma_wait3A_150 = arith.constant 0 : i32
    %dma_wait3A_151 = tpu.memref_slice %arg5[%dma_wait3A_142, %dma_wait3A_143, %add3A, %dma_wait3A_150] : memref<200x8x32x1024xf32, #tpu.memory_space<hbm>> -> memref<1x1x1x1024xf32, #tpu.memory_space<hbm>>
    %dma_wait3A_152 = tpu.memref_squeeze %dma_wait3A_151 : memref<1x1x1x1024xf32, #tpu.memory_space<hbm>> -> memref<1024xf32, #tpu.memory_space<hbm>>
    %dma_wait3A_153 = arith.constant 0 : i32
    %dma_wait3A_154 = tpu.memref_slice %arg13[%dma_wait3A_141, %dma_wait3A_153] : memref<8x1024xf32, #tpu.memory_space<vmem>> -> memref<1x1024xf32, #tpu.memory_space<vmem>>
    %dma_wait3A_155 = tpu.memref_squeeze %dma_wait3A_154 : memref<1x1024xf32, #tpu.memory_space<vmem>> -> memref<1024xf32, #tpu.memory_space<vmem>>
    tpu.wait_dma2 semaphore(%arg19 : memref<!tpu.dma_semaphore, #tpu.memory_space<semaphore_mem>>) src(%dma_wait3A_155 : memref<1024xf32, #tpu.memory_space<vmem>>) dst(%dma_wait3A_152 : memref<1024xf32, #tpu.memory_space<hbm>>)
    %dma_wait3A_156 = arith.constant 4 : i32
    %dma_wait3A_157 = arith.constant 0 : i32
    %dma_wait3A_158 = arith.constant 4 : i32
    %dma_wait3A_159 = arith.constant 0 : i32
    %dma_wait3A_160 = tpu.memref_slice %arg13[%dma_wait3A_156, %dma_wait3A_159] : memref<8x1024xf32, #tpu.memory_space<vmem>> -> memref<1x1024xf32, #tpu.memory_space<vmem>>
    %dma_wait3A_161 = tpu.memref_squeeze %dma_wait3A_160 : memref<1x1024xf32, #tpu.memory_space<vmem>> -> memref<1024xf32, #tpu.memory_space<vmem>>
    %dma_wait3A_162 = arith.constant 0 : i32
    %dma_wait3A_163 = tpu.memref_slice %arg5[%dma_wait3A_157, %dma_wait3A_158, %add3A, %dma_wait3A_162] : memref<200x8x32x1024xf32, #tpu.memory_space<hbm>> -> memref<1x1x1x1024xf32, #tpu.memory_space<hbm>>
    %dma_wait3A_164 = tpu.memref_squeeze %dma_wait3A_163 : memref<1x1x1x1024xf32, #tpu.memory_space<hbm>> -> memref<1024xf32, #tpu.memory_space<hbm>>
    %dma_wait3A_165 = arith.constant 0 : i32
    %dma_wait3A_166 = tpu.memref_slice %arg5[%dma_wait3A_157, %dma_wait3A_158, %add3A, %dma_wait3A_165] : memref<200x8x32x1024xf32, #tpu.memory_space<hbm>> -> memref<1x1x1x1024xf32, #tpu.memory_space<hbm>>
    %dma_wait3A_167 = tpu.memref_squeeze %dma_wait3A_166 : memref<1x1x1x1024xf32, #tpu.memory_space<hbm>> -> memref<1024xf32, #tpu.memory_space<hbm>>
    %dma_wait3A_168 = arith.constant 0 : i32
    %dma_wait3A_169 = tpu.memref_slice %arg13[%dma_wait3A_156, %dma_wait3A_168] : memref<8x1024xf32, #tpu.memory_space<vmem>> -> memref<1x1024xf32, #tpu.memory_space<vmem>>
    %dma_wait3A_170 = tpu.memref_squeeze %dma_wait3A_169 : memref<1x1024xf32, #tpu.memory_space<vmem>> -> memref<1024xf32, #tpu.memory_space<vmem>>
    tpu.wait_dma2 semaphore(%arg19 : memref<!tpu.dma_semaphore, #tpu.memory_space<semaphore_mem>>) src(%dma_wait3A_170 : memref<1024xf32, #tpu.memory_space<vmem>>) dst(%dma_wait3A_167 : memref<1024xf32, #tpu.memory_space<hbm>>)
    %dma_wait3A_171 = arith.constant 4 : i32
    %dma_wait3A_172 = arith.constant 0 : i32
    %dma_wait3A_173 = arith.constant 4 : i32
    %dma_wait3A_174 = arith.constant 0 : i32
    %dma_wait3A_175 = tpu.memref_slice %arg13[%dma_wait3A_171, %dma_wait3A_174] : memref<8x1024xf32, #tpu.memory_space<vmem>> -> memref<1x1024xf32, #tpu.memory_space<vmem>>
    %dma_wait3A_176 = tpu.memref_squeeze %dma_wait3A_175 : memref<1x1024xf32, #tpu.memory_space<vmem>> -> memref<1024xf32, #tpu.memory_space<vmem>>
    %dma_wait3A_177 = arith.constant 0 : i32
    %dma_wait3A_178 = tpu.memref_slice %arg5[%dma_wait3A_172, %dma_wait3A_173, %add3A, %dma_wait3A_177] : memref<200x8x32x1024xf32, #tpu.memory_space<hbm>> -> memref<1x1x1x1024xf32, #tpu.memory_space<hbm>>
    %dma_wait3A_179 = tpu.memref_squeeze %dma_wait3A_178 : memref<1x1x1x1024xf32, #tpu.memory_space<hbm>> -> memref<1024xf32, #tpu.memory_space<hbm>>
    %dma_wait3A_180 = arith.constant 0 : i32
    %dma_wait3A_181 = tpu.memref_slice %arg5[%dma_wait3A_172, %dma_wait3A_173, %add3A, %dma_wait3A_180] : memref<200x8x32x1024xf32, #tpu.memory_space<hbm>> -> memref<1x1x1x1024xf32, #tpu.memory_space<hbm>>
    %dma_wait3A_182 = tpu.memref_squeeze %dma_wait3A_181 : memref<1x1x1x1024xf32, #tpu.memory_space<hbm>> -> memref<1024xf32, #tpu.memory_space<hbm>>
    %dma_wait3A_183 = arith.constant 0 : i32
    %dma_wait3A_184 = tpu.memref_slice %arg13[%dma_wait3A_171, %dma_wait3A_183] : memref<8x1024xf32, #tpu.memory_space<vmem>> -> memref<1x1024xf32, #tpu.memory_space<vmem>>
    %dma_wait3A_185 = tpu.memref_squeeze %dma_wait3A_184 : memref<1x1024xf32, #tpu.memory_space<vmem>> -> memref<1024xf32, #tpu.memory_space<vmem>>
    tpu.wait_dma2 semaphore(%arg19 : memref<!tpu.dma_semaphore, #tpu.memory_space<semaphore_mem>>) src(%dma_wait3A_185 : memref<1024xf32, #tpu.memory_space<vmem>>) dst(%dma_wait3A_182 : memref<1024xf32, #tpu.memory_space<hbm>>)
    %dma_wait3A_186 = arith.constant 5 : i32
    %dma_wait3A_187 = arith.constant 0 : i32
    %dma_wait3A_188 = arith.constant 5 : i32
    %dma_wait3A_189 = arith.constant 0 : i32
    %dma_wait3A_190 = tpu.memref_slice %arg13[%dma_wait3A_186, %dma_wait3A_189] : memref<8x1024xf32, #tpu.memory_space<vmem>> -> memref<1x1024xf32, #tpu.memory_space<vmem>>
    %dma_wait3A_191 = tpu.memref_squeeze %dma_wait3A_190 : memref<1x1024xf32, #tpu.memory_space<vmem>> -> memref<1024xf32, #tpu.memory_space<vmem>>
    %dma_wait3A_192 = arith.constant 0 : i32
    %dma_wait3A_193 = tpu.memref_slice %arg5[%dma_wait3A_187, %dma_wait3A_188, %add3A, %dma_wait3A_192] : memref<200x8x32x1024xf32, #tpu.memory_space<hbm>> -> memref<1x1x1x1024xf32, #tpu.memory_space<hbm>>
    %dma_wait3A_194 = tpu.memref_squeeze %dma_wait3A_193 : memref<1x1x1x1024xf32, #tpu.memory_space<hbm>> -> memref<1024xf32, #tpu.memory_space<hbm>>
    %dma_wait3A_195 = arith.constant 0 : i32
    %dma_wait3A_196 = tpu.memref_slice %arg5[%dma_wait3A_187, %dma_wait3A_188, %add3A, %dma_wait3A_195] : memref<200x8x32x1024xf32, #tpu.memory_space<hbm>> -> memref<1x1x1x1024xf32, #tpu.memory_space<hbm>>
    %dma_wait3A_197 = tpu.memref_squeeze %dma_wait3A_196 : memref<1x1x1x1024xf32, #tpu.memory_space<hbm>> -> memref<1024xf32, #tpu.memory_space<hbm>>
    %dma_wait3A_198 = arith.constant 0 : i32
    %dma_wait3A_199 = tpu.memref_slice %arg13[%dma_wait3A_186, %dma_wait3A_198] : memref<8x1024xf32, #tpu.memory_space<vmem>> -> memref<1x1024xf32, #tpu.memory_space<vmem>>
    %dma_wait3A_200 = tpu.memref_squeeze %dma_wait3A_199 : memref<1x1024xf32, #tpu.memory_space<vmem>> -> memref<1024xf32, #tpu.memory_space<vmem>>
    tpu.wait_dma2 semaphore(%arg19 : memref<!tpu.dma_semaphore, #tpu.memory_space<semaphore_mem>>) src(%dma_wait3A_200 : memref<1024xf32, #tpu.memory_space<vmem>>) dst(%dma_wait3A_197 : memref<1024xf32, #tpu.memory_space<hbm>>)
    %dma_wait3A_201 = arith.constant 5 : i32
    %dma_wait3A_202 = arith.constant 0 : i32
    %dma_wait3A_203 = arith.constant 5 : i32
    %dma_wait3A_204 = arith.constant 0 : i32
    %dma_wait3A_205 = tpu.memref_slice %arg13[%dma_wait3A_201, %dma_wait3A_204] : memref<8x1024xf32, #tpu.memory_space<vmem>> -> memref<1x1024xf32, #tpu.memory_space<vmem>>
    %dma_wait3A_206 = tpu.memref_squeeze %dma_wait3A_205 : memref<1x1024xf32, #tpu.memory_space<vmem>> -> memref<1024xf32, #tpu.memory_space<vmem>>
    %dma_wait3A_207 = arith.constant 0 : i32
    %dma_wait3A_208 = tpu.memref_slice %arg5[%dma_wait3A_202, %dma_wait3A_203, %add3A, %dma_wait3A_207] : memref<200x8x32x1024xf32, #tpu.memory_space<hbm>> -> memref<1x1x1x1024xf32, #tpu.memory_space<hbm>>
    %dma_wait3A_209 = tpu.memref_squeeze %dma_wait3A_208 : memref<1x1x1x1024xf32, #tpu.memory_space<hbm>> -> memref<1024xf32, #tpu.memory_space<hbm>>
    %dma_wait3A_210 = arith.constant 0 : i32
    %dma_wait3A_211 = tpu.memref_slice %arg5[%dma_wait3A_202, %dma_wait3A_203, %add3A, %dma_wait3A_210] : memref<200x8x32x1024xf32, #tpu.memory_space<hbm>> -> memref<1x1x1x1024xf32, #tpu.memory_space<hbm>>
    %dma_wait3A_212 = tpu.memref_squeeze %dma_wait3A_211 : memref<1x1x1x1024xf32, #tpu.memory_space<hbm>> -> memref<1024xf32, #tpu.memory_space<hbm>>
    %dma_wait3A_213 = arith.constant 0 : i32
    %dma_wait3A_214 = tpu.memref_slice %arg13[%dma_wait3A_201, %dma_wait3A_213] : memref<8x1024xf32, #tpu.memory_space<vmem>> -> memref<1x1024xf32, #tpu.memory_space<vmem>>
    %dma_wait3A_215 = tpu.memref_squeeze %dma_wait3A_214 : memref<1x1024xf32, #tpu.memory_space<vmem>> -> memref<1024xf32, #tpu.memory_space<vmem>>
    tpu.wait_dma2 semaphore(%arg19 : memref<!tpu.dma_semaphore, #tpu.memory_space<semaphore_mem>>) src(%dma_wait3A_215 : memref<1024xf32, #tpu.memory_space<vmem>>) dst(%dma_wait3A_212 : memref<1024xf32, #tpu.memory_space<hbm>>)
    %dma_wait3A_216 = arith.constant 6 : i32
    %dma_wait3A_217 = arith.constant 0 : i32
    %dma_wait3A_218 = arith.constant 6 : i32
    %dma_wait3A_219 = arith.constant 0 : i32
    %dma_wait3A_220 = tpu.memref_slice %arg13[%dma_wait3A_216, %dma_wait3A_219] : memref<8x1024xf32, #tpu.memory_space<vmem>> -> memref<1x1024xf32, #tpu.memory_space<vmem>>
    %dma_wait3A_221 = tpu.memref_squeeze %dma_wait3A_220 : memref<1x1024xf32, #tpu.memory_space<vmem>> -> memref<1024xf32, #tpu.memory_space<vmem>>
    %dma_wait3A_222 = arith.constant 0 : i32
    %dma_wait3A_223 = tpu.memref_slice %arg5[%dma_wait3A_217, %dma_wait3A_218, %add3A, %dma_wait3A_222] : memref<200x8x32x1024xf32, #tpu.memory_space<hbm>> -> memref<1x1x1x1024xf32, #tpu.memory_space<hbm>>
    %dma_wait3A_224 = tpu.memref_squeeze %dma_wait3A_223 : memref<1x1x1x1024xf32, #tpu.memory_space<hbm>> -> memref<1024xf32, #tpu.memory_space<hbm>>
    %dma_wait3A_225 = arith.constant 0 : i32
    %dma_wait3A_226 = tpu.memref_slice %arg5[%dma_wait3A_217, %dma_wait3A_218, %add3A, %dma_wait3A_225] : memref<200x8x32x1024xf32, #tpu.memory_space<hbm>> -> memref<1x1x1x1024xf32, #tpu.memory_space<hbm>>
    %dma_wait3A_227 = tpu.memref_squeeze %dma_wait3A_226 : memref<1x1x1x1024xf32, #tpu.memory_space<hbm>> -> memref<1024xf32, #tpu.memory_space<hbm>>
    %dma_wait3A_228 = arith.constant 0 : i32
    %dma_wait3A_229 = tpu.memref_slice %arg13[%dma_wait3A_216, %dma_wait3A_228] : memref<8x1024xf32, #tpu.memory_space<vmem>> -> memref<1x1024xf32, #tpu.memory_space<vmem>>
    %dma_wait3A_230 = tpu.memref_squeeze %dma_wait3A_229 : memref<1x1024xf32, #tpu.memory_space<vmem>> -> memref<1024xf32, #tpu.memory_space<vmem>>
    tpu.wait_dma2 semaphore(%arg19 : memref<!tpu.dma_semaphore, #tpu.memory_space<semaphore_mem>>) src(%dma_wait3A_230 : memref<1024xf32, #tpu.memory_space<vmem>>) dst(%dma_wait3A_227 : memref<1024xf32, #tpu.memory_space<hbm>>)
    %dma_wait3A_231 = arith.constant 6 : i32
    %dma_wait3A_232 = arith.constant 0 : i32
    %dma_wait3A_233 = arith.constant 6 : i32
    %dma_wait3A_234 = arith.constant 0 : i32
    %dma_wait3A_235 = tpu.memref_slice %arg13[%dma_wait3A_231, %dma_wait3A_234] : memref<8x1024xf32, #tpu.memory_space<vmem>> -> memref<1x1024xf32, #tpu.memory_space<vmem>>
    %dma_wait3A_236 = tpu.memref_squeeze %dma_wait3A_235 : memref<1x1024xf32, #tpu.memory_space<vmem>> -> memref<1024xf32, #tpu.memory_space<vmem>>
    %dma_wait3A_237 = arith.constant 0 : i32
    %dma_wait3A_238 = tpu.memref_slice %arg5[%dma_wait3A_232, %dma_wait3A_233, %add3A, %dma_wait3A_237] : memref<200x8x32x1024xf32, #tpu.memory_space<hbm>> -> memref<1x1x1x1024xf32, #tpu.memory_space<hbm>>
    %dma_wait3A_239 = tpu.memref_squeeze %dma_wait3A_238 : memref<1x1x1x1024xf32, #tpu.memory_space<hbm>> -> memref<1024xf32, #tpu.memory_space<hbm>>
    %dma_wait3A_240 = arith.constant 0 : i32
    %dma_wait3A_241 = tpu.memref_slice %arg5[%dma_wait3A_232, %dma_wait3A_233, %add3A, %dma_wait3A_240] : memref<200x8x32x1024xf32, #tpu.memory_space<hbm>> -> memref<1x1x1x1024xf32, #tpu.memory_space<hbm>>
    %dma_wait3A_242 = tpu.memref_squeeze %dma_wait3A_241 : memref<1x1x1x1024xf32, #tpu.memory_space<hbm>> -> memref<1024xf32, #tpu.memory_space<hbm>>
    %dma_wait3A_243 = arith.constant 0 : i32
    %dma_wait3A_244 = tpu.memref_slice %arg13[%dma_wait3A_231, %dma_wait3A_243] : memref<8x1024xf32, #tpu.memory_space<vmem>> -> memref<1x1024xf32, #tpu.memory_space<vmem>>
    %dma_wait3A_245 = tpu.memref_squeeze %dma_wait3A_244 : memref<1x1024xf32, #tpu.memory_space<vmem>> -> memref<1024xf32, #tpu.memory_space<vmem>>
    tpu.wait_dma2 semaphore(%arg19 : memref<!tpu.dma_semaphore, #tpu.memory_space<semaphore_mem>>) src(%dma_wait3A_245 : memref<1024xf32, #tpu.memory_space<vmem>>) dst(%dma_wait3A_242 : memref<1024xf32, #tpu.memory_space<hbm>>)
    %dma_wait3A_246 = arith.constant 7 : i32
    %dma_wait3A_247 = arith.constant 0 : i32
    %dma_wait3A_248 = arith.constant 7 : i32
    %dma_wait3A_249 = arith.constant 0 : i32
    %dma_wait3A_250 = tpu.memref_slice %arg13[%dma_wait3A_246, %dma_wait3A_249] : memref<8x1024xf32, #tpu.memory_space<vmem>> -> memref<1x1024xf32, #tpu.memory_space<vmem>>
    %dma_wait3A_251 = tpu.memref_squeeze %dma_wait3A_250 : memref<1x1024xf32, #tpu.memory_space<vmem>> -> memref<1024xf32, #tpu.memory_space<vmem>>
    %dma_wait3A_252 = arith.constant 0 : i32
    %dma_wait3A_253 = tpu.memref_slice %arg5[%dma_wait3A_247, %dma_wait3A_248, %add3A, %dma_wait3A_252] : memref<200x8x32x1024xf32, #tpu.memory_space<hbm>> -> memref<1x1x1x1024xf32, #tpu.memory_space<hbm>>
    %dma_wait3A_254 = tpu.memref_squeeze %dma_wait3A_253 : memref<1x1x1x1024xf32, #tpu.memory_space<hbm>> -> memref<1024xf32, #tpu.memory_space<hbm>>
    %dma_wait3A_255 = arith.constant 0 : i32
    %dma_wait3A_256 = tpu.memref_slice %arg5[%dma_wait3A_247, %dma_wait3A_248, %add3A, %dma_wait3A_255] : memref<200x8x32x1024xf32, #tpu.memory_space<hbm>> -> memref<1x1x1x1024xf32, #tpu.memory_space<hbm>>
    %dma_wait3A_257 = tpu.memref_squeeze %dma_wait3A_256 : memref<1x1x1x1024xf32, #tpu.memory_space<hbm>> -> memref<1024xf32, #tpu.memory_space<hbm>>
    %dma_wait3A_258 = arith.constant 0 : i32
    %dma_wait3A_259 = tpu.memref_slice %arg13[%dma_wait3A_246, %dma_wait3A_258] : memref<8x1024xf32, #tpu.memory_space<vmem>> -> memref<1x1024xf32, #tpu.memory_space<vmem>>
    %dma_wait3A_260 = tpu.memref_squeeze %dma_wait3A_259 : memref<1x1024xf32, #tpu.memory_space<vmem>> -> memref<1024xf32, #tpu.memory_space<vmem>>
    tpu.wait_dma2 semaphore(%arg19 : memref<!tpu.dma_semaphore, #tpu.memory_space<semaphore_mem>>) src(%dma_wait3A_260 : memref<1024xf32, #tpu.memory_space<vmem>>) dst(%dma_wait3A_257 : memref<1024xf32, #tpu.memory_space<hbm>>)
    %dma_wait3A_261 = arith.constant 7 : i32
    %dma_wait3A_262 = arith.constant 0 : i32
    %dma_wait3A_263 = arith.constant 7 : i32
    %dma_wait3A_264 = arith.constant 0 : i32
    %dma_wait3A_265 = tpu.memref_slice %arg13[%dma_wait3A_261, %dma_wait3A_264] : memref<8x1024xf32, #tpu.memory_space<vmem>> -> memref<1x1024xf32, #tpu.memory_space<vmem>>
    %dma_wait3A_266 = tpu.memref_squeeze %dma_wait3A_265 : memref<1x1024xf32, #tpu.memory_space<vmem>> -> memref<1024xf32, #tpu.memory_space<vmem>>
    %dma_wait3A_267 = arith.constant 0 : i32
    %dma_wait3A_268 = tpu.memref_slice %arg5[%dma_wait3A_262, %dma_wait3A_263, %add3A, %dma_wait3A_267] : memref<200x8x32x1024xf32, #tpu.memory_space<hbm>> -> memref<1x1x1x1024xf32, #tpu.memory_space<hbm>>
    %dma_wait3A_269 = tpu.memref_squeeze %dma_wait3A_268 : memref<1x1x1x1024xf32, #tpu.memory_space<hbm>> -> memref<1024xf32, #tpu.memory_space<hbm>>
    %dma_wait3A_270 = arith.constant 0 : i32
    %dma_wait3A_271 = tpu.memref_slice %arg5[%dma_wait3A_262, %dma_wait3A_263, %add3A, %dma_wait3A_270] : memref<200x8x32x1024xf32, #tpu.memory_space<hbm>> -> memref<1x1x1x1024xf32, #tpu.memory_space<hbm>>
    %dma_wait3A_272 = tpu.memref_squeeze %dma_wait3A_271 : memref<1x1x1x1024xf32, #tpu.memory_space<hbm>> -> memref<1024xf32, #tpu.memory_space<hbm>>
    %dma_wait3A_273 = arith.constant 0 : i32
    %dma_wait3A_274 = tpu.memref_slice %arg13[%dma_wait3A_261, %dma_wait3A_273] : memref<8x1024xf32, #tpu.memory_space<vmem>> -> memref<1x1024xf32, #tpu.memory_space<vmem>>
    %dma_wait3A_275 = tpu.memref_squeeze %dma_wait3A_274 : memref<1x1024xf32, #tpu.memory_space<vmem>> -> memref<1024xf32, #tpu.memory_space<vmem>>
    tpu.wait_dma2 semaphore(%arg19 : memref<!tpu.dma_semaphore, #tpu.memory_space<semaphore_mem>>) src(%dma_wait3A_275 : memref<1024xf32, #tpu.memory_space<vmem>>) dst(%dma_wait3A_272 : memref<1024xf32, #tpu.memory_space<hbm>>)
    return
  }
}

module attributes {stable_mosaic.version = 14 : i64} {
  func.func @_dec_body(%arg0: i32, %arg1: memref<32x128xi32, #tpu.memory_space<vmem>>, %arg2: memref<1x8x32x8x128xf32, #tpu.memory_space<vmem>>) attributes {dimension_semantics = [#tpu.dimension_semantics<arbitrary>], iteration_bounds = array<i64: 200>, scalar_prefetch = 0 : i64, scratch_operands = 0 : i64, tpu.core_type = #tpu.core_type<tc>, window_params = [{pipeline_mode = #tpu.pipeline_mode<synchronous>, transform_indices = @transform_0, window_bounds = array<i64: 32, 128>}, {transform_indices = @transform_1, window_bounds = array<i64: 1, 8, 32, 8, 128>}]} {
    %get3A = arith.constant 0 : index
    %get3A_0 = arith.constant 0 : index
    %get3A_1 = vector.load %arg1[%get3A, %get3A_0] : memref<32x128xi32, #tpu.memory_space<vmem>>, vector<32x128xi32>
    %gt3A = vector.broadcast %arg0 : i32 to vector<32x128xi32>
    %gt3A_2 = arith.cmpi sgt, %get3A_1, %gt3A : vector<32x128xi32>
    %jit3A = arith.constant 1.000000e+00 : f32
    %jit3A_3 = arith.constant 9.99999993E-9 : f32
    %broadcast_in_dim3A = vector.broadcast %jit3A : f32 to vector<32x128xf32>
    %broadcast_in_dim3A_4 = vector.broadcast %jit3A_3 : f32 to vector<32x128xf32>
    %select_n3A = arith.select %gt3A_2, %broadcast_in_dim3A, %broadcast_in_dim3A_4 : vector<32x128xi1>, vector<32x128xf32>
    %broadcast_in_dim3A_5 = vector.shape_cast %select_n3A : vector<32x128xf32> to vector<1x1x32x1x128xf32>
    %broadcast_in_dim3A_6 = vector.shape_cast %broadcast_in_dim3A_5 : vector<1x1x32x1x128xf32> to vector<1x1x32x1x128xf32>
    %broadcast_in_dim3A_7 = vector.broadcast %broadcast_in_dim3A_6 : vector<1x1x32x1x128xf32> to vector<1x8x32x8x128xf32>
    %swap3A = arith.constant 0 : index
    %swap3A_8 = arith.constant 0 : index
    %swap3A_9 = arith.constant 0 : index
    %swap3A_10 = arith.constant 0 : index
    %swap3A_11 = arith.constant 0 : index
    %swap3A_12 = vector.load %arg2[%swap3A, %swap3A_8, %swap3A_9, %swap3A_10, %swap3A_11] : memref<1x8x32x8x128xf32, #tpu.memory_space<vmem>>, vector<1x8x32x8x128xf32>
    tpu.vector_store %arg2[%swap3A, %swap3A_8, %swap3A_9, %swap3A_10, %swap3A_11], %broadcast_in_dim3A_7 {strides = array<i32>} : memref<1x8x32x8x128xf32, #tpu.memory_space<vmem>>, vector<1x8x32x8x128xf32>,
    return
  }
  func.func @transform_0(%arg0: i32) -> (i32, i32) {
    %c0_i32 = arith.constant 0 : i32
    %c0_i32_0 = arith.constant 0 : i32
    %c0_i32_1 = arith.constant 0 : i32
    return %c0_i32, %c0_i32_0 : i32, i32
  }
  func.func @transform_1(%arg0: i32) -> (i32, i32, i32, i32, i32) {
    %c0_i32 = arith.constant 0 : i32
    %c0_i32_0 = arith.constant 0 : i32
    %c0_i32_1 = arith.constant 0 : i32
    %c0_i32_2 = arith.constant 0 : i32
    %c0_i32_3 = arith.constant 0 : i32
    return %arg0, %c0_i32, %c0_i32_0, %c0_i32_1, %c0_i32_2 : i32, i32, i32, i32, i32
  }
}

</mosaic_0001>

<sc_bundles>
// kernel: kernel.4.cloned.1.call-start
scs
__scs_entry_jumppad:
0x0: {  	(pc) =	sbr.rel $0x88, $3  }
0x1: {  	(tag) =	ssettag $0x0;
	lr =	simm.s32 $0x1  }
0x2: {  	[smem:$0x3F9E] =	sst lr;
	_ =	strace $0xD0000000  }
0x3: {  	_ = 	snop  }
0x4: {  	_ = 	snop  }
0x5: {  	_ = 	snop  }
0x6: {  	_ = 	snop  }
0x7: {  	_ = 	snop  }
__scs_overlays_trampoline_lowered:
0x8: {  	[smem:$0x3FAD] =	sst s0  }
0x9: {  	[smem:$0x3FAE] =	sst s1  }
0xa: {  	[smem:$0x3FAF] =	sst s2  }
0xb: {  	[smem:$0x3FB0] =	sst s3  }
0xc: {  	[smem:$0x3FB1] =	sst s4  }
0xd: {  	[smem:$0x3FB2] =	sst s5  }
0xe: {  	[smem:$0x3FB3] =	sst s6  }
0xf: {  	[smem:$0x3FB4] =	sst s7  }
0x10: {  	[smem:$0x3FB5] =	sst s8  }
0x11: {  	[smem:$0x3FB6] =	sst s9;
	s0 =	simm.s32 @!p0 $0x0  }
0x12: {  	s1 =	sld [smem:$0x3F9C];
	s0 =	simm.s32 @p0 $0x1  }
0x13: {  	[smem:$0x3FB7] =	sst s0;
	s0 =	simm.s32 @!p1 $0x0  }
0x14: {  	s2 =	sld [smem:$0x3F9B];
	s0 =	simm.s32 @p1 $0x1  }
0x15: {  	[smem:$0x3FB8] =	sst s0;
	s0 =	simm.s32 @!p2 $0x0  }
0x16: {  	s3 =	sld [smem:$0x3FDB];
	s0 =	simm.s32 @p2 $0x1  }
0x17: {  	s4 =	simm.s32 $0x1BF5;
	[smem:$0x3FBA] =	sst s0  }
0x18: {  	s0 =	sld [smem:$0x3F9D];
	_ =	swait.ge [sflag:s4], $0x0  }
0x19: {  	s7 =	sld [smem:$0x3F9E]  }
0x1a: {  	s8 =	sadd.s32 $0xFFFFE003, lr  }
0x1b: {  	s9 =	sadd.s32 $0xFFFFFEF7, lr;
	s5 =	simm.s32 $0xFFFFFFFF;
	p2 =	slt.u32 s8, $0xFFFFF086  }
0x1c: {  	p1 =	slt.u32 s9, $0xF7A;
	s5 =	simm.s32 @!p2 $0x0  }
0x1d: {  	s5 =	simm.s32 @p1 $0x1;
	p0 =	seq.s32 s7, s2  }
0x1e: {  	s7 =	smul.u32 @!p0 $0xF7A, s2;
	p2 =	seq.s32 @!p0 s5, $0x0  }
0x1f: {  	s9 =	smul.u32 $0xF7A, s1;
	s8 =	simm.s32 @!p0 $0x1BF5;
	p2 =	por !p2, p0  }
0x20: {  	[sflag:s8] =	ssyncset.s32 @!p0 $0xFFFFF086;
	s6 =	sadd.s32 @!p0 s3, s7;
	s7 =	simm.s32 @!p0 $0x108  }
0x21: {  	s3 =	sadd.s32 s3, s9;
	s6 =	sadd.s32 @!p0 $0x88, s6;
	s7 =	simm.s32 @p2 $0x1082  }
0x22: {  	[simem:s7], [sflag:s8] =	dma.local @!p0 [hbm:s6], $0xF7A  }
0x23: {  	s9 =	sor.u32 $0xD0000000, s2;
	s6 =	simm.s32 $0x108;
	_ =	swait.ge @!p0 [sflag:s8], $0x0  }
0x24: {  	s3 =	sadd.s32 $0x88, s3;
	s6 =	simm.s32 @!p1 $0x1082;
	[sflag:s4] =	ssyncset.s32 $0xFFFFF086  }
0x25: {  	[simem:s6], [sflag:s4] =	dma.local [hbm:s3], $0xF7A  }
0x26: {  	[smem:$0x3F9E] =	sst s1;
	(tag) =	ssettag s2;
	_ =	strace s9  }
0x27: {  	s1 =	sld [smem:$0x3FAE]  }
0x28: {  	s2 =	sld [smem:$0x3FAF]  }
0x29: {  	s4 =	sld [smem:$0x3FB1]  }
0x2a: {  	p0 =	seq.s32 s5, $0x0;
	s5 =	sld [smem:$0x3FB2]  }
0x2b: {  	s6 =	sld [smem:$0x3FB3]  }
0x2c: {  	s7 =	sld [smem:$0x3FB4]  }
0x2d: {  	s3 =	simm.s32 $0x108;
	s8 =	sld [smem:$0x3FB5]  }
0x2e: {  	s3 =	simm.s32 @!p0 $0x1082;
	s9 =	sld [smem:$0x3FB6]  }
0x2f: {  	lr =	sadd.s32 s0, s3;
	s0 =	sld [smem:$0x3FAD]  }
0x30: {  	s3 =	sld [smem:$0x3FB0]  }
0x31: {  	[smem:$0x3FB9] =	sst s10  }
0x32: {  	s10 =	sld [smem:$0x3FB7];
	_ =	sdelay $0x3  }
0x33: {  	p0 =	seq.s32 s10, $0x1;
	s10 =	sld [smem:$0x3FB9];
	_ =	sdelay $0x3  }
0x34: {  	[smem:$0x3FB9] =	sst s10  }
0x35: {  	s10 =	sld [smem:$0x3FB8];
	_ =	sdelay $0x3  }
0x36: {  	p1 =	seq.s32 s10, $0x1;
	s10 =	sld [smem:$0x3FB9];
	_ =	sdelay $0x3  }
0x37: {  	[smem:$0x3FB9] =	sst s10  }
0x38: {  	s10 =	sld [smem:$0x3FBA]  }
0x39: {  	_ = 	snop;
	(pc) =	sbr.ind lr, $3  }
0x3a: {  	_ = 	snop  }
0x3b: {  	_ = 	snop  }
0x3c: {  	p2 =	seq.s32 s10, $0x1;
	s10 =	sld [smem:$0x3FB9]  }
0x3d: {  	_ =	shalt  }
0x3e: {  	_ =	shalt  }
0x3f: {  	_ =	shalt  }
0x40: {  	_ =	shalt  }
0x41: {  	_ =	shalt  }
0x42: {  	_ =	shalt  }
0x43: {  	_ =	shalt  }
0x44: {  	_ =	shalt  }
0x45: {  	_ =	shalt  }
0x46: {  	_ =	shalt  }
0x47: {  	_ =	shalt  }
0x48: {  	_ =	shalt  }
0x49: {  	_ =	shalt  }
0x4a: {  	_ =	shalt  }
0x4b: {  	_ =	shalt  }
0x4c: {  	_ =	shalt  }
0x4d: {  	_ =	shalt  }
0x4e: {  	_ =	shalt  }
0x4f: {  	_ =	shalt  }
0x50: {  	_ =	shalt  }
0x51: {  	_ =	shalt  }
0x52: {  	_ =	shalt  }
0x53: {  	_ =	shalt  }
0x54: {  	_ =	shalt  }
0x55: {  	_ =	shalt  }
0x56: {  	_ =	shalt  }
0x57: {  	_ =	shalt  }
0x58: {  	_ =	shalt  }
0x59: {  	_ =	shalt  }
0x5a: {  	_ =	shalt  }
0x5b: {  	_ =	shalt  }
0x5c: {  	_ =	shalt  }
0x5d: {  	_ =	shalt  }
0x5e: {  	_ =	shalt  }
0x5f: {  	_ =	shalt  }
0x60: {  	_ =	shalt  }
0x61: {  	_ =	shalt  }
0x62: {  	_ =	shalt  }
0x63: {  	_ =	shalt  }
0x64: {  	_ =	shalt  }
0x65: {  	_ =	shalt  }
0x66: {  	_ =	shalt  }
0x67: {  	_ =	shalt  }
0x68: {  	_ =	shalt  }
0x69: {  	_ =	shalt  }
0x6a: {  	_ =	shalt  }
0x6b: {  	_ =	shalt  }
0x6c: {  	_ =	shalt  }
0x6d: {  	_ =	shalt  }
0x6e: {  	_ =	shalt  }
0x6f: {  	_ =	shalt  }
0x70: {  	_ =	shalt  }
0x71: {  	_ =	shalt  }
0x72: {  	_ =	shalt  }
0x73: {  	_ =	shalt  }
0x74: {  	_ =	shalt  }
0x75: {  	_ =	shalt  }
0x76: {  	_ =	shalt  }
0x77: {  	_ =	shalt  }
0x78: {  	_ =	shalt  }
0x79: {  	_ =	shalt  }
0x7a: {  	_ =	shalt  }
0x7b: {  	_ =	shalt  }
0x7c: {  	_ =	shalt  }
0x7d: {  	_ =	shalt  }
0x7e: {  	_ =	shalt  }
0x7f: {  	_ =	shalt  }
0x80: {  	_ =	shalt  }
0x81: {  	_ =	shalt  }
0x82: {  	_ =	shalt  }
0x83: {  	_ =	shalt  }
0x84: {  	_ =	shalt  }
0x85: {  	_ =	shalt  }
0x86: {  	_ =	shalt  }
0x87: {  	_ =	shalt  }
.Lfunc_end0:
.L_simem_size_0:
called_computation_lowered:
.L_overlay_start_0:
0x88: {  	s2 =	sld [smem:$0x3FD9]  }
0x89: {  	s3 =	sld [smem:$0x3FFE];
	_ =	sdelay $0x1  }
0x8a: {  	s1 =	srdreg.scid  }
0x8b: {  	s0 =	sand.u32 $0x1, s1  }
0x8c: {  	s14 =	sshll.u32 s0, $0xA;
	s2 =	sadd.s32 s3, s2  }
0x8d: {  	s2 =	sadd.s32 s2, s14  }
0x8e: {  	[smem:$0x3FC5] =	sst s2  }
0x8f: {  	_ = 	snop  }
0x90: {  	s2 =	sld [smem:$0x3FD0];
	_ =	sdelay $0x2  }
0x91: {  	s4 =	simm.s32 $0xA;
	s5 =	simm.s32 $0x10;
	s15 =	sld [smem:$0x3FC8]  }
0x92: {  	[smem:s5], [sflag:s4] =	dma.local [hbm:s2], $0x1  }
0x93: {  	_ =	swait.eq [sflag:s4], $0x1  }
0x94: {  	[sflag:s4] =	ssyncset.done $0x0  }
0x95: {  	s16 =	sld [smem:$0x10];
	[sflag:s4] =	ssyncadd.s32 $0xFFFFFFFF  }
0x96: {  	s17 =	sld [smem:$0x12];
	(tm) =	ssettm $0x1  }
0x97: {  	s18 =	sld [smem:$0x3FFB];
	_ =	sdelay $0x3  }
0x98: {  	_ =	strace s18  }
0x99: {  	s5 =	sld [smem:$0x3FFC];
	_ =	sdelay $0x3  }
0x9a: {  	_ =	strace s5  }
0x9b: {  	s5 =	sld [smem:$0x3FFD];
	_ =	sdelay $0x3  }
0x9c: {  	_ =	strace s5  }
0x9d: {  	_ =	strace $0x8FFFFFFF  }
0x9e: {  	s19 =	sld [smem:$0x3FDB];
	_ =	sdelay $0x1  }
0x9f: {  	s6 =	simm.s32 $_scs_section_size  }
0xa0: {  	s7 =	simm.s32 $_size__tile_overlayer_lowered;
	s8 =	simm.s32 $_tile_overlayer_lowered  }
0xa1: {  	s22 =	simm.s32 $0x1BFF;
	s21 =	sshll.u32 s8, $0x1;
	s5 =	sadd.s32 s6, s19  }
0xa2: {  	s9 =	simm.s32 $0x0;
	s20 =	sshll.u32 s7, $0x1;
	s7 =	sadd.s32 s21, s5  }
0xa3: {  	[timem:s9], [sflag:s22] =	dma.local [hbm:s7], s20  }
0xa4: {  	_ =	swait.ge [sflag:s22], s20  }
0xa5: {  	s6 =	ssub.s32 $0x0, s20;
	[sflag:s22] =	ssyncset.done $0x0  }
0xa6: {  	[sflag:s22] =	ssyncadd.s32 s6;
	_ =	sdelay $0x1  }
0xa7: {  	s23 =	simm.s32 $0x1B8B  }
0xa8: {  	_ =	swait.ge [sflag:s23], $0x1  }
0xa9: {  	[sflag:s23] =	ssyncset.done $0x0  }
0xaa: {  	s25 =	simm.s32 $0x1B8E;
	s24 =	sld [smem:$0x3FFE];
	[sflag:s23] =	ssyncadd.s32 $0xFFFFFFFF  }
0xab: {  	s26 =	simm.s32 $execute0_lowered;
	[smem:$0x3FD2] =	sst s25  }
0xac: {  	s7 =	sshll.u32 s26, $0x1;
	_ =	strace $0x80000046;
	[dreg:$0x1] =	wrdreg $0xFFFFFFFF  }
0xad: {  	s28 =	simm.s32 $_size_execute0_lowered;
	s5 =	sadd.s32 s5, s7;
	[dreg:$0x0] =	wrdreg $0x0  }
0xae: {  	s7 =	sshll.u32 s28, $0x1;
	[dreg:$0x2] =	wrdreg s5  }
0xaf: {  	[dreg:$0x3] =	wrdreg s7  }
0xb0: {  	[dreg:$0x4] =	wrdreg $0xC0  }
0xb1: {  	_ =	task [dreg:s9], $0x5FFFF  }
0xb2: {  	[dreg:$0x1] =	wrdreg $0xFFFFFFFF  }
0xb3: {  	[dreg:$0x0] =	wrdreg $0x60  }
0xb4: {  	[dreg:$0x2] =	wrdreg s24  }
0xb5: {  	[dreg:$0x3] =	wrdreg s15  }
0xb6: {  	[dreg:$0x4] =	wrdreg s16  }
0xb7: {  	[dreg:$0x5] =	wrdreg s17  }
0xb8: {  	[dreg:$0x6] =	wrdreg $0x9  }
0xb9: {  	_ =	task.clear_ibuf [dreg:s9], $0x7FFFF;
	_ =	strace $0x90000046  }
0xba: {  	s29 =	simm.s32 $0x9;
	_ =	strace $0x80000048  }
0xbb: {  	_ =	swait.ge [sflag:s29], $0x1  }
0xbc: {  	[sflag:s29] =	ssyncadd.s32 $0xFFFFFFFF  }
0xbd: {  	_ =	strace $0x90000048  }
0xbe: {  	_ =	sfence  }
0xbf: {  	s30 =	sld [smem:$0x0];
	_ =	sdelay $0x2  }
0xc0: {  	s31 =	sshll.u32 s1, $0xD;
	s1 =	sshrl.u32 s1, $0x2  }
0xc1: {  	s3 =	sand.u32 $0x4000, s31;
	s1 =	sadd.s32 s1, s30  }
0xc2: {  	s0 =	sor.u32 s3, s0;
	s1 =	sshll.u32 s1, $0x11  }
0xc3: {  	s0 =	sor.u32 s1, s0  }
0xc4: {  	s0 =	sadd.s32 $0x8F2B, s0  }
0xc5: {  	[sflag:s0] =	ssyncadd.remote.s32 $0x1  }
0xc6: {  	_ =	sfence.sel $0xFFFF  }
0xc7: {  	[dreg:$0x0] =	wrdreg $0xFFFFFFFF;
	(pc) =	sbr.abs _section_cstart, $3  }
0xc8: {  	[dreg:$0x1] =	wrdreg $0xFFFFFFFF  }
0xc9: {  	_ =	task.clear_ibuf [dreg:s9], $0x2FFFF;
	_ =	strace $0x9FFFFFFF  }
0xca: {  	(tm) =	ssettm $0x7FFFFFFF  }
0xcb: {  	_ =	shalt  }
tec
execute0_lowered:
.L_overlay_start_1:
0x0: {  	(tag) =	ssettag $0x1  }
0x1: {  	s0 =	rddreg [dreg:$0x0]  }
0x2: {  	s9 =	rddreg [dreg:$0x1]  }
0x3: {  	s2 =	rddreg [dreg:$0x2];
	s1 =	srdreg.scid;
	s5 =	simm.s32 $0x0  }
0x4: {  	s4 =	stileid.u32;
	s18 =	simm.s32 $0x80;
	s24 =	simm.s32 $0x74A0  }
0x5: {  	s25 =	simm.s32 $0x94A0;
	s28 =	simm.s32 $0xB4A0;
	s23 =	simm.s32 $0xD4A0  }
0x6: {  	s19 =	simm.s32 $0xDCA0;
	s21 =	simm.s32 $0xE0A0;
	s17 =	simm.s32 $0xECA0  }
0x7: {  	s20 =	simm.s32 $0xF0A0;
	s29 =	simm.s32 $0x2;
	s1 =	sand.u32 $0x1, s1  }
0x8: {  	[smem:$0x7FF] =	sst s5;
	s6 =	sadd.s32 $0xC00, s0;
	s10 =	sadd.s32 $0x1000, s2  }
0x9: {  	s11 =	sadd.s32 $0x2000, s2;
	s12 =	sadd.s32 $0x3000, s2;
	s13 =	sadd.s32 $0x4000, s2  }
0xa: {  	s14 =	sadd.s32 $0x5000, s2;
	s15 =	sadd.s32 $0x6000, s2;
	s3 =	sshll.u32 s1, $0x4  }
0xb: {  	s16 =	sadd.s32 $0x7000, s2;
	s1 =	ssub.s32 $0x2, s1;
	s3 =	sor.u32 s4, s3  }
0xc: {  	v0 =	vlaneseq.u32;
	_ =	strace $0x80000047;
	s7 =	sshrl.u32 s1, $0x1;
	s4 =	sshll.u32 s3, $0x4  }
0xd: {  	v1 =	vmul.u32 $0x40, v0;
	s26 =	ssub.s32 s1, s7;
	p0 =	sne.s32 s3, $0x0;
	s1 =	simm.s32 $0xD8A0  }
0xe: {  	s7 =	simm.s32 $0xE4A0;
	s8 =	sadd.s32 s4, s0;
	s31 =	sadd.s32 s9, s4  }
0xf: {  	v2 =	vimm.f32 $0.0e+00;
	v3 =	vor.u32 $0x400, v1;
	s9 =	sshll.u32 s3, $0xA;
	s0 =	smax.u32 s26, $0x1;
	[dreg:$0x6] =	wrdreg s31  }
0x10: {  	v4 =	vor.u32 $0x800, v1;
	v5 =	vor.u32 $0xC00, v1;
	v6 =	vor.u32 $0x1000, v1;
	s26 =	simm.s32 $0x1;
	s30 =	sadd.s32 $0xC4200, s8;
	[dreg:$0x7] =	wrdreg s0  }
0x11: {  	v7 =	vor.u32 $0x1400, v1;
	v8 =	vor.u32 $0x1800, v1;
	v9 =	vor.u32 $0x1C00, v1;
	s3 =	simm.s32 $0x0;
	s8 =	simm.s32 $0xE8A0;
	[dreg:$0x5] =	wrdreg s30  }
.LBB2_1:
0x12: {  	[dreg:$0x8] =	wrdreg s3  }
0x13: {  	s0 =	rddreg [dreg:$0x5];
	s22 =	simm.s32 $0x1000;
	s30 =	simm.s32 $0x3  }
0x14: {  	[tilespmem:s5], [sflag:$0x3] =	stream.strided.gather [hbm4b:s0+s18], $0x6400, s22, s18, $0x38;
	[tilespmem:$0x100A0] =	vst v63  }
0x15: {  	_ =	swait.ge [sflag:s30], $0x6400  }
0x16: {  	s4 =	simm.s32 $0x6400;
	[sflag:s30] =	ssyncset.done $0x0  }
.Ltmp0:
0x17: {  	s31 =	rddreg [dreg:$0x6];
	[sflag:s30] =	ssyncadd.s32 $0xFFFF9C00;
	(pc) =	sbr.rel @p0 .LBB2_5-.Ltmp0, $4  }
0x18: {  	[tilespmem:s4], [sflag:$0x3] =	stream.linear.gather [hbm4b:s31+s5], $0x80, $0x38;
	[tilespmem:$0x100A0] =	vst v63  }
0x19: {  	_ =	swait.ge [sflag:s30], $0x80  }
0x1a: {  	[sflag:s30] =	ssyncset.done $0x0  }
0x1b: {  	[sflag:s30] =	ssyncadd.s32 $0xFFFFFF80  }
0x1c: {  	s0 =	simm.s32 $0x0  }
0x1d: {  	s3 =	rddreg [dreg:$0x1];
	s4 =	simm.s32 $0x6480;
	s30 =	simm.s32 $0x3  }
0x1e: {  	[tilespmem:s4], [sflag:$0x3] =	stream.linear.gather [hbm4b:s3+s0], $0x1000, $0x38;
	[tilespmem:$0x100A0] =	vst v63  }
0x1f: {  	_ =	swait.ge [sflag:s30], $0x1000  }
0x20: {  	[sflag:s30] =	ssyncset.done $0x0  }
0x21: {  	s31 =	simm.s32 $0x0;
	[sflag:s30] =	ssyncadd.s32 $0xFFFFF000  }
0x22: {  	v10 =	vimm.s32 $0x0;
	s0 =	simm.s32 $0x40;
	v11 =	vld [tilespmem:s31+$0x6480]  }
.LBB2_3:
0x23: {  	p1 =	sne.s32 s0, $0x3FC0  }
.Ltmp1:
0x24: {  	_ = 	snop;
	(pc) =	sbr.rel @p1 .LBB2_3-.Ltmp1, $3  }
0x25: {  	_ =	sdelay $0x1  }
0x26: {  	s3 =	sshra.s32 s0, $0x2;
	s0 =	sadd.s32 $0x40, s0;
	vm0 =	vgt.s32 v10, v11  }
0x27: {  	v10 =	vsel vm0, v10, v11;
	v11 =	vld [tilespmem:s3+$0x6480]  }
0x28: {  	_ =	sdelay $0x3  }
0x29: {  	vm0 =	vgt.s32 v10, v11  }
0x2a: {  	v10 =	vsel vm0, v10, v11  }
0x2b: {  	vm0 =	vlt.s32 v10, $0xC8  }
0x2c: {  	v10 =	vnsel vm0, $0xC8, v10  }
0x2d: {  	(v2sf) =	vpush v10, $0x0  }
0x2e: {  	(v2sf) =	vpush v10, $0x1;
	_ =	sdelay $0x1  }
0x2f: {  	(v2sf) =	vpush v10, $0x2;
	_ =	sdelay $0x1  }
0x30: {  	(v2sf) =	vpush v10, $0x3;
	_ =	sdelay $0x1  }
0x31: {  	(v2sf) =	vpush v10, $0x4;
	_ =	sdelay $0x1  }
0x32: {  	(v2sf) =	vpush v10, $0x5;
	_ =	sdelay $0x1  }
0x33: {  	(v2sf) =	vpush v10, $0x6;
	_ =	sdelay $0x1  }
0x34: {  	(v2sf) =	vpush v10, $0x7;
	_ =	sdelay $0x1  }
0x35: {  	s0 =	spop (v2sf);
	(v2sf) =	vpush v10, $0x8  }
0x36: {  	s3 =	spop (v2sf)  }
0x37: {  	(v2sf) =	vpush v10, $0x9;
	p1 =	sgt.s32 s0, s3  }
0x38: {  	s3 =	smov.u32 @p1 s0;
	s0 =	spop (v2sf)  }
0x39: {  	(v2sf) =	vpush v10, $0xA;
	p1 =	sgt.s32 s3, s0  }
0x3a: {  	s0 =	smov.u32 @p1 s3;
	s3 =	spop (v2sf)  }
0x3b: {  	(v2sf) =	vpush v10, $0xB;
	p1 =	sgt.s32 s0, s3  }
0x3c: {  	s3 =	smov.u32 @p1 s0;
	s0 =	spop (v2sf)  }
0x3d: {  	(v2sf) =	vpush v10, $0xC;
	p1 =	sgt.s32 s3, s0  }
0x3e: {  	s0 =	smov.u32 @p1 s3;
	s3 =	spop (v2sf)  }
0x3f: {  	(v2sf) =	vpush v10, $0xD;
	p1 =	sgt.s32 s0, s3  }
0x40: {  	s3 =	smov.u32 @p1 s0;
	s0 =	spop (v2sf)  }
0x41: {  	(v2sf) =	vpush v10, $0xE;
	p1 =	sgt.s32 s3, s0  }
0x42: {  	s0 =	smov.u32 @p1 s3;
	s3 =	spop (v2sf)  }
0x43: {  	(v2sf) =	vpush v10, $0xF;
	p1 =	sgt.s32 s0, s3  }
0x44: {  	s3 =	smov.u32 @p1 s0;
	s0 =	spop (v2sf)  }
0x45: {  	p1 =	sgt.s32 s3, s0  }
0x46: {  	s0 =	smov.u32 @p1 s3;
	s3 =	spop (v2sf)  }
0x47: {  	p1 =	sgt.s32 s0, s3  }
0x48: {  	s3 =	smov.u32 @p1 s0;
	s0 =	spop (v2sf)  }
0x49: {  	p1 =	sgt.s32 s3, s0  }
0x4a: {  	s0 =	smov.u32 @p1 s3;
	s3 =	spop (v2sf)  }
0x4b: {  	p1 =	sgt.s32 s0, s3  }
0x4c: {  	s3 =	smov.u32 @p1 s0;
	s0 =	spop (v2sf)  }
0x4d: {  	p1 =	sgt.s32 s3, s0  }
0x4e: {  	s0 =	smov.u32 @p1 s3;
	s3 =	spop (v2sf)  }
0x4f: {  	p1 =	sgt.s32 s0, s3  }
0x50: {  	s3 =	smov.u32 @p1 s0;
	s0 =	spop (v2sf)  }
0x51: {  	p1 =	sgt.s32 s3, s0  }
0x52: {  	s0 =	smov.u32 @p1 s3;
	s3 =	spop (v2sf)  }
0x53: {  	p1 =	sgt.s32 s0, s3  }
0x54: {  	s3 =	smov.u32 @p1 s0  }
0x55: {  	v10 =	vmov s3  }
0x56: {  	s22 =	rddreg [dreg:$0x3];
	s30 =	simm.s32 $0x7490;
	s31 =	simm.s32 $0x3;
	[tilespmem:$0x7490] =	vst v10  }
0x57: {  	[hbm4b:s22+s5] =	stream.linear.scatter [tilespmem:s30], [sflag:$0x3], $0x10, $0x38;
	[tilespmem:$0x100A0] =	vst v63  }
0x58: {  	_ =	swait.ge [sflag:s31], $0x10  }
0x59: {  	[sflag:s31] =	ssyncset.done $0x0  }
0x5a: {  	[sflag:s31] =	ssyncadd.s32 $0xFFFFFFF0  }
.LBB2_5:
0x5b: {  	v63 =	vld [tilespmem:$0x6400]  }
0x5c: {  	v10 =	vld [tilespmem:$0x6410]  }
0x5d: {  	v13 =	vld [tilespmem:$0x6430]  }
0x5e: {  	v14 =	vld [tilespmem:$0x6440]  }
0x5f: {  	v15 =	vld [tilespmem:$0x6450];
	s0 =	simm.s32 $0x0  }
0x60: {  	v16 =	vld [tilespmem:$0x6460];
	v18 =	vadd.s32 s0, v0  }
0x61: {  	v17 =	vld [tilespmem:$0x6470];
	s0 =	simm.s32 $0xF4C0;
	v20 =	vand.u32 $0xF, v18;
	v19 =	vshll.u32 v18, $0x7;
	[tilespmem:$0x1FFE0] =	vst v10  }
0x62: {  	s3 =	simm.s32 $0xF8C0;
	v21 =	vshrl.u32 v20, $0x3;
	v19 =	vand.u32 $0x380, v19;
	v10 =	vld [tilespmem:$0x6420];
	[tilespmem:s0+$0xFFFFFFE0] =	vst v20  }
0x63: {  	s4 =	simm.s32 $0xFCC0;
	v19 =	vor.u32 v0, v19;
	[tilespmem:s3+$0xFFFFFFE0] =	vst v21  }
0x64: {  	v62 =	vor.u32 $0x10, v18;
	[tilespmem:s4+$0xFFFFFFE0] =	vst v19  }
0x65: {  	v21 =	vshrl.u32 v62, $0x3;
	[tilespmem:s0+$0xFFFFFFF0] =	vst v62  }
0x66: {  	[tilespmem:s3+$0xFFFFFFF0] =	vst v21  }
0x67: {  	[tilespmem:$0x1FFF0] =	vst v10  }
0x68: {  	v20 =	vor.u32 $0x20, v20;
	[tilespmem:s4+$0xFFFFFFF0] =	vst v19  }
0x69: {  	[tilespmem:s0+$0x0] =	vst v20;
	v20 =	vshrl.u32 v20, $0x3  }
0x6a: {  	s22 =	simm.s32 $0x1;
	[tilespmem:s3+$0x0] =	vst v20  }
.LBB2_6:
0x6b: {  	p1 =	sne.s32 s22, $0xF;
	[tilespmem:s4+$0x0] =	vst v19;
	v18 =	vor.u32 $0x30, v18  }
0x6c: {  	[tilespmem:s0+$0x10] =	vst v18;
	v20 =	vshrl.u32 v18, $0x3  }
0x6d: {  	v18 =	vadd.s32 s22, v0;
	[tilespmem:s3+$0x10] =	vst v20  }
0x6e: {  	s0 =	sadd.s32 $0x40, s0;
	v20 =	vand.u32 $0xF, v18;
	v21 =	vshll.u32 v18, $0x7;
	[tilespmem:s4+$0x10] =	vst v19  }
0x6f: {  	s3 =	sadd.s32 $0x40, s3;
	v19 =	vshrl.u32 v20, $0x3;
	v21 =	vand.u32 $0x380, v21;
	[tilespmem:s0+$0xFFFFFFE0] =	vst v20  }
0x70: {  	s4 =	sadd.s32 $0x40, s4;
	[tilespmem:s3+$0xFFFFFFE0] =	vst v19;
	v19 =	vor.u32 v0, v21  }
0x71: {  	v21 =	vor.u32 $0x10, v18;
	[tilespmem:s4+$0xFFFFFFE0] =	vst v19  }
.Ltmp2:
0x72: {  	[tilespmem:s0+$0xFFFFFFF0] =	vst v21;
	v21 =	vshrl.u32 v21, $0x3;
	(pc) =	sbr.rel @p1 .LBB2_6-.Ltmp2, $4  }
0x73: {  	[tilespmem:s3+$0xFFFFFFF0] =	vst v21  }
0x74: {  	v20 =	vor.u32 $0x20, v20;
	[tilespmem:s4+$0xFFFFFFF0] =	vst v19  }
0x75: {  	[tilespmem:s0+$0x0] =	vst v20;
	v20 =	vshrl.u32 v20, $0x3  }
0x76: {  	s22 =	sadd.s32 $0x1, s22;
	[tilespmem:s3+$0x0] =	vst v20  }
0x77: {  	[tilespmem:s4+$0x0] =	vst v19;
	v18 =	vor.u32 $0x30, v18  }
0x78: {  	[tilespmem:s0+$0x10] =	vst v18;
	v18 =	vshrl.u32 v18, $0x3  }
0x79: {  	[tilespmem:s3+$0x10] =	vst v18  }
0x7a: {  	s30 =	simm.s32 $0x0;
	[tilespmem:s4+$0x10] =	vst v19  }
0x7b: {  	[tilespmem:s24], [sflag:$0x1] =	stream.indirect.gather [hbm4b:s6+s18], $0x40, s30, s18, $0xb8;
	[tilespmem:$0x100A0] =	vst v63  }
.LBB2_8:
0x7c: {  	s31 =	sshllo.u32 s30, $0x1  }
0x7d: {  	s0 =	sshll.u32 s31, $0x7  }
0x7e: {  	p1 =	seq.s32 s30, $0x0;
	s0 =	sand.u32 $0x3FFFFF80, s0  }
0x7f: {  	[tilespmem:s25], [sflag:$0x1] =	stream.indirect.gather [hbm4b:s6+s18], $0x40, s0, s18, $0xb8;
	[tilespmem:$0x100A0] =	vst v63  }
0x80: {  	s0 =	simm.s32 @!p1 $0x2  }
0x81: {  	_ =	swait.ge @!p1 [sflag:s0], $0x400  }
0x82: {  	[sflag:s0] =	ssyncset.done @!p1 $0x0  }
0x83: {  	[sflag:s0] =	ssyncadd.s32 @!p1 $0xFFFFFC00  }
0x84: {  	_ =	swait.ge @!p1 [sflag:s0], $0x400  }
0x85: {  	[sflag:s0] =	ssyncset.done @!p1 $0x0  }
0x86: {  	[sflag:s0] =	ssyncadd.s32 @!p1 $0xFFFFFC00  }
0x87: {  	_ =	swait.ge @!p1 [sflag:s0], $0x400  }
0x88: {  	[sflag:s0] =	ssyncset.done @!p1 $0x0  }
0x89: {  	[sflag:s0] =	ssyncadd.s32 @!p1 $0xFFFFFC00  }
0x8a: {  	_ =	swait.ge @!p1 [sflag:s0], $0x400  }
0x8b: {  	[sflag:s0] =	ssyncset.done @!p1 $0x0  }
0x8c: {  	[sflag:s0] =	ssyncadd.s32 @!p1 $0xFFFFFC00  }
0x8d: {  	_ =	swait.ge @!p1 [sflag:s0], $0x400  }
0x8e: {  	[sflag:s0] =	ssyncset.done @!p1 $0x0  }
0x8f: {  	[sflag:s0] =	ssyncadd.s32 @!p1 $0xFFFFFC00  }
0x90: {  	_ =	swait.ge @!p1 [sflag:s0], $0x400  }
0x91: {  	[sflag:s0] =	ssyncset.done @!p1 $0x0  }
0x92: {  	[sflag:s0] =	ssyncadd.s32 @!p1 $0xFFFFFC00  }
0x93: {  	_ =	swait.ge @!p1 [sflag:s0], $0x400  }
0x94: {  	[sflag:s0] =	ssyncset.done @!p1 $0x0  }
0x95: {  	[sflag:s0] =	ssyncadd.s32 @!p1 $0xFFFFFC00  }
0x96: {  	_ =	swait.ge @!p1 [sflag:s0], $0x400  }
0x97: {  	[sflag:s0] =	ssyncset.done @!p1 $0x0  }
0x98: {  	[sflag:s0] =	ssyncadd.s32 @!p1 $0xFFFFFC00  }
0x99: {  	_ =	swait.ge @!p1 [sflag:s0], $0x400  }
0x9a: {  	[sflag:s0] =	ssyncset.done @!p1 $0x0  }
0x9b: {  	[sflag:s0] =	ssyncadd.s32 @!p1 $0xFFFFFC00  }
0x9c: {  	_ =	swait.ge @!p1 [sflag:s0], $0x400  }
0x9d: {  	[sflag:s0] =	ssyncset.done @!p1 $0x0  }
0x9e: {  	[sflag:s0] =	ssyncadd.s32 @!p1 $0xFFFFFC00  }
0x9f: {  	_ =	swait.ge @!p1 [sflag:s0], $0x400  }
0xa0: {  	[sflag:s0] =	ssyncset.done @!p1 $0x0  }
0xa1: {  	[sflag:s0] =	ssyncadd.s32 @!p1 $0xFFFFFC00  }
0xa2: {  	_ =	swait.ge @!p1 [sflag:s0], $0x400  }
0xa3: {  	[sflag:s0] =	ssyncset.done @!p1 $0x0  }
0xa4: {  	[sflag:s0] =	ssyncadd.s32 @!p1 $0xFFFFFC00  }
0xa5: {  	_ =	swait.ge @!p1 [sflag:s0], $0x400  }
0xa6: {  	[sflag:s0] =	ssyncset.done @!p1 $0x0  }
0xa7: {  	[sflag:s0] =	ssyncadd.s32 @!p1 $0xFFFFFC00  }
0xa8: {  	_ =	swait.ge @!p1 [sflag:s0], $0x400  }
0xa9: {  	[sflag:s0] =	ssyncset.done @!p1 $0x0  }
0xaa: {  	[sflag:s0] =	ssyncadd.s32 @!p1 $0xFFFFFC00  }
0xab: {  	_ =	swait.ge @!p1 [sflag:s0], $0x400  }
0xac: {  	[sflag:s0] =	ssyncset.done @!p1 $0x0  }
0xad: {  	[sflag:s0] =	ssyncadd.s32 @!p1 $0xFFFFFC00  }
0xae: {  	_ =	swait.ge @!p1 [sflag:s0], $0x400  }
0xaf: {  	[sflag:s0] =	ssyncset.done @!p1 $0x0  }
0xb0: {  	[sflag:s0] =	ssyncadd.s32 @!p1 $0xFFFFFC00  }
0xb1: {  	_ =	swait.ge [sflag:s26], $0x2000  }
0xb2: {  	[sflag:s26] =	ssyncset.done $0x0  }
0xb3: {  	s22 =	simm.s32 $0xF4B0;
	[sflag:s26] =	ssyncadd.s32 $0xFFFFE000  }
0xb4: {  	v40 =	vld [tilespmem:s22+$0xFFFFFFF0]  }
0xb5: {  	v39 =	vld [tilespmem:s22+$0x0]  }
0xb6: {  	s3 =	simm.s32 $0xFCB0  }
0xb7: {  	s4 =	simm.s32 $0xF8B0;
	v18 =	vld [tilespmem:s3+$0xFFFFFFF0]  }
0xb8: {  	v19 =	vld [tilespmem:s4+$0xFFFFFFF0]  }
0xb9: {  	v21 =	vld [tilespmem:s4+$0x0];
	v20 =	vadd.s32 v1, v40  }
0xba: {  	v23 =	vld [tilespmem:s3+$0x0];
	v22 =	vadd.s32 v1, v39;
	_ =	sdelay $0x2  }
0xbb: {  	v24 =	vand.u32 $0xFFFFFFF8, v18;
	v19 =	vshll.u32 v19, $0xA  }
0xbc: {  	v18 =	vand.u32 $0x7, v18;
	v19 =	vadd.s32 v19, v24;
	v20 =	vld.idx.msk [tilespmem:v20+s24+$0x0], $0xffff  }
0xbd: {  	v38 =	vor.u32 v18, v19;
	v18 =	vshll.u32 v21, $0xA;
	v21 =	vand.u32 $0xFFFFFFF8, v23;
	v19 =	vld.idx.msk [tilespmem:v22+s24+$0x0], $0xffff  }
0xbe: {  	s3 =	sshll.u32 s30, $0x1;
	v23 =	vand.u32 $0x7, v23;
	v18 =	vadd.s32 v18, v21  }
0xbf: {  	vm0 =	vgt.s32 v63, s3;
	v41 =	vor.u32 v23, v18  }
0xc0: {  	v25 =	vsel vm0, $0x3F800000, v2  }
0xc1: {  	v20 =	vmul.f32 v20, v25  }
0xc2: {  	v22 =	vadd.s32 v3, v40;
	v19 =	vmul.f32 v19, v25  }
0xc3: {  	[tilespmem:v38+s28+$0x0] =	vst.idx.msk $0xffff, v20  }
0xc4: {  	[tilespmem:v41+s28+$0x0] =	vst.idx.msk $0xffff, v19  }
0xc5: {  	v10 =	vld [tilespmem:$0x1FFE0]  }
0xc6: {  	v21 =	vadd.s32 v3, v39  }
0xc7: {  	v20 =	vld.idx.msk [tilespmem:v22+s24+$0x0], $0xffff;
	_ =	sdelay $0x1  }
0xc8: {  	s22 =	simm.s32 $0xF4D0;
	v19 =	vadd.s32 $0x10, v38  }
0xc9: {  	v18 =	vld [tilespmem:s22+$0xFFFFFFF0];
	vm9 =	vgt.s32 v10, s3  }
0xca: {  	s4 =	simm.s32 $0xFCD0;
	v21 =	vld.idx.msk [tilespmem:v21+s24+$0x0], $0xffff;
	v27 =	vsel vm9, $0x3F800000, v2  }
0xcb: {  	v24 =	vld [tilespmem:s4+$0xFFFFFFF0];
	v22 =	vadd.s32 v4, v40;
	v20 =	vmul.f32 v20, v27  }
0xcc: {  	v23 =	vld [tilespmem:s22+$0x0];
	s22 =	simm.s32 $0xF8D0  }
0xcd: {  	v26 =	vadd.s32 $0x10, v41;
	v28 =	vld [tilespmem:s22+$0xFFFFFFF0];
	[tilespmem:v19+s28+$0x0] =	vst.idx.msk $0xffff, v20  }
0xce: {  	v29 =	vadd.s32 v4, v39;
	v10 =	vld [tilespmem:$0x1FFF0]  }
0xcf: {  	v30 =	vadd.s32 v1, v18;
	v20 =	vmul.f32 v21, v27;
	v21 =	vld [tilespmem:s22+$0x0]  }
0xd0: {  	v19 =	vld.idx.msk [tilespmem:v22+s24+$0x0], $0xffff  }
0xd1: {  	v31 =	vld [tilespmem:s4+$0x0];
	v22 =	vadd.s32 v1, v23  }
0xd2: {  	v33 =	vadd.s32 v5, v40;
	[tilespmem:v26+s28+$0x0] =	vst.idx.msk $0xffff, v20;
	v20 =	vadd.s32 $0x20, v38  }
0xd3: {  	v28 =	vshll.u32 v28, $0xA;
	v26 =	vand.u32 $0xFFFFFFF8, v24;
	v32 =	vld.idx.msk [tilespmem:v29+s24+$0x0], $0xffff;
	vm10 =	vgt.s32 v10, s3  }
0xd4: {  	v30 =	vld.idx.msk [tilespmem:v30+s24+$0x0], $0xffff;
	v24 =	vand.u32 $0x7, v24;
	v26 =	vadd.s32 v28, v26;
	v29 =	vsel vm10, $0x3F800000, v2  }
0xd5: {  	v28 =	vadd.s32 $0x20, v41;
	v21 =	vshll.u32 v21, $0xA;
	v34 =	vmul.f32 v19, v29  }
0xd6: {  	v22 =	vld.idx.msk [tilespmem:v22+s24+$0x0], $0xffff;
	v19 =	vor.u32 v24, v26;
	v24 =	vadd.s32 v5, v39;
	v26 =	vand.u32 $0xFFFFFFF8, v31  }
0xd7: {  	v21 =	vadd.s32 v21, v26;
	[tilespmem:v20+s28+$0x0] =	vst.idx.msk $0xffff, v34;
	v20 =	vand.u32 $0x7, v31  }
0xd8: {  	v35 =	vadd.s32 v3, v18;
	v31 =	vmul.f32 v32, v29;
	v26 =	vld.idx.msk [tilespmem:v33+s24+$0x0], $0xffff;
	v20 =	vor.u32 v20, v21  }
0xd9: {  	s0 =	simm.s32 $0xFCF0;
	v57 =	vadd.s32 v3, v23;
	v30 =	vmul.f32 v30, v25  }
0xda: {  	v49 =	vld [tilespmem:s0+$0x0];
	vm11 =	vgt.s32 v13, s3;
	[tilespmem:v28+s28+$0x0] =	vst.idx.msk $0xffff, v31;
	v28 =	vadd.s32 $0x30, v38  }
0xdb: {  	s4 =	simm.s32 $0xF4F0;
	v59 =	vmul.f32 v22, v25;
	[tilespmem:v19+s28+$0x0] =	vst.idx.msk $0xffff, v30;
	v24 =	vld.idx.msk [tilespmem:v24+s24+$0x0], $0xffff;
	v30 =	vadd.s32 v6, v40  }
0xdc: {  	v22 =	vld [tilespmem:s4+$0xFFFFFFF0];
	v31 =	vsel vm11, $0x3F800000, v2  }
0xdd: {  	v60 =	vadd.s32 $0x30, v41;
	v58 =	vld.idx.msk [tilespmem:v35+s24+$0x0], $0xffff;
	v26 =	vmul.f32 v26, v31;
	[tilespmem:v20+s28+$0x0] =	vst.idx.msk $0xffff, v59  }
0xde: {  	vm12 =	vgt.s32 v14, s3;
	v36 =	vadd.s32 v6, v39;
	v37 =	vld.idx.msk [tilespmem:v57+s24+$0x0], $0xffff  }
0xdf: {  	vm13 =	vgt.s32 v15, s3;
	vm14 =	vgt.s32 v16, s3;
	v61 =	vadd.s32 $0x10, v19;
	v21 =	vld [tilespmem:s4+$0x0];
	[tilespmem:v28+s28+$0x0] =	vst.idx.msk $0xffff, v26  }
0xe0: {  	v42 =	vadd.s32 v4, v18;
	s22 =	simm.s32 $0xF8F0;
	v43 =	vadd.s32 $0x10, v20;
	v24 =	vmul.f32 v24, v31;
	v28 =	vld.idx.msk [tilespmem:v30+s24+$0x0], $0xffff  }
0xe1: {  	vm15 =	vgt.s32 v17, s3;
	v50 =	vadd.s32 v7, v39;
	v45 =	vadd.s32 v4, v23;
	v44 =	vld [tilespmem:s22+$0xFFFFFFF0]  }
0xe2: {  	v62 =	vadd.s32 $0x40, v38;
	v30 =	vld [tilespmem:s0+$0xFFFFFFF0];
	v33 =	vmul.f32 v58, v27;
	[tilespmem:v60+s28+$0x0] =	vst.idx.msk $0xffff, v24;
	v24 =	vadd.s32 v1, v22  }
0xe3: {  	v12 =	vmovc v63;
	v55 =	vand.u32 $0x7, v49;
	v57 =	vadd.s32 v7, v40;
	v63 =	vld.idx.msk [tilespmem:v36+s24+$0x0], $0xffff;
	v56 =	vmul.f32 v37, v27  }
0xe4: {  	v48 =	vadd.s32 $0x40, v41;
	v51 =	vadd.s32 v5, v18;
	v46 =	vld [tilespmem:s22+$0x0];
	v32 =	vsel vm12, $0x3F800000, v2;
	[tilespmem:v61+s28+$0x0] =	vst.idx.msk $0xffff, v33  }
0xe5: {  	v47 =	vadd.s32 v1, v21;
	v34 =	vld.idx.msk [tilespmem:v42+s24+$0x0], $0xffff;
	[tilespmem:v43+s28+$0x0] =	vst.idx.msk $0xffff, v56;
	v28 =	vmul.f32 v28, v32  }
0xe6: {  	v54 =	vadd.s32 v6, v18;
	v44 =	vshll.u32 v44, $0xA;
	v10 =	vadd.s32 v7, v23;
	v45 =	vld.idx.msk [tilespmem:v45+s24+$0x0], $0xffff  }
0xe7: {  	v26 =	vsel vm13, $0x3F800000, v2;
	v58 =	vadd.s32 $0x20, v19;
	v60 =	vadd.s32 $0x20, v20;
	v52 =	vld.idx.msk [tilespmem:v24+s24+$0x0], $0xffff;
	[tilespmem:v62+s28+$0x0] =	vst.idx.msk $0xffff, v28  }
0xe8: {  	s4 =	simm.s32 $0xF910;
	v61 =	vadd.s32 v5, v23;
	v59 =	vand.u32 $0xFFFFFFF8, v30;
	v28 =	vmul.f32 v63, v32;
	v35 =	vld.idx.msk [tilespmem:v57+s24+$0x0], $0xffff  }
0xe9: {  	v42 =	vadd.s32 $0x50, v38;
	v30 =	vand.u32 $0x7, v30;
	v24 =	vadd.s32 v44, v59;
	v57 =	vld [tilespmem:s4+$0x0]  }
0xea: {  	v37 =	vld.idx.msk [tilespmem:v47+s24+$0x0], $0xffff;
	v24 =	vor.u32 v30, v24;
	v34 =	vmul.f32 v34, v29;
	[tilespmem:v48+s28+$0x0] =	vst.idx.msk $0xffff, v28  }
0xeb: {  	s0 =	simm.s32 $0xF510;
	v30 =	vand.u32 $0xFFFFFFF8, v49;
	v62 =	vadd.s32 v3, v22;
	v28 =	vshll.u32 v46, $0xA;
	v63 =	vld.idx.msk [tilespmem:v50+s24+$0x0], $0xffff  }
0xec: {  	v59 =	vadd.s32 $0x50, v41;
	[tilespmem:v58+s28+$0x0] =	vst.idx.msk $0xffff, v34;
	v28 =	vadd.s32 v28, v30;
	v34 =	vld [tilespmem:s0+$0xFFFFFFF0];
	v45 =	vmul.f32 v45, v29  }
0xed: {  	v48 =	vadd.s32 v8, v40;
	v47 =	vld.idx.msk [tilespmem:v51+s24+$0x0], $0xffff;
	v56 =	vmul.f32 v52, v25;
	v30 =	vor.u32 v55, v28  }
0xee: {  	v46 =	vadd.s32 v8, v39;
	v58 =	vadd.s32 v3, v21;
	[tilespmem:v60+s28+$0x0] =	vst.idx.msk $0xffff, v45;
	v44 =	vshll.u32 v57, $0xA;
	v57 =	vld [tilespmem:s4+$0xFFFFFFF0]  }
0xef: {  	v33 =	vsel vm14, $0x3F800000, v2;
	[tilespmem:v24+s28+$0x0] =	vst.idx.msk $0xffff, v56;
	v60 =	vadd.s32 $0x30, v19;
	v43 =	vld.idx.msk [tilespmem:v61+s24+$0x0], $0xffff;
	v61 =	vmul.f32 v35, v26  }
0xf0: {  	v36 =	vadd.s32 $0x50, v24;
	v50 =	vadd.s32 $0x10, v24;
	v53 =	vld.idx.msk [tilespmem:v62+s24+$0x0], $0xffff;
	v62 =	vmul.f32 v37, v25  }
0xf1: {  	v28 =	vsel vm15, $0x3F800000, v2;
	v52 =	vadd.s32 $0x30, v20;
	v35 =	vld [tilespmem:s0+$0x0];
	v63 =	vmul.f32 v63, v26;
	[tilespmem:v42+s28+$0x0] =	vst.idx.msk $0xffff, v61  }
0xf2: {  	v55 =	vadd.s32 v6, v23;
	[tilespmem:v30+s28+$0x0] =	vst.idx.msk $0xffff, v62;
	v47 =	vmul.f32 v47, v31;
	v48 =	vld.idx.msk [tilespmem:v48+s24+$0x0], $0xffff  }
0xf3: {  	v45 =	vadd.s32 v9, v40;
	v42 =	vadd.s32 v4, v22;
	v51 =	vld.idx.msk [tilespmem:v58+s24+$0x0], $0xffff;
	[tilespmem:v59+s28+$0x0] =	vst.idx.msk $0xffff, v63  }
0xf4: {  	v56 =	vadd.s32 $0x60, v41;
	[tilespmem:v60+s28+$0x0] =	vst.idx.msk $0xffff, v47;
	v46 =	vld.idx.msk [tilespmem:v46+s24+$0x0], $0xffff;
	v40 =	vmul.f32 v43, v31;
	v43 =	vadd.s32 $0x60, v38  }
0xf5: {  	s3 =	simm.s32 $0xFD10;
	v47 =	vld.idx.msk [tilespmem:v54+s24+$0x0], $0xffff;
	v54 =	vadd.s32 v9, v39;
	v39 =	vmul.f32 v53, v27;
	v53 =	vadd.s32 $0x10, v30  }
0xf6: {  	v49 =	vld [tilespmem:s3+$0xFFFFFFF0];
	v58 =	vadd.s32 v1, v34;
	v59 =	vadd.s32 v4, v21;
	v60 =	vadd.s32 $0x40, v19;
	[tilespmem:v52+s28+$0x0] =	vst.idx.msk $0xffff, v40  }
0xf7: {  	v61 =	vadd.s32 v1, v35;
	[tilespmem:v50+s28+$0x0] =	vst.idx.msk $0xffff, v39;
	v55 =	vld.idx.msk [tilespmem:v55+s24+$0x0], $0xffff;
	v39 =	vmul.f32 v48, v33  }
0xf8: {  	v40 =	vadd.s32 v8, v18;
	v50 =	vadd.s32 v5, v22;
	v62 =	vld.idx.msk [tilespmem:v42+s24+$0x0], $0xffff;
	v42 =	vmul.f32 v51, v27  }
0xf9: {  	v37 =	vadd.s32 $0x50, v19;
	v63 =	vld [tilespmem:s3+$0x0];
	v51 =	vadd.s32 v7, v18;
	v52 =	vmul.f32 v46, v33;
	[tilespmem:v43+s28+$0x0] =	vst.idx.msk $0xffff, v39  }
0xfa: {  	v46 =	vshll.u32 v57, $0xA;
	[tilespmem:v53+s28+$0x0] =	vst.idx.msk $0xffff, v42;
	v42 =	vmul.f32 v47, v32;
	v47 =	vadd.s32 $0x40, v20;
	v45 =	vld.idx.msk [tilespmem:v45+s24+$0x0], $0xffff  }
0xfb: {  	v57 =	vadd.s32 $0x20, v24;
	v39 =	vadd.s32 $0x70, v38;
	v38 =	vadd.s32 $0x70, v41;
	v48 =	vld.idx.msk [tilespmem:v59+s24+$0x0], $0xffff  }
0xfc: {  	v41 =	vand.u32 $0xFFFFFFF8, v49;
	v53 =	vand.u32 $0x7, v49;
	v49 =	vadd.s32 $0x20, v30;
	[tilespmem:v56+s28+$0x0] =	vst.idx.msk $0xffff, v52;
	v52 =	vld.idx.msk [tilespmem:v58+s24+$0x0], $0xffff  }
0xfd: {  	v41 =	vadd.s32 v46, v41;
	[tilespmem:v60+s28+$0x0] =	vst.idx.msk $0xffff, v42;
	v42 =	vld.idx.msk [tilespmem:v54+s24+$0x0], $0xffff;
	v60 =	vmul.f32 v55, v32  }
0xfe: {  	v56 =	vand.u32 $0xFFFFFFF8, v63;
	v41 =	vor.u32 v53, v41;
	v53 =	vld.idx.msk [tilespmem:v61+s24+$0x0], $0xffff;
	v62 =	vmul.f32 v62, v29  }
0xff: {  	v54 =	vadd.s32 v3, v34;
	v46 =	vld.idx.msk [tilespmem:v51+s24+$0x0], $0xffff;
	v51 =	vadd.s32 v5, v21;
	[tilespmem:v47+s28+$0x0] =	vst.idx.msk $0xffff, v60  }
0x100: {  	s22 =	simm.s32 $0x6;
	v55 =	vand.u32 $0x7, v63;
	v43 =	vadd.s32 $0x50, v41;
	[tilespmem:v57+s28+$0x0] =	vst.idx.msk $0xffff, v62;
	v47 =	vld.idx.msk [tilespmem:v10+s24+$0x0], $0xffff;
	v45 =	vmul.f32 v45, v28  }
.LBB2_9:
0x101: {  	v10 =	vadd.s32 v44, v56;
	s3 =	sadd.s32 $0x20, s3;
	s4 =	sadd.s32 $0x20, s4;
	s0 =	sadd.s32 $0x20, s0;
	v44 =	vld.idx.msk [tilespmem:v50+s24+$0x0], $0xffff;
	v48 =	vmul.f32 v48, v29;
	v50 =	vadd.s32 v8, v23  }
0x102: {  	s22 =	sadd.s32 $0x2, s22;
	v52 =	vmul.f32 v52, v25;
	v56 =	vld [tilespmem:s0+$0xFFFFFFF0];
	v10 =	vor.u32 v55, v10;
	[tilespmem:v39+s28+$0x0] =	vst.idx.msk $0xffff, v45;
	v45 =	vmov v35  }
0x103: {  	p1 =	slt.u32 s22, $0x3E;
	v35 =	vmul.f32 v42, v28;
	v39 =	vld [tilespmem:s4+$0x0];
	v55 =	vadd.s32 v3, v45;
	[tilespmem:v49+s28+$0x0] =	vst.idx.msk $0xffff, v48;
	v48 =	vadd.s32 $0x50, v20  }
0x104: {  	v42 =	vadd.s32 $0x30, v24;
	v46 =	vmul.f32 v46, v26;
	[tilespmem:v41+s28+$0x0] =	vst.idx.msk $0xffff, v52;
	v49 =	vld.idx.msk [tilespmem:v51+s24+$0x0], $0xffff;
	v51 =	vmov v19  }
0x105: {  	v53 =	vmul.f32 v53, v25;
	v52 =	vld.idx.msk [tilespmem:v54+s24+$0x0], $0xffff;
	v54 =	vadd.s32 v6, v22;
	[tilespmem:v38+s28+$0x0] =	vst.idx.msk $0xffff, v35  }
0x106: {  	v19 =	vmovc v24;
	v24 =	vmov v41;
	v38 =	vmul.f32 v47, v26;
	v35 =	vld [tilespmem:s0+$0x0];
	[tilespmem:v37+s28+$0x0] =	vst.idx.msk $0xffff, v46;
	v37 =	vmov v36  }
0x107: {  	v41 =	vmul.f32 v44, v31;
	v46 =	vadd.s32 $0x30, v30;
	v36 =	vmov v43;
	[tilespmem:v10+s28+$0x0] =	vst.idx.msk $0xffff, v53;
	v40 =	vld.idx.msk [tilespmem:v40+s24+$0x0], $0xffff  }
0x108: {  	v47 =	vadd.s32 v6, v21;
	v44 =	vshll.u32 v39, $0xA;
	v39 =	vadd.s32 $0x10, v24;
	v43 =	vld.idx.msk [tilespmem:v55+s24+$0x0], $0xffff;
	[tilespmem:v48+s28+$0x0] =	vst.idx.msk $0xffff, v38  }
0x109: {  	v38 =	vadd.s32 v4, v34;
	[tilespmem:v42+s28+$0x0] =	vst.idx.msk $0xffff, v41;
	v41 =	vadd.s32 v9, v18;
	v42 =	vld.idx.msk [tilespmem:v50+s24+$0x0], $0xffff  }
0x10a: {  	v23 =	vadd.s32 v9, v23;
	v49 =	vmul.f32 v49, v31;
	v50 =	vadd.s32 $0x60, v51;
	v18 =	vmovc v22;
	v48 =	vld.idx.msk [tilespmem:v54+s24+$0x0], $0xffff  }
0x10b: {  	v55 =	vadd.s32 $0x60, v20;
	v22 =	vmovc v34;
	v34 =	vmovc v56;
	v52 =	vmul.f32 v52, v27;
	v54 =	vadd.s32 $0x10, v10;
	v53 =	vld [tilespmem:s3+$0xFFFFFFF0]  }
0x10c: {  	v58 =	vadd.s32 v4, v45;
	v59 =	vadd.s32 $0x40, v19;
	v57 =	vadd.s32 v1, v34;
	v56 =	vld [tilespmem:s4+$0xFFFFFFF0];
	[tilespmem:v46+s28+$0x0] =	vst.idx.msk $0xffff, v49  }
0x10d: {  	v60 =	vadd.s32 v1, v35;
	[tilespmem:v39+s28+$0x0] =	vst.idx.msk $0xffff, v52;
	v46 =	vld.idx.msk [tilespmem:v47+s24+$0x0], $0xffff;
	v39 =	vmul.f32 v40, v33  }
0x10e: {  	v40 =	vadd.s32 v8, v18;
	v47 =	vld.idx.msk [tilespmem:v38+s24+$0x0], $0xffff;
	v38 =	vmul.f32 v43, v27;
	v43 =	vadd.s32 v7, v18  }
0x10f: {  	v62 =	vadd.s32 v7, v21;
	v42 =	vmul.f32 v42, v33;
	v61 =	vld [tilespmem:s3+$0x0];
	[tilespmem:v50+s28+$0x0] =	vst.idx.msk $0xffff, v39;
	v39 =	vadd.s32 $0x70, v51  }
0x110: {  	v49 =	vmul.f32 v48, v32;
	[tilespmem:v54+s28+$0x0] =	vst.idx.msk $0xffff, v38;
	v54 =	vadd.s32 $0x40, v30;
	v63 =	vld.idx.msk [tilespmem:v41+s24+$0x0], $0xffff;
	v38 =	vadd.s32 $0x70, v20  }
0x111: {  	v11 =	vadd.s32 $0x20, v24;
	v41 =	vand.u32 $0xFFFFFFF8, v53;
	v20 =	vmovc v30;
	v50 =	vshll.u32 v56, $0xA;
	v48 =	vld.idx.msk [tilespmem:v58+s24+$0x0], $0xffff;
	[tilespmem:v55+s28+$0x0] =	vst.idx.msk $0xffff, v42  }
.Ltmp3:
0x112: {  	v52 =	vld.idx.msk [tilespmem:v57+s24+$0x0], $0xffff;
	v41 =	vadd.s32 v50, v41;
	v50 =	vadd.s32 v5, v22;
	[tilespmem:v59+s28+$0x0] =	vst.idx.msk $0xffff, v49;
	(pc) =	sbr.rel @p1 .LBB2_9-.Ltmp3, $4  }
0x113: {  	v51 =	vand.u32 $0x7, v53;
	v30 =	vmovc v10;
	v49 =	vadd.s32 $0x20, v10;
	v57 =	vmul.f32 v46, v32;
	v42 =	vld.idx.msk [tilespmem:v23+s24+$0x0], $0xffff;
	v23 =	vmovc v21  }
0x114: {  	v41 =	vor.u32 v51, v41;
	v10 =	vmul.f32 v47, v29;
	v21 =	vmovc v45;
	v55 =	vand.u32 $0x7, v61;
	v46 =	vld.idx.msk [tilespmem:v43+s24+$0x0], $0xffff  }
0x115: {  	v43 =	vadd.s32 $0x50, v41;
	v56 =	vand.u32 $0xFFFFFFF8, v61;
	v51 =	vadd.s32 v5, v21;
	v53 =	vld.idx.msk [tilespmem:v60+s24+$0x0], $0xffff;
	[tilespmem:v54+s28+$0x0] =	vst.idx.msk $0xffff, v57  }
0x116: {  	v54 =	vadd.s32 v3, v34;
	v45 =	vmul.f32 v63, v28;
	[tilespmem:v11+s28+$0x0] =	vst.idx.msk $0xffff, v10;
	v47 =	vld.idx.msk [tilespmem:v62+s24+$0x0], $0xffff  }
0x117: {  	v10 =	vadd.s32 v44, v56  }
0x118: {  	v44 =	vor.u32 v55, v10  }
0x119: {  	v10 =	vadd.s32 v3, v35  }
0x11a: {  	v11 =	vmul.f32 v52, v25  }
0x11b: {  	v25 =	vmul.f32 v53, v25  }
0x11c: {  	[tilespmem:v41+s28+$0x0] =	vst.idx.msk $0xffff, v11  }
0x11d: {  	v11 =	vld.idx.msk [tilespmem:v54+s24+$0x0], $0xffff;
	[tilespmem:v44+s28+$0x0] =	vst.idx.msk $0xffff, v25  }
0x11e: {  	v10 =	vld.idx.msk [tilespmem:v10+s24+$0x0], $0xffff  }
0x11f: {  	v25 =	vadd.s32 $0x10, v41  }
0x120: {  	v61 =	vadd.s32 v4, v34;
	v62 =	vadd.s32 $0x10, v44  }
0x121: {  	v63 =	vadd.s32 v4, v35  }
0x122: {  	v11 =	vmul.f32 v11, v27  }
0x123: {  	v10 =	vmul.f32 v10, v27  }
0x124: {  	[tilespmem:v25+s28+$0x0] =	vst.idx.msk $0xffff, v11  }
0x125: {  	v11 =	vld.idx.msk [tilespmem:v61+s24+$0x0], $0xffff;
	[tilespmem:v62+s28+$0x0] =	vst.idx.msk $0xffff, v10  }
0x126: {  	v10 =	vld.idx.msk [tilespmem:v63+s24+$0x0], $0xffff  }
0x127: {  	v25 =	vadd.s32 $0x20, v41  }
0x128: {  	v57 =	vadd.s32 $0x20, v44;
	v27 =	vadd.s32 v5, v34  }
0x129: {  	v48 =	vmul.f32 v48, v29;
	v58 =	vadd.s32 v5, v35  }
0x12a: {  	v11 =	vmul.f32 v11, v29  }
0x12b: {  	v50 =	vld.idx.msk [tilespmem:v50+s24+$0x0], $0xffff;
	[tilespmem:v49+s28+$0x0] =	vst.idx.msk $0xffff, v48;
	v10 =	vmul.f32 v10, v29  }
0x12c: {  	[tilespmem:v25+s28+$0x0] =	vst.idx.msk $0xffff, v11;
	v29 =	vld.idx.msk [tilespmem:v51+s24+$0x0], $0xffff  }
0x12d: {  	v11 =	vadd.s32 $0x30, v24;
	v25 =	vld.idx.msk [tilespmem:v27+s24+$0x0], $0xffff;
	[tilespmem:v57+s28+$0x0] =	vst.idx.msk $0xffff, v10  }
0x12e: {  	v27 =	vadd.s32 $0x30, v30;
	v10 =	vadd.s32 v6, v22;
	v59 =	vld.idx.msk [tilespmem:v58+s24+$0x0], $0xffff  }
0x12f: {  	v60 =	vadd.s32 v6, v21;
	v61 =	vadd.s32 $0x30, v41  }
0x130: {  	v50 =	vmul.f32 v50, v31;
	v62 =	vadd.s32 v6, v34;
	v63 =	vadd.s32 $0x30, v44  }
0x131: {  	v57 =	vadd.s32 v6, v35;
	v29 =	vmul.f32 v29, v31  }
0x132: {  	[tilespmem:v11+s28+$0x0] =	vst.idx.msk $0xffff, v50;
	v11 =	vmul.f32 v25, v31  }
0x133: {  	v10 =	vld.idx.msk [tilespmem:v10+s24+$0x0], $0xffff;
	[tilespmem:v27+s28+$0x0] =	vst.idx.msk $0xffff, v29;
	v25 =	vmul.f32 v59, v31  }
0x134: {  	[tilespmem:v61+s28+$0x0] =	vst.idx.msk $0xffff, v11;
	v27 =	vld.idx.msk [tilespmem:v60+s24+$0x0], $0xffff  }
0x135: {  	v11 =	vadd.s32 $0x40, v24;
	v29 =	vld.idx.msk [tilespmem:v62+s24+$0x0], $0xffff;
	[tilespmem:v63+s28+$0x0] =	vst.idx.msk $0xffff, v25  }
0x136: {  	v31 =	vadd.s32 $0x40, v30;
	v25 =	vadd.s32 v7, v22;
	v58 =	vld.idx.msk [tilespmem:v57+s24+$0x0], $0xffff  }
0x137: {  	v59 =	vadd.s32 v7, v21;
	v60 =	vadd.s32 $0x40, v41  }
0x138: {  	v61 =	vadd.s32 v7, v34;
	v62 =	vadd.s32 $0x40, v44;
	v10 =	vmul.f32 v10, v32  }
0x139: {  	v63 =	vadd.s32 v7, v35;
	v27 =	vmul.f32 v27, v32  }
0x13a: {  	[tilespmem:v11+s28+$0x0] =	vst.idx.msk $0xffff, v10;
	v10 =	vmul.f32 v29, v32  }
0x13b: {  	v11 =	vld.idx.msk [tilespmem:v25+s24+$0x0], $0xffff;
	[tilespmem:v31+s28+$0x0] =	vst.idx.msk $0xffff, v27;
	v25 =	vmul.f32 v58, v32  }
0x13c: {  	v27 =	vadd.s32 $0x50, v20;
	v29 =	vld.idx.msk [tilespmem:v59+s24+$0x0], $0xffff;
	[tilespmem:v60+s28+$0x0] =	vst.idx.msk $0xffff, v10  }
0x13d: {  	v10 =	vadd.s32 v8, v23;
	v31 =	vld.idx.msk [tilespmem:v61+s24+$0x0], $0xffff;
	[tilespmem:v62+s28+$0x0] =	vst.idx.msk $0xffff, v25  }
0x13e: {  	v56 =	vadd.s32 v8, v22;
	v57 =	vadd.s32 $0x50, v30;
	v25 =	vmul.f32 v46, v26;
	v58 =	vld.idx.msk [tilespmem:v63+s24+$0x0], $0xffff  }
0x13f: {  	v47 =	vmul.f32 v47, v26;
	v59 =	vadd.s32 v8, v21  }
0x140: {  	v60 =	vadd.s32 $0x50, v44;
	[tilespmem:v37+s28+$0x0] =	vst.idx.msk $0xffff, v25;
	v11 =	vmul.f32 v11, v26;
	v25 =	vadd.s32 v8, v34  }
0x141: {  	[tilespmem:v27+s28+$0x0] =	vst.idx.msk $0xffff, v47;
	v40 =	vld.idx.msk [tilespmem:v40+s24+$0x0], $0xffff;
	v27 =	vmul.f32 v29, v26;
	v29 =	vadd.s32 v8, v35  }
0x142: {  	v10 =	vld.idx.msk [tilespmem:v10+s24+$0x0], $0xffff;
	[tilespmem:v36+s28+$0x0] =	vst.idx.msk $0xffff, v11;
	v11 =	vmul.f32 v31, v26  }
0x143: {  	v31 =	vadd.s32 $0x60, v19;
	v32 =	vld.idx.msk [tilespmem:v56+s24+$0x0], $0xffff;
	[tilespmem:v57+s28+$0x0] =	vst.idx.msk $0xffff, v27;
	v26 =	vmul.f32 v58, v26  }
0x144: {  	v18 =	vadd.s32 v9, v18;
	v27 =	vadd.s32 $0x60, v20;
	v61 =	vld.idx.msk [tilespmem:v59+s24+$0x0], $0xffff;
	[tilespmem:v43+s28+$0x0] =	vst.idx.msk $0xffff, v11  }
0x145: {  	v11 =	vadd.s32 v9, v23;
	v23 =	vadd.s32 $0x60, v24;
	v25 =	vld.idx.msk [tilespmem:v25+s24+$0x0], $0xffff;
	[tilespmem:v60+s28+$0x0] =	vst.idx.msk $0xffff, v26  }
0x146: {  	v22 =	vadd.s32 v9, v22;
	v62 =	vadd.s32 $0x60, v30;
	v26 =	vmul.f32 v40, v33;
	v29 =	vld.idx.msk [tilespmem:v29+s24+$0x0], $0xffff  }
0x147: {  	v21 =	vadd.s32 v9, v21;
	v63 =	vadd.s32 $0x60, v41;
	v10 =	vmul.f32 v10, v33  }
0x148: {  	v43 =	vadd.s32 $0x60, v44;
	[tilespmem:v31+s28+$0x0] =	vst.idx.msk $0xffff, v26;
	v26 =	vmul.f32 v32, v33;
	v31 =	vadd.s32 v9, v34  }
0x149: {  	[tilespmem:v27+s28+$0x0] =	vst.idx.msk $0xffff, v10;
	v27 =	vadd.s32 v9, v35;
	v18 =	vld.idx.msk [tilespmem:v18+s24+$0x0], $0xffff;
	v10 =	vmul.f32 v61, v33  }
0x14a: {  	v11 =	vld.idx.msk [tilespmem:v11+s24+$0x0], $0xffff;
	[tilespmem:v23+s28+$0x0] =	vst.idx.msk $0xffff, v26;
	v23 =	vmul.f32 v25, v33  }
0x14b: {  	v19 =	vadd.s32 $0x70, v19;
	v22 =	vld.idx.msk [tilespmem:v22+s24+$0x0], $0xffff;
	[tilespmem:v62+s28+$0x0] =	vst.idx.msk $0xffff, v10;
	v10 =	vmul.f32 v29, v33  }
0x14c: {  	v20 =	vadd.s32 $0x70, v20;
	v21 =	vld.idx.msk [tilespmem:v21+s24+$0x0], $0xffff;
	[tilespmem:v63+s28+$0x0] =	vst.idx.msk $0xffff, v23  }
0x14d: {  	v24 =	vadd.s32 $0x70, v24;
	v23 =	vmul.f32 v42, v28;
	v25 =	vld.idx.msk [tilespmem:v31+s24+$0x0], $0xffff;
	[tilespmem:v43+s28+$0x0] =	vst.idx.msk $0xffff, v10  }
0x14e: {  	[tilespmem:v39+s28+$0x0] =	vst.idx.msk $0xffff, v45;
	v10 =	vmul.f32 v18, v28;
	v18 =	vadd.s32 $0x70, v30;
	v26 =	vld.idx.msk [tilespmem:v27+s24+$0x0], $0xffff  }
0x14f: {  	[tilespmem:v38+s28+$0x0] =	vst.idx.msk $0xffff, v23;
	v11 =	vmul.f32 v11, v28;
	v23 =	vadd.s32 $0x70, v41  }
0x150: {  	[tilespmem:v19+s28+$0x0] =	vst.idx.msk $0xffff, v10;
	v10 =	vmul.f32 v22, v28;
	v19 =	vadd.s32 $0x70, v44  }
0x151: {  	[tilespmem:v20+s28+$0x0] =	vst.idx.msk $0xffff, v11;
	v11 =	vmul.f32 v21, v28  }
0x152: {  	s0 =	sshll.u32 s30, $0x13;
	[tilespmem:v24+s28+$0x0] =	vst.idx.msk $0xffff, v10;
	v10 =	vmul.f32 v25, v28  }
0x153: {  	s0 =	sor.u32 s9, s0;
	[tilespmem:v18+s28+$0x0] =	vst.idx.msk $0xffff, v11;
	v11 =	vmul.f32 v26, v28  }
0x154: {  	s0 =	sshrl.u32 s0, $0x3;
	[tilespmem:v23+s28+$0x0] =	vst.idx.msk $0xffff, v10  }
0x155: {  	s3 =	sadd.s32 s2, s0;
	[tilespmem:v19+s28+$0x0] =	vst.idx.msk $0xffff, v11  }
0x156: {  	[hbm4b:s3+s5] =	stream.linear.scatter [tilespmem:s28], [sflag:$0x2], $0x400, $0x38;
	[tilespmem:$0x100A0] =	vst v63  }
0x157: {  	s4 =	simm.s32 $0xB8A0;
	s22 =	sadd.s32 s0, s10  }
0x158: {  	[hbm4b:s22+s5] =	stream.linear.scatter [tilespmem:s4], [sflag:$0x2], $0x400, $0x38;
	[tilespmem:$0x100A0] =	vst v63  }
0x159: {  	s4 =	sadd.s32 s0, s11;
	s22 =	simm.s32 $0xBCA0  }
0x15a: {  	[hbm4b:s4+s5] =	stream.linear.scatter [tilespmem:s22], [sflag:$0x2], $0x400, $0x38;
	[tilespmem:$0x100A0] =	vst v63  }
0x15b: {  	s4 =	sadd.s32 s0, s12;
	s22 =	simm.s32 $0xC0A0  }
0x15c: {  	[hbm4b:s4+s5] =	stream.linear.scatter [tilespmem:s22], [sflag:$0x2], $0x400, $0x38;
	[tilespmem:$0x100A0] =	vst v63  }
0x15d: {  	s4 =	sadd.s32 s0, s13;
	s22 =	simm.s32 $0xC4A0  }
0x15e: {  	[hbm4b:s4+s5] =	stream.linear.scatter [tilespmem:s22], [sflag:$0x2], $0x400, $0x38;
	[tilespmem:$0x100A0] =	vst v63  }
0x15f: {  	s4 =	sadd.s32 s0, s14;
	s22 =	simm.s32 $0xC8A0  }
0x160: {  	[hbm4b:s4+s5] =	stream.linear.scatter [tilespmem:s22], [sflag:$0x2], $0x400, $0x38;
	[tilespmem:$0x100A0] =	vst v63  }
0x161: {  	s4 =	sadd.s32 s0, s15;
	s22 =	simm.s32 $0xCCA0  }
0x162: {  	[hbm4b:s4+s5] =	stream.linear.scatter [tilespmem:s22], [sflag:$0x2], $0x400, $0x38;
	[tilespmem:$0x100A0] =	vst v63  }
0x163: {  	p1 =	seq.s32 s30, $0x63;
	s0 =	sadd.s32 s0, s16;
	s22 =	simm.s32 $0xD0A0  }
0x164: {  	[hbm4b:s0+s5] =	stream.linear.scatter [tilespmem:s22], [sflag:$0x2], $0x400, $0x38;
	[tilespmem:$0x100A0] =	vst v63  }
0x165: {  	s0 =	sshll.u32 @!p1 s30, $0x8  }
0x166: {  	s0 =	sand.u32 @!p1 $0x3FFFFF00, s0  }
0x167: {  	s3 =	simm.s32 @!p1 $0x80;
	s4 =	simm.s32 @!p1 $0x74A0;
	s0 =	sadd.s32 @!p1 $0x100, s0  }
0x168: {  	[tilespmem:s4], [sflag:$0x1] =	stream.indirect.gather @!p1 [hbm4b:s6+s3], $0x40, s0, s3, $0xb8;
	[tilespmem:$0x100A0] =	vst v63  }
0x169: {  	_ =	swait.ge [sflag:s26], $0x2000  }
0x16a: {  	[sflag:s26] =	ssyncset.done $0x0  }
0x16b: {  	s3 =	simm.s32 $0xF4B0;
	[sflag:s26] =	ssyncadd.s32 $0xFFFFE000  }
0x16c: {  	v40 =	vld [tilespmem:s3+$0xFFFFFFF0]  }
0x16d: {  	v39 =	vld [tilespmem:s3+$0x0]  }
0x16e: {  	s4 =	simm.s32 $0xFCB0  }
0x16f: {  	s22 =	simm.s32 $0xF8B0;
	v10 =	vld [tilespmem:s4+$0xFFFFFFF0]  }
0x170: {  	v11 =	vld [tilespmem:s22+$0xFFFFFFF0]  }
0x171: {  	v19 =	vld [tilespmem:s22+$0x0];
	v18 =	vadd.s32 v1, v40  }
0x172: {  	v21 =	vld [tilespmem:s4+$0x0];
	v20 =	vadd.s32 v1, v39;
	_ =	sdelay $0x2  }
0x173: {  	v22 =	vand.u32 $0xFFFFFFF8, v10;
	v11 =	vshll.u32 v11, $0xA  }
0x174: {  	v10 =	vand.u32 $0x7, v10;
	v11 =	vadd.s32 v11, v22;
	v18 =	vld.idx.msk [tilespmem:v18+s25+$0x0], $0xffff  }
0x175: {  	v38 =	vor.u32 v10, v11;
	v10 =	vshll.u32 v19, $0xA;
	v19 =	vand.u32 $0xFFFFFFF8, v21;
	v11 =	vld.idx.msk [tilespmem:v20+s25+$0x0], $0xffff  }
0x176: {  	v21 =	vand.u32 $0x7, v21;
	v10 =	vadd.s32 v10, v19  }
0x177: {  	vm0 =	vgt.s32 v12, s31;
	v41 =	vor.u32 v21, v10  }
0x178: {  	v25 =	vsel vm0, $0x3F800000, v2  }
0x179: {  	v18 =	vmul.f32 v18, v25  }
0x17a: {  	v20 =	vadd.s32 v3, v40;
	v11 =	vmul.f32 v11, v25  }
0x17b: {  	[tilespmem:v38+s23+$0x0] =	vst.idx.msk $0xffff, v18  }
0x17c: {  	[tilespmem:v41+s23+$0x0] =	vst.idx.msk $0xffff, v11  }
0x17d: {  	v63 =	vmov v12;
	v12 =	vld [tilespmem:$0x1FFE0]  }
0x17e: {  	v10 =	vadd.s32 v3, v39  }
0x17f: {  	v19 =	vld.idx.msk [tilespmem:v20+s25+$0x0], $0xffff;
	_ =	sdelay $0x1  }
0x180: {  	s3 =	simm.s32 $0xF4D0;
	v11 =	vadd.s32 $0x10, v38  }
0x181: {  	v18 =	vld [tilespmem:s3+$0xFFFFFFF0];
	vm9 =	vgt.s32 v12, s31  }
0x182: {  	v10 =	vld.idx.msk [tilespmem:v10+s25+$0x0], $0xffff;
	v27 =	vsel vm9, $0x3F800000, v2  }
0x183: {  	s22 =	simm.s32 $0xF8D0;
	v23 =	vld [tilespmem:s3+$0x0];
	v20 =	vadd.s32 v4, v40;
	v19 =	vmul.f32 v19, v27  }
0x184: {  	s4 =	simm.s32 $0xFCD0;
	v24 =	vld [tilespmem:s22+$0xFFFFFFF0];
	v22 =	vadd.s32 $0x10, v41  }
0x185: {  	v26 =	vadd.s32 v4, v39;
	v21 =	vld [tilespmem:s4+$0xFFFFFFF0];
	[tilespmem:v11+s23+$0x0] =	vst.idx.msk $0xffff, v19  }
0x186: {  	v28 =	vadd.s32 v1, v18;
	v12 =	vld [tilespmem:$0x1FFF0]  }
0x187: {  	v31 =	vld [tilespmem:s4+$0x0];
	v10 =	vmul.f32 v10, v27  }
0x188: {  	v11 =	vld.idx.msk [tilespmem:v20+s25+$0x0], $0xffff  }
0x189: {  	v30 =	vadd.s32 v1, v23;
	v20 =	vld [tilespmem:s22+$0x0];
	[tilespmem:v22+s23+$0x0] =	vst.idx.msk $0xffff, v10  }
0x18a: {  	v19 =	vand.u32 $0xFFFFFFF8, v21;
	v10 =	vadd.s32 $0x20, v38;
	v22 =	vshll.u32 v24, $0xA;
	v24 =	vld.idx.msk [tilespmem:v26+s25+$0x0], $0xffff  }
0x18b: {  	v28 =	vld.idx.msk [tilespmem:v28+s25+$0x0], $0xffff;
	v21 =	vand.u32 $0x7, v21;
	v26 =	vadd.s32 v5, v40;
	vm10 =	vgt.s32 v12, s31  }
0x18c: {  	v19 =	vadd.s32 v22, v19;
	v22 =	vadd.s32 $0x20, v41;
	v29 =	vsel vm10, $0x3F800000, v2  }
0x18d: {  	v19 =	vor.u32 v21, v19;
	v21 =	vadd.s32 v5, v39;
	v11 =	vmul.f32 v11, v29  }
0x18e: {  	v45 =	vand.u32 $0xFFFFFFF8, v31;
	v30 =	vld.idx.msk [tilespmem:v30+s25+$0x0], $0xffff;
	v46 =	vadd.s32 v3, v18;
	v20 =	vshll.u32 v20, $0xA  }
0x18f: {  	v24 =	vmul.f32 v24, v29;
	[tilespmem:v10+s23+$0x0] =	vst.idx.msk $0xffff, v11;
	v10 =	vand.u32 $0x7, v31;
	v11 =	vadd.s32 v20, v45  }
0x190: {  	s0 =	simm.s32 $0xF510;
	v28 =	vmul.f32 v28, v25;
	v26 =	vld.idx.msk [tilespmem:v26+s25+$0x0], $0xffff;
	v20 =	vor.u32 v10, v11  }
0x191: {  	v34 =	vld [tilespmem:s0+$0xFFFFFFF0];
	[tilespmem:v22+s23+$0x0] =	vst.idx.msk $0xffff, v24;
	v10 =	vadd.s32 v3, v23  }
0x192: {  	[tilespmem:v19+s23+$0x0] =	vst.idx.msk $0xffff, v28;
	v11 =	vadd.s32 $0x30, v38;
	v24 =	vld.idx.msk [tilespmem:v21+s25+$0x0], $0xffff  }
0x193: {  	vm11 =	vgt.s32 v13, s31;
	v30 =	vmul.f32 v30, v25;
	s22 =	simm.s32 $0xF8F0;
	v28 =	vadd.s32 v6, v40;
	v47 =	vld.idx.msk [tilespmem:v46+s25+$0x0], $0xffff  }
0x194: {  	v48 =	vadd.s32 $0x30, v41;
	s3 =	simm.s32 $0xF4F0;
	v53 =	vld [tilespmem:s22+$0xFFFFFFF0];
	v31 =	vsel vm11, $0x3F800000, v2  }
0x195: {  	v49 =	vadd.s32 v6, v39;
	v22 =	vld [tilespmem:s3+$0xFFFFFFF0];
	v26 =	vmul.f32 v26, v31;
	[tilespmem:v20+s23+$0x0] =	vst.idx.msk $0xffff, v30;
	v30 =	vadd.s32 $0x10, v19  }
0x196: {  	vm12 =	vgt.s32 v14, s31;
	v50 =	vadd.s32 v4, v18;
	v10 =	vld.idx.msk [tilespmem:v10+s25+$0x0], $0xffff  }
0x197: {  	vm13 =	vgt.s32 v15, s31;
	vm14 =	vgt.s32 v16, s31;
	v21 =	vld [tilespmem:s3+$0x0];
	v24 =	vmul.f32 v24, v31;
	[tilespmem:v11+s23+$0x0] =	vst.idx.msk $0xffff, v26  }
0x198: {  	vm15 =	vgt.s32 v17, s31;
	s4 =	simm.s32 $0xFCF0;
	v52 =	vadd.s32 $0x10, v20;
	v51 =	vmul.f32 v47, v27;
	v11 =	vld.idx.msk [tilespmem:v28+s25+$0x0], $0xffff  }
0x199: {  	v32 =	vsel vm12, $0x3F800000, v2;
	v57 =	vadd.s32 v7, v40;
	v54 =	vadd.s32 v4, v23;
	[tilespmem:v48+s23+$0x0] =	vst.idx.msk $0xffff, v24;
	v28 =	vld [tilespmem:s4+$0xFFFFFFF0]  }
0x19a: {  	v33 =	vsel vm14, $0x3F800000, v2;
	v55 =	vadd.s32 $0x40, v38;
	v24 =	vadd.s32 v1, v22;
	[tilespmem:v30+s23+$0x0] =	vst.idx.msk $0xffff, v51;
	v30 =	vld.idx.msk [tilespmem:v49+s25+$0x0], $0xffff  }
0x19b: {  	v62 =	vadd.s32 v7, v39;
	v36 =	vadd.s32 $0x50, v38;
	v56 =	vld.idx.msk [tilespmem:v50+s25+$0x0], $0xffff;
	v10 =	vmul.f32 v10, v27  }
0x19c: {  	v60 =	vadd.s32 $0x40, v41;
	v61 =	vld [tilespmem:s4+$0x0];
	v37 =	vadd.s32 $0x50, v19;
	v42 =	vshll.u32 v53, $0xA  }
0x19d: {  	v58 =	vld [tilespmem:s22+$0x0];
	v59 =	vadd.s32 v1, v21;
	[tilespmem:v52+s23+$0x0] =	vst.idx.msk $0xffff, v10;
	v10 =	vmul.f32 v11, v32;
	v11 =	vadd.s32 $0x20, v19  }
0x19e: {  	v53 =	vadd.s32 v5, v18;
	v45 =	vadd.s32 v8, v40;
	v26 =	vsel vm13, $0x3F800000, v2;
	v43 =	vld.idx.msk [tilespmem:v54+s25+$0x0], $0xffff  }
0x19f: {  	s4 =	simm.s32 $0xF910;
	v52 =	vand.u32 $0xFFFFFFF8, v28;
	v28 =	vand.u32 $0x7, v28;
	v54 =	vld.idx.msk [tilespmem:v24+s25+$0x0], $0xffff;
	[tilespmem:v55+s23+$0x0] =	vst.idx.msk $0xffff, v10;
	v10 =	vmul.f32 v30, v32  }
0x1a0: {  	v47 =	vld [tilespmem:s4+$0x0];
	v24 =	vadd.s32 v42, v52;
	v55 =	vadd.s32 $0x20, v20;
	v30 =	vmul.f32 v56, v29  }
0x1a1: {  	v24 =	vor.u32 v28, v24;
	v35 =	vld.idx.msk [tilespmem:v57+s25+$0x0], $0xffff;
	v56 =	vadd.s32 v5, v23;
	[tilespmem:v60+s23+$0x0] =	vst.idx.msk $0xffff, v10  }
0x1a2: {  	v28 =	vld.idx.msk [tilespmem:v59+s25+$0x0], $0xffff;
	v57 =	vand.u32 $0xFFFFFFF8, v61;
	v10 =	vshll.u32 v58, $0xA;
	v58 =	vadd.s32 v3, v22;
	[tilespmem:v11+s23+$0x0] =	vst.idx.msk $0xffff, v30  }
0x1a3: {  	v11 =	vld.idx.msk [tilespmem:v62+s25+$0x0], $0xffff;
	v30 =	vand.u32 $0x7, v61;
	v10 =	vadd.s32 v10, v57;
	v43 =	vmul.f32 v43, v29  }
0x1a4: {  	v51 =	vadd.s32 $0x30, v20;
	v44 =	vld.idx.msk [tilespmem:v53+s25+$0x0], $0xffff;
	v59 =	vmul.f32 v54, v25;
	v30 =	vor.u32 v30, v10  }
0x1a5: {  	v52 =	vld [tilespmem:s4+$0xFFFFFFF0];
	v60 =	vadd.s32 v3, v21;
	v61 =	vadd.s32 $0x30, v19;
	[tilespmem:v55+s23+$0x0] =	vst.idx.msk $0xffff, v43;
	v43 =	vadd.s32 $0x50, v41  }
0x1a6: {  	v10 =	vadd.s32 v8, v39;
	[tilespmem:v24+s23+$0x0] =	vst.idx.msk $0xffff, v59;
	v62 =	vld.idx.msk [tilespmem:v56+s25+$0x0], $0xffff;
	v56 =	vmul.f32 v35, v26  }
0x1a7: {  	v54 =	vadd.s32 v9, v39;
	v57 =	vmul.f32 v28, v25;
	v42 =	vld.idx.msk [tilespmem:v58+s25+$0x0], $0xffff;
	v58 =	vadd.s32 v6, v18  }
0x1a8: {  	v49 =	vadd.s32 $0x60, v38;
	v53 =	vadd.s32 v7, v18;
	v35 =	vld [tilespmem:s0+$0x0];
	v11 =	vmul.f32 v11, v26;
	[tilespmem:v36+s23+$0x0] =	vst.idx.msk $0xffff, v56  }
0x1a9: {  	v50 =	vadd.s32 $0x60, v41;
	v28 =	vsel vm15, $0x3F800000, v2;
	[tilespmem:v30+s23+$0x0] =	vst.idx.msk $0xffff, v57;
	v59 =	vmul.f32 v44, v31;
	v45 =	vld.idx.msk [tilespmem:v45+s25+$0x0], $0xffff  }
0x1aa: {  	v44 =	vshll.u32 v47, $0xA;
	v47 =	vadd.s32 $0x10, v24;
	v48 =	vld.idx.msk [tilespmem:v60+s25+$0x0], $0xffff;
	v60 =	vadd.s32 v6, v23;
	[tilespmem:v43+s23+$0x0] =	vst.idx.msk $0xffff, v11  }
0x1ab: {  	v56 =	vadd.s32 v1, v34;
	v11 =	vadd.s32 v4, v22;
	[tilespmem:v61+s23+$0x0] =	vst.idx.msk $0xffff, v59;
	v10 =	vld.idx.msk [tilespmem:v10+s25+$0x0], $0xffff  }
0x1ac: {  	s3 =	simm.s32 $0xFD10;
	v46 =	vld.idx.msk [tilespmem:v58+s25+$0x0], $0xffff;
	v61 =	vmul.f32 v62, v31;
	v62 =	vmul.f32 v42, v27;
	v42 =	vadd.s32 $0x10, v30  }
0x1ad: {  	v55 =	vld [tilespmem:s3+$0xFFFFFFF0];
	v57 =	vadd.s32 v4, v21;
	v43 =	vadd.s32 v9, v40;
	v40 =	vadd.s32 v8, v18  }
0x1ae: {  	v36 =	vadd.s32 $0x50, v24;
	v59 =	vld [tilespmem:s3+$0x0];
	[tilespmem:v51+s23+$0x0] =	vst.idx.msk $0xffff, v61;
	v51 =	vadd.s32 v1, v35;
	v39 =	vmul.f32 v45, v33  }
0x1af: {  	v58 =	vadd.s32 $0x40, v19;
	[tilespmem:v47+s23+$0x0] =	vst.idx.msk $0xffff, v62;
	v62 =	vadd.s32 $0x20, v24;
	v47 =	vld.idx.msk [tilespmem:v60+s25+$0x0], $0xffff;
	v48 =	vmul.f32 v48, v27  }
0x1b0: {  	v60 =	vadd.s32 v7, v23;
	v11 =	vld.idx.msk [tilespmem:v11+s25+$0x0], $0xffff;
	[tilespmem:v49+s23+$0x0] =	vst.idx.msk $0xffff, v39;
	v10 =	vmul.f32 v10, v33  }
0x1b1: {  	v45 =	vadd.s32 $0x40, v20;
	[tilespmem:v42+s23+$0x0] =	vst.idx.msk $0xffff, v48;
	v42 =	vmul.f32 v46, v32;
	v46 =	vshll.u32 v52, $0xA;
	v52 =	vld.idx.msk [tilespmem:v56+s25+$0x0], $0xffff  }
0x1b2: {  	v39 =	vadd.s32 $0x70, v38;
	v38 =	vadd.s32 $0x70, v41;
	v41 =	vand.u32 $0xFFFFFFF8, v55;
	v61 =	vld.idx.msk [tilespmem:v43+s25+$0x0], $0xffff  }
0x1b3: {  	v48 =	vld.idx.msk [tilespmem:v57+s25+$0x0], $0xffff;
	[tilespmem:v50+s23+$0x0] =	vst.idx.msk $0xffff, v10;
	v10 =	vadd.s32 v46, v41;
	v50 =	vadd.s32 v5, v22  }
0x1b4: {  	v49 =	vadd.s32 $0x20, v30;
	[tilespmem:v58+s23+$0x0] =	vst.idx.msk $0xffff, v42;
	v58 =	vand.u32 $0x7, v55;
	v47 =	vmul.f32 v47, v32;
	v42 =	vld.idx.msk [tilespmem:v54+s25+$0x0], $0xffff  }
0x1b5: {  	v56 =	vand.u32 $0xFFFFFFF8, v59;
	v41 =	vor.u32 v58, v10;
	v46 =	vld.idx.msk [tilespmem:v53+s25+$0x0], $0xffff;
	v10 =	vmul.f32 v11, v29  }
0x1b6: {  	v53 =	vld.idx.msk [tilespmem:v51+s25+$0x0], $0xffff;
	v51 =	vadd.s32 v5, v21;
	v54 =	vadd.s32 v3, v34;
	[tilespmem:v45+s23+$0x0] =	vst.idx.msk $0xffff, v47  }
0x1b7: {  	s22 =	simm.s32 $0x6;
	v55 =	vand.u32 $0x7, v59;
	v43 =	vadd.s32 $0x50, v41;
	[tilespmem:v62+s23+$0x0] =	vst.idx.msk $0xffff, v10;
	v47 =	vld.idx.msk [tilespmem:v60+s25+$0x0], $0xffff;
	v45 =	vmul.f32 v61, v28  }
.LBB2_11:
0x1b8: {  	v10 =	vadd.s32 v44, v56;
	s3 =	sadd.s32 $0x20, s3;
	s4 =	sadd.s32 $0x20, s4;
	s0 =	sadd.s32 $0x20, s0;
	v11 =	vld.idx.msk [tilespmem:v50+s25+$0x0], $0xffff;
	v44 =	vmul.f32 v48, v29;
	v48 =	vadd.s32 v8, v23  }
0x1b9: {  	s22 =	sadd.s32 $0x2, s22;
	v52 =	vmul.f32 v52, v25;
	v50 =	vld [tilespmem:s0+$0xFFFFFFF0];
	v10 =	vor.u32 v55, v10;
	[tilespmem:v39+s23+$0x0] =	vst.idx.msk $0xffff, v45;
	v45 =	vmov v35  }
0x1ba: {  	p1 =	slt.u32 s22, $0x3E;
	v35 =	vmul.f32 v42, v28;
	v39 =	vld [tilespmem:s4+$0x0];
	v55 =	vadd.s32 v3, v45;
	[tilespmem:v49+s23+$0x0] =	vst.idx.msk $0xffff, v44;
	v49 =	vadd.s32 $0x50, v20  }
0x1bb: {  	v42 =	vadd.s32 $0x30, v24;
	v44 =	vmul.f32 v46, v26;
	v46 =	vmov v19;
	[tilespmem:v41+s23+$0x0] =	vst.idx.msk $0xffff, v52;
	v51 =	vld.idx.msk [tilespmem:v51+s25+$0x0], $0xffff  }
0x1bc: {  	v53 =	vmul.f32 v53, v25;
	v52 =	vld.idx.msk [tilespmem:v54+s25+$0x0], $0xffff;
	v54 =	vadd.s32 v6, v22;
	[tilespmem:v38+s23+$0x0] =	vst.idx.msk $0xffff, v35  }
0x1bd: {  	v19 =	vmovc v24;
	v24 =	vmov v41;
	v38 =	vmul.f32 v47, v26;
	v35 =	vld [tilespmem:s0+$0x0];
	[tilespmem:v37+s23+$0x0] =	vst.idx.msk $0xffff, v44;
	v37 =	vmov v36  }
0x1be: {  	v41 =	vadd.s32 $0x30, v30;
	v11 =	vmul.f32 v11, v31;
	v36 =	vmov v43;
	[tilespmem:v10+s23+$0x0] =	vst.idx.msk $0xffff, v53;
	v40 =	vld.idx.msk [tilespmem:v40+s25+$0x0], $0xffff  }
0x1bf: {  	v47 =	vadd.s32 v6, v21;
	v44 =	vshll.u32 v39, $0xA;
	v39 =	vadd.s32 $0x10, v24;
	v43 =	vld.idx.msk [tilespmem:v55+s25+$0x0], $0xffff;
	[tilespmem:v49+s23+$0x0] =	vst.idx.msk $0xffff, v38  }
0x1c0: {  	v38 =	vadd.s32 v4, v34;
	[tilespmem:v42+s23+$0x0] =	vst.idx.msk $0xffff, v11;
	v11 =	vadd.s32 v9, v18;
	v42 =	vld.idx.msk [tilespmem:v48+s25+$0x0], $0xffff  }
0x1c1: {  	v23 =	vadd.s32 v9, v23;
	v49 =	vmul.f32 v51, v31;
	v51 =	vadd.s32 $0x60, v46;
	v18 =	vmovc v22;
	v48 =	vld.idx.msk [tilespmem:v54+s25+$0x0], $0xffff  }
0x1c2: {  	v55 =	vadd.s32 $0x60, v20;
	v22 =	vmovc v34;
	v34 =	vmovc v50;
	v52 =	vmul.f32 v52, v27;
	v54 =	vadd.s32 $0x10, v10;
	v53 =	vld [tilespmem:s3+$0xFFFFFFF0]  }
0x1c3: {  	v57 =	vadd.s32 v4, v45;
	v58 =	vadd.s32 $0x40, v19;
	v56 =	vadd.s32 v1, v34;
	v50 =	vld [tilespmem:s4+$0xFFFFFFF0];
	[tilespmem:v41+s23+$0x0] =	vst.idx.msk $0xffff, v49  }
0x1c4: {  	v59 =	vadd.s32 v1, v35;
	[tilespmem:v39+s23+$0x0] =	vst.idx.msk $0xffff, v52;
	v41 =	vld.idx.msk [tilespmem:v47+s25+$0x0], $0xffff;
	v39 =	vmul.f32 v40, v33  }
0x1c5: {  	v40 =	vadd.s32 v8, v18;
	v47 =	vld.idx.msk [tilespmem:v38+s25+$0x0], $0xffff;
	v38 =	vmul.f32 v43, v27;
	v43 =	vadd.s32 v7, v18  }
0x1c6: {  	v61 =	vadd.s32 v7, v21;
	v42 =	vmul.f32 v42, v33;
	v60 =	vld [tilespmem:s3+$0x0];
	[tilespmem:v51+s23+$0x0] =	vst.idx.msk $0xffff, v39;
	v39 =	vadd.s32 $0x70, v46  }
0x1c7: {  	v46 =	vmul.f32 v48, v32;
	[tilespmem:v54+s23+$0x0] =	vst.idx.msk $0xffff, v38;
	v54 =	vadd.s32 $0x40, v30;
	v11 =	vld.idx.msk [tilespmem:v11+s25+$0x0], $0xffff;
	v38 =	vadd.s32 $0x70, v20  }
0x1c8: {  	v62 =	vadd.s32 $0x20, v24;
	v49 =	vand.u32 $0xFFFFFFF8, v53;
	v20 =	vmovc v30;
	v50 =	vshll.u32 v50, $0xA;
	v48 =	vld.idx.msk [tilespmem:v57+s25+$0x0], $0xffff;
	[tilespmem:v55+s23+$0x0] =	vst.idx.msk $0xffff, v42  }
.Ltmp4:
0x1c9: {  	v52 =	vld.idx.msk [tilespmem:v56+s25+$0x0], $0xffff;
	v51 =	vadd.s32 v50, v49;
	v50 =	vadd.s32 v5, v22;
	[tilespmem:v58+s23+$0x0] =	vst.idx.msk $0xffff, v46;
	(pc) =	sbr.rel @p1 .LBB2_11-.Ltmp4, $4  }
0x1ca: {  	v30 =	vmovc v10;
	v46 =	vand.u32 $0x7, v53;
	v49 =	vadd.s32 $0x20, v10;
	v57 =	vmul.f32 v41, v32;
	v42 =	vld.idx.msk [tilespmem:v23+s25+$0x0], $0xffff;
	v23 =	vmovc v21  }
0x1cb: {  	v41 =	vor.u32 v46, v51;
	v10 =	vmul.f32 v47, v29;
	v21 =	vmovc v45;
	v55 =	vand.u32 $0x7, v60;
	v46 =	vld.idx.msk [tilespmem:v43+s25+$0x0], $0xffff  }
0x1cc: {  	v43 =	vadd.s32 $0x50, v41;
	v56 =	vand.u32 $0xFFFFFFF8, v60;
	v51 =	vadd.s32 v5, v21;
	v53 =	vld.idx.msk [tilespmem:v59+s25+$0x0], $0xffff;
	[tilespmem:v54+s23+$0x0] =	vst.idx.msk $0xffff, v57  }
0x1cd: {  	v54 =	vadd.s32 v3, v34;
	v45 =	vmul.f32 v11, v28;
	[tilespmem:v62+s23+$0x0] =	vst.idx.msk $0xffff, v10;
	v47 =	vld.idx.msk [tilespmem:v61+s25+$0x0], $0xffff  }
0x1ce: {  	v10 =	vadd.s32 v44, v56  }
0x1cf: {  	v44 =	vor.u32 v55, v10  }
0x1d0: {  	v10 =	vadd.s32 v3, v35  }
0x1d1: {  	v11 =	vmul.f32 v52, v25  }
0x1d2: {  	v60 =	vmul.f32 v53, v25  }
0x1d3: {  	[tilespmem:v41+s23+$0x0] =	vst.idx.msk $0xffff, v11  }
0x1d4: {  	v11 =	vld.idx.msk [tilespmem:v54+s25+$0x0], $0xffff;
	[tilespmem:v44+s23+$0x0] =	vst.idx.msk $0xffff, v60  }
0x1d5: {  	v10 =	vld.idx.msk [tilespmem:v10+s25+$0x0], $0xffff  }
0x1d6: {  	v61 =	vadd.s32 $0x10, v41  }
0x1d7: {  	v62 =	vadd.s32 v4, v34;
	v57 =	vadd.s32 $0x10, v44  }
0x1d8: {  	v58 =	vadd.s32 v4, v35  }
0x1d9: {  	v11 =	vmul.f32 v11, v27  }
0x1da: {  	v10 =	vmul.f32 v10, v27  }
0x1db: {  	[tilespmem:v61+s23+$0x0] =	vst.idx.msk $0xffff, v11  }
0x1dc: {  	v11 =	vld.idx.msk [tilespmem:v62+s25+$0x0], $0xffff;
	[tilespmem:v57+s23+$0x0] =	vst.idx.msk $0xffff, v10  }
0x1dd: {  	v10 =	vld.idx.msk [tilespmem:v58+s25+$0x0], $0xffff  }
0x1de: {  	v59 =	vadd.s32 $0x20, v41  }
0x1df: {  	v60 =	vadd.s32 v5, v34;
	v61 =	vadd.s32 $0x20, v44  }
0x1e0: {  	v48 =	vmul.f32 v48, v29;
	v62 =	vadd.s32 v5, v35  }
0x1e1: {  	v11 =	vmul.f32 v11, v29  }
0x1e2: {  	v50 =	vld.idx.msk [tilespmem:v50+s25+$0x0], $0xffff;
	[tilespmem:v49+s23+$0x0] =	vst.idx.msk $0xffff, v48;
	v10 =	vmul.f32 v10, v29  }
0x1e3: {  	v56 =	vld.idx.msk [tilespmem:v51+s25+$0x0], $0xffff;
	[tilespmem:v59+s23+$0x0] =	vst.idx.msk $0xffff, v11  }
0x1e4: {  	v11 =	vadd.s32 $0x30, v24;
	v25 =	vld.idx.msk [tilespmem:v60+s25+$0x0], $0xffff;
	[tilespmem:v61+s23+$0x0] =	vst.idx.msk $0xffff, v10  }
0x1e5: {  	v27 =	vadd.s32 $0x30, v30;
	v10 =	vadd.s32 v6, v22;
	v57 =	vld.idx.msk [tilespmem:v62+s25+$0x0], $0xffff  }
0x1e6: {  	v58 =	vadd.s32 v6, v21;
	v59 =	vadd.s32 $0x30, v41  }
0x1e7: {  	v50 =	vmul.f32 v50, v31;
	v60 =	vadd.s32 v6, v34;
	v61 =	vadd.s32 $0x30, v44  }
0x1e8: {  	v29 =	vmul.f32 v56, v31;
	v62 =	vadd.s32 v6, v35  }
0x1e9: {  	[tilespmem:v11+s23+$0x0] =	vst.idx.msk $0xffff, v50;
	v11 =	vmul.f32 v25, v31  }
0x1ea: {  	[tilespmem:v27+s23+$0x0] =	vst.idx.msk $0xffff, v29;
	v10 =	vld.idx.msk [tilespmem:v10+s25+$0x0], $0xffff;
	v56 =	vmul.f32 v57, v31  }
0x1eb: {  	v27 =	vld.idx.msk [tilespmem:v58+s25+$0x0], $0xffff;
	[tilespmem:v59+s23+$0x0] =	vst.idx.msk $0xffff, v11  }
0x1ec: {  	v11 =	vadd.s32 $0x40, v24;
	v29 =	vld.idx.msk [tilespmem:v60+s25+$0x0], $0xffff;
	[tilespmem:v61+s23+$0x0] =	vst.idx.msk $0xffff, v56  }
0x1ed: {  	v25 =	vadd.s32 v7, v22;
	v57 =	vadd.s32 $0x40, v30;
	v58 =	vld.idx.msk [tilespmem:v62+s25+$0x0], $0xffff  }
0x1ee: {  	v59 =	vadd.s32 v7, v21;
	v60 =	vadd.s32 $0x40, v41  }
0x1ef: {  	v61 =	vadd.s32 v7, v34;
	v62 =	vadd.s32 $0x40, v44;
	v10 =	vmul.f32 v10, v32  }
0x1f0: {  	v27 =	vmul.f32 v27, v32;
	v56 =	vadd.s32 v7, v35  }
0x1f1: {  	[tilespmem:v11+s23+$0x0] =	vst.idx.msk $0xffff, v10;
	v10 =	vmul.f32 v29, v32  }
0x1f2: {  	[tilespmem:v57+s23+$0x0] =	vst.idx.msk $0xffff, v27;
	v11 =	vld.idx.msk [tilespmem:v25+s25+$0x0], $0xffff;
	v57 =	vmul.f32 v58, v32  }
0x1f3: {  	v59 =	vld.idx.msk [tilespmem:v59+s25+$0x0], $0xffff;
	v58 =	vadd.s32 $0x50, v20;
	[tilespmem:v60+s23+$0x0] =	vst.idx.msk $0xffff, v10  }
0x1f4: {  	v10 =	vadd.s32 v8, v23;
	v60 =	vld.idx.msk [tilespmem:v61+s25+$0x0], $0xffff;
	[tilespmem:v62+s23+$0x0] =	vst.idx.msk $0xffff, v57  }
0x1f5: {  	v52 =	vadd.s32 $0x50, v30;
	v61 =	vmul.f32 v46, v26;
	v62 =	vadd.s32 v8, v22;
	v53 =	vld.idx.msk [tilespmem:v56+s25+$0x0], $0xffff  }
0x1f6: {  	v54 =	vadd.s32 v8, v21;
	v47 =	vmul.f32 v47, v26  }
0x1f7: {  	v55 =	vadd.s32 v8, v34;
	[tilespmem:v37+s23+$0x0] =	vst.idx.msk $0xffff, v61;
	v56 =	vadd.s32 $0x50, v44;
	v11 =	vmul.f32 v11, v26  }
0x1f8: {  	v57 =	vmul.f32 v59, v26;
	v40 =	vld.idx.msk [tilespmem:v40+s25+$0x0], $0xffff;
	[tilespmem:v58+s23+$0x0] =	vst.idx.msk $0xffff, v47;
	v58 =	vadd.s32 v8, v35  }
0x1f9: {  	v10 =	vld.idx.msk [tilespmem:v10+s25+$0x0], $0xffff;
	[tilespmem:v36+s23+$0x0] =	vst.idx.msk $0xffff, v11;
	v11 =	vmul.f32 v60, v26  }
0x1fa: {  	v59 =	vadd.s32 $0x60, v19;
	[tilespmem:v52+s23+$0x0] =	vst.idx.msk $0xffff, v57;
	v32 =	vld.idx.msk [tilespmem:v62+s25+$0x0], $0xffff;
	v60 =	vmul.f32 v53, v26  }
0x1fb: {  	v18 =	vadd.s32 v9, v18;
	v61 =	vadd.s32 $0x60, v20;
	v62 =	vld.idx.msk [tilespmem:v54+s25+$0x0], $0xffff;
	[tilespmem:v43+s23+$0x0] =	vst.idx.msk $0xffff, v11  }
0x1fc: {  	v46 =	vadd.s32 $0x60, v24;
	v11 =	vadd.s32 v9, v23;
	v25 =	vld.idx.msk [tilespmem:v55+s25+$0x0], $0xffff;
	[tilespmem:v56+s23+$0x0] =	vst.idx.msk $0xffff, v60  }
0x1fd: {  	v48 =	vadd.s32 v9, v22;
	v49 =	vadd.s32 $0x60, v30;
	v47 =	vmul.f32 v40, v33;
	v29 =	vld.idx.msk [tilespmem:v58+s25+$0x0], $0xffff  }
0x1fe: {  	v51 =	vadd.s32 $0x60, v41;
	v50 =	vadd.s32 v9, v21;
	v10 =	vmul.f32 v10, v33  }
0x1ff: {  	v54 =	vadd.s32 $0x60, v44;
	v53 =	vadd.s32 v9, v34;
	[tilespmem:v59+s23+$0x0] =	vst.idx.msk $0xffff, v47;
	v52 =	vmul.f32 v32, v33  }
0x200: {  	v55 =	vadd.s32 v9, v35;
	v18 =	vld.idx.msk [tilespmem:v18+s25+$0x0], $0xffff;
	[tilespmem:v61+s23+$0x0] =	vst.idx.msk $0xffff, v10;
	v10 =	vmul.f32 v62, v33  }
0x201: {  	v11 =	vld.idx.msk [tilespmem:v11+s25+$0x0], $0xffff;
	[tilespmem:v46+s23+$0x0] =	vst.idx.msk $0xffff, v52;
	v56 =	vmul.f32 v25, v33  }
0x202: {  	v19 =	vadd.s32 $0x70, v19;
	v22 =	vld.idx.msk [tilespmem:v48+s25+$0x0], $0xffff;
	[tilespmem:v49+s23+$0x0] =	vst.idx.msk $0xffff, v10;
	v10 =	vmul.f32 v29, v33  }
0x203: {  	v57 =	vadd.s32 $0x70, v20;
	v21 =	vld.idx.msk [tilespmem:v50+s25+$0x0], $0xffff;
	[tilespmem:v51+s23+$0x0] =	vst.idx.msk $0xffff, v56  }
0x204: {  	v58 =	vmul.f32 v42, v28;
	v59 =	vadd.s32 $0x70, v24;
	v60 =	vld.idx.msk [tilespmem:v53+s25+$0x0], $0xffff;
	[tilespmem:v54+s23+$0x0] =	vst.idx.msk $0xffff, v10  }
0x205: {  	[tilespmem:v39+s23+$0x0] =	vst.idx.msk $0xffff, v45;
	v10 =	vmul.f32 v18, v28;
	v18 =	vadd.s32 $0x70, v30;
	v61 =	vld.idx.msk [tilespmem:v55+s25+$0x0], $0xffff  }
0x206: {  	[tilespmem:v38+s23+$0x0] =	vst.idx.msk $0xffff, v58;
	v62 =	vadd.s32 $0x70, v41;
	v11 =	vmul.f32 v11, v28  }
0x207: {  	[tilespmem:v19+s23+$0x0] =	vst.idx.msk $0xffff, v10;
	v10 =	vmul.f32 v22, v28;
	v19 =	vadd.s32 $0x70, v44  }
0x208: {  	[tilespmem:v57+s23+$0x0] =	vst.idx.msk $0xffff, v11;
	v11 =	vmul.f32 v21, v28  }
0x209: {  	s0 =	sshll.u32 s31, $0x12;
	[tilespmem:v59+s23+$0x0] =	vst.idx.msk $0xffff, v10;
	v10 =	vmul.f32 v60, v28  }
0x20a: {  	s0 =	sor.u32 s9, s0;
	[tilespmem:v18+s23+$0x0] =	vst.idx.msk $0xffff, v11;
	v11 =	vmul.f32 v61, v28  }
0x20b: {  	s0 =	sshrl.u32 s0, $0x3;
	[tilespmem:v62+s23+$0x0] =	vst.idx.msk $0xffff, v10  }
0x20c: {  	s3 =	sadd.s32 s2, s0;
	[tilespmem:v19+s23+$0x0] =	vst.idx.msk $0xffff, v11  }
0x20d: {  	[hbm4b:s3+s5] =	stream.linear.scatter [tilespmem:s23], [sflag:$0x2], $0x400, $0x38;
	[tilespmem:$0x100A0] =	vst v63  }
0x20e: {  	s4 =	sadd.s32 s0, s10  }
0x20f: {  	[hbm4b:s4+s5] =	stream.linear.scatter [tilespmem:s1], [sflag:$0x2], $0x400, $0x38;
	[tilespmem:$0x100A0] =	vst v63  }
0x210: {  	s22 =	sadd.s32 s0, s11  }
0x211: {  	[hbm4b:s22+s5] =	stream.linear.scatter [tilespmem:s19], [sflag:$0x2], $0x400, $0x38;
	[tilespmem:$0x100A0] =	vst v63  }
0x212: {  	s31 =	sadd.s32 s0, s12  }
0x213: {  	[hbm4b:s31+s5] =	stream.linear.scatter [tilespmem:s21], [sflag:$0x2], $0x400, $0x38;
	[tilespmem:$0x100A0] =	vst v63  }
0x214: {  	s30 =	sadd.s32 $0x1, s30;
	s4 =	sadd.s32 s0, s13  }
0x215: {  	[hbm4b:s4+s5] =	stream.linear.scatter [tilespmem:s7], [sflag:$0x2], $0x400, $0x38;
	[tilespmem:$0x100A0] =	vst v63  }
0x216: {  	p1 =	sne.s32 s30, $0x64;
	s22 =	sadd.s32 s0, s14  }
0x217: {  	[hbm4b:s22+s5] =	stream.linear.scatter [tilespmem:s8], [sflag:$0x2], $0x400, $0x38;
	[tilespmem:$0x100A0] =	vst v63  }
.Ltmp5:
0x218: {  	_ = 	snop;
	(pc) =	sbr.rel @p1 .LBB2_8-.Ltmp5, $4  }
0x219: {  	s31 =	sadd.s32 s0, s15  }
0x21a: {  	[hbm4b:s31+s5] =	stream.linear.scatter [tilespmem:s17], [sflag:$0x2], $0x400, $0x38;
	[tilespmem:$0x100A0] =	vst v63  }
0x21b: {  	s0 =	sadd.s32 s0, s16  }
0x21c: {  	[hbm4b:s0+s5] =	stream.linear.scatter [tilespmem:s20], [sflag:$0x2], $0x400, $0x38;
	[tilespmem:$0x100A0] =	vst v63  }
0x21d: {  	_ =	swait.ge [sflag:s29], $0x400  }
0x21e: {  	[sflag:s29] =	ssyncset.done $0x0  }
0x21f: {  	[sflag:s29] =	ssyncadd.s32 $0xFFFFFC00  }
0x220: {  	_ =	swait.ge [sflag:s29], $0x400  }
0x221: {  	[sflag:s29] =	ssyncset.done $0x0  }
0x222: {  	[sflag:s29] =	ssyncadd.s32 $0xFFFFFC00  }
0x223: {  	_ =	swait.ge [sflag:s29], $0x400  }
0x224: {  	[sflag:s29] =	ssyncset.done $0x0  }
0x225: {  	[sflag:s29] =	ssyncadd.s32 $0xFFFFFC00  }
0x226: {  	_ =	swait.ge [sflag:s29], $0x400  }
0x227: {  	[sflag:s29] =	ssyncset.done $0x0  }
0x228: {  	[sflag:s29] =	ssyncadd.s32 $0xFFFFFC00  }
0x229: {  	_ =	swait.ge [sflag:s29], $0x400  }
0x22a: {  	[sflag:s29] =	ssyncset.done $0x0  }
0x22b: {  	[sflag:s29] =	ssyncadd.s32 $0xFFFFFC00  }
0x22c: {  	_ =	swait.ge [sflag:s29], $0x400  }
0x22d: {  	[sflag:s29] =	ssyncset.done $0x0  }
0x22e: {  	[sflag:s29] =	ssyncadd.s32 $0xFFFFFC00  }
0x22f: {  	_ =	swait.ge [sflag:s29], $0x400  }
0x230: {  	[sflag:s29] =	ssyncset.done $0x0  }
0x231: {  	[sflag:s29] =	ssyncadd.s32 $0xFFFFFC00  }
0x232: {  	_ =	swait.ge [sflag:s29], $0x400  }
0x233: {  	[sflag:s29] =	ssyncset.done $0x0  }
0x234: {  	[sflag:s29] =	ssyncadd.s32 $0xFFFFFC00  }
0x235: {  	_ =	swait.ge [sflag:s29], $0x400  }
0x236: {  	[sflag:s29] =	ssyncset.done $0x0  }
0x237: {  	[sflag:s29] =	ssyncadd.s32 $0xFFFFFC00  }
0x238: {  	_ =	swait.ge [sflag:s29], $0x400  }
0x239: {  	[sflag:s29] =	ssyncset.done $0x0  }
0x23a: {  	[sflag:s29] =	ssyncadd.s32 $0xFFFFFC00  }
0x23b: {  	_ =	swait.ge [sflag:s29], $0x400  }
0x23c: {  	[sflag:s29] =	ssyncset.done $0x0  }
0x23d: {  	[sflag:s29] =	ssyncadd.s32 $0xFFFFFC00  }
0x23e: {  	_ =	swait.ge [sflag:s29], $0x400  }
0x23f: {  	[sflag:s29] =	ssyncset.done $0x0  }
0x240: {  	[sflag:s29] =	ssyncadd.s32 $0xFFFFFC00  }
0x241: {  	_ =	swait.ge [sflag:s29], $0x400  }
0x242: {  	[sflag:s29] =	ssyncset.done $0x0  }
0x243: {  	[sflag:s29] =	ssyncadd.s32 $0xFFFFFC00  }
0x244: {  	_ =	swait.ge [sflag:s29], $0x400  }
0x245: {  	[sflag:s29] =	ssyncset.done $0x0  }
0x246: {  	[sflag:s29] =	ssyncadd.s32 $0xFFFFFC00  }
0x247: {  	_ =	swait.ge [sflag:s29], $0x400  }
0x248: {  	[sflag:s29] =	ssyncset.done $0x0  }
0x249: {  	[sflag:s29] =	ssyncadd.s32 $0xFFFFFC00  }
0x24a: {  	_ =	swait.ge [sflag:s29], $0x400  }
0x24b: {  	s3 =	rddreg [dreg:$0x8]  }
0x24c: {  	s0 =	rddreg [dreg:$0x7];
	s3 =	sadd.s32 $0x1, s3  }
0x24d: {  	p1 =	sne.s32 s3, s0  }
.Ltmp6:
0x24e: {  	_ = 	snop;
	(pc) =	sbr.rel @p1 .LBB2_1-.Ltmp6, $3  }
0x24f: {  	_ =	sdelay $0x1  }
0x250: {  	[sflag:s29] =	ssyncset.done $0x0  }
0x251: {  	[sflag:s29] =	ssyncadd.s32 $0xFFFFFC00  }
0x252: {  	_ =	sfence.sel $0x180000  }
0x253: {  	[bflag:$0x0] =	sbarrier.arrive $0xFFFF  }
0x254: {  	_ =	strace $0x90000047  }
0x255: {  	s0 =	stileid.u32;
	[bflag:$0x2] =	sbarrier.arrive $0xFFFF  }
0x256: {  	p0 =	sne.s32 s0, $0x0;
	s0 =	rddreg [dreg:$0x4]  }
0x257: {  	s0 =	sadd.s32 @!p0 $0x100000, s0  }
0x258: {  	[sflag:s0] =	ssyncadd.tile.s32 @!p0 $0x1;
	_ =	shalt  }
.Lfunc_end2:
_tile_overlayer_lowered:
.L_overlay_start_2:
0x259: {  	(tag) =	ssettag $0x2  }
0x25a: {  	s0 =	rddreg [dreg:$0x0];
	s2 =	stileid.u32  }
0x25b: {  	s1 =	rddreg [dreg:$0x1];
	p0 =	sne.s32 s2, $0x0  }
0x25c: {  	s3 =	rddreg [dreg:$0x2];
	[bflag:$0x3] =	sbarrier.arrive $0xFFFF;
	s2 =	simm.s32 @!p0 $0x1C03  }
0x25d: {  	[timem:s3], [sflag:s2] =	dma.local @!p0 [hbm:s0], s1  }
0x25e: {  	s0 =	simm.s32 @!p0 $0x3  }
0x25f: {  	_ =	swait.ge @!p0 [sflag:s0], s1  }
0x260: {  	s1 =	ssub.s32 @!p0 $0x0, s1;
	[sflag:s0] =	ssyncset.done @!p0 $0x0  }
0x261: {  	[sflag:s0] =	ssyncadd.s32 @!p0 s1  }
0x262: {  	[bflag:$0x3] =	sbarrier.arrive $0xFFFF  }
0x263: {  	_ =	shalt  }

</sc_bundles>
